<compile_context>
chip_gen: v7x
topology: tpu7x:2x2x1
jax: 0.10.2.dev20260603
libtpu: 0.0.44.dev20260713+nightly
codegen_flags: <defaults>
</compile_context>

<pallas_src>
import functools

import jax
import jax.numpy as jnp
from jax import lax
from jax.experimental import pallas as pl
from jax.experimental.pallas import tpu as pltpu
from jax.experimental.pallas import tpu_sc as plsc

N = 10000
NPAD = 10240
NCLS = 40
D = 64
NC, NS, L = 2, 16, 16
NW = NC * NS
CH = 128
RB = 512
NBLK = NPAD // RB

_mesh = functools.partial(
    plsc.VectorSubcoreMesh, core_axis_name="c", subcore_axis_name="s",
    num_cores=NC, num_subcores=NS)

_sc_params = pltpu.CompilerParams(needs_layout_passes=False,
                                  use_tc_tiling_on_sc=False)


def _make_sc_pass1(epw):
    cpg = epw // 16

    @functools.partial(
        pl.kernel,
        out_type=(
            jax.ShapeDtypeStruct((NW, NPAD), jnp.float32),
            jax.ShapeDtypeStruct((NW, NPAD), jnp.float32),
            jax.ShapeDtypeStruct((NW * epw,), jnp.int32),
        ),
        mesh=_mesh(),
        compiler_params=_sc_params,
        scratch_types=[
            pltpu.VMEM((epw,), jnp.int32),
            pltpu.VMEM((epw,), jnp.int32),
            pltpu.VMEM((epw,), jnp.float32),
            pltpu.VMEM((epw,), jnp.int32),
            pltpu.VMEM((NPAD,), jnp.float32),
            pltpu.VMEM((NPAD,), jnp.float32),
        ],
    )
    def sc_pass1(rowh, colh, eah, z1h, degp, cntp, colrh,
                 rv, cv, av, crv, dacc, cacc):
        wid = lax.axis_index("s") * NC + lax.axis_index("c")
        base = wid * epw
        pltpu.sync_copy(rowh.at[pl.ds(base, epw)], rv)
        pltpu.sync_copy(colh.at[pl.ds(base, epw)], cv)
        pltpu.sync_copy(eah.at[pl.ds(base, epw)], av)
        pltpu.sync_copy(z1h, dacc)
        pltpu.sync_copy(z1h, cacc)

        def body(g, carry):
            sl = pl.ds(g * 16, 16)
            r = rv[sl]
            c = cv[sl]
            a = av[sl]
            k = r != c
            plsc.addupdate_scatter(dacc, [c], jnp.where(k, jnp.abs(a), 0.0))
            plsc.addupdate_scatter(cacc, [c], jnp.where(k, 1.0, 0.0))
            crv[sl] = jnp.where(k, c, N)
            return carry

        lax.fori_loop(0, cpg, body, 0)
        pltpu.sync_copy(dacc, degp.at[wid])
        pltpu.sync_copy(cacc, cntp.at[wid])
        pltpu.sync_copy(crv, colrh.at[pl.ds(base, epw)])

    return sc_pass1


def _make_sc_pass2(epw):
    cpg = epw // 16

    @functools.partial(
        pl.kernel,
        out_type=jax.ShapeDtypeStruct((NW, NPAD), jnp.float32),
        mesh=_mesh(),
        compiler_params=_sc_params,
        scratch_types=[
            pltpu.VMEM((epw,), jnp.int32),
            pltpu.VMEM((epw,), jnp.int32),
            pltpu.VMEM((epw,), jnp.float32),
            pltpu.VMEM((NPAD,), jnp.float32),
            pltpu.VMEM((NPAD,), jnp.float32),
        ],
    )
    def sc_pass2(rowh, colh, eah, dinvh, z1h, partp, rv, cv, av, dv, pacc):
        wid = lax.axis_index("s") * NC + lax.axis_index("c")
        base = wid * epw
        pltpu.sync_copy(rowh.at[pl.ds(base, epw)], rv)
        pltpu.sync_copy(colh.at[pl.ds(base, epw)], cv)
        pltpu.sync_copy(eah.at[pl.ds(base, epw)], av)
        pltpu.sync_copy(dinvh, dv)
        pltpu.sync_copy(z1h, pacc)

        def body(g, carry):
            sl = pl.ds(g * 16, 16)
            r = rv[sl]
            c = cv[sl]
            a = av[sl]
            k = r != c
            dr = plsc.load_gather(dv, [r])
            plsc.addupdate_scatter(pacc, [c],
                                   jnp.where(k, jnp.abs(a), 0.0) * dr)
            return carry

        lax.fori_loop(0, cpg, body, 0)
        pltpu.sync_copy(pacc, partp.at[wid])

    return sc_pass2


def _make_sc_agg(cpw):
    rows_per_sub = NPAD // NS

    @functools.partial(
        pl.kernel,
        out_type=jax.ShapeDtypeStruct((NC, NPAD, D), jnp.bfloat16),
        mesh=_mesh(),
        compiler_params=_sc_params,
        scratch_types=[
            pltpu.VMEM((cpw, CH), jnp.int32),
            pltpu.VMEM((cpw, CH), jnp.int32),
            pltpu.VMEM((CH, D), jnp.bfloat16),
            pltpu.VMEM((CH, D), jnp.bfloat16),
            pltpu.VMEM_SHARED((NPAD, D), jnp.bfloat16),
            pltpu.SemaphoreType.DMA,
            pltpu.SemaphoreType.DMA,
        ],
    )
    def sc_agg(hh, rowh2, colh2, z2h, aggout, rv2, cv2, buf0, buf1, acc,
               sg0, sg1):
        c = lax.axis_index("c")
        s = lax.axis_index("s")
        wid = s * NC + c
        pltpu.sync_copy(z2h, acc.at[pl.ds(s * rows_per_sub, rows_per_sub)])
        pltpu.sync_copy(rowh2.at[pl.ds(wid * cpw, cpw)], rv2)
        pltpu.sync_copy(colh2.at[pl.ds(wid * cpw, cpw)], cv2)
        plsc.subcore_barrier()

        pltpu.async_copy(hh.at[rv2.at[0]], buf0, sg0)

        def body(jj, carry):
            j0 = 2 * jj
            pltpu.async_copy(hh.at[rv2.at[j0 + 1]], buf1, sg1)
            pltpu.make_async_copy(hh.at[rv2.at[j0]], buf0, sg0).wait()
            pltpu.sync_copy(buf0, acc.at[cv2.at[j0]], add=True)

            @pl.when(j0 + 2 < cpw)
            def _():
                pltpu.async_copy(hh.at[rv2.at[j0 + 2]], buf0, sg0)

            pltpu.make_async_copy(hh.at[rv2.at[j0 + 1]], buf1, sg1).wait()
            pltpu.sync_copy(buf1, acc.at[cv2.at[j0 + 1]], add=True)
            return carry

        lax.fori_loop(0, cpw // 2, body, 0)
        plsc.subcore_barrier()
        sl = pl.ds(s * rows_per_sub, rows_per_sub)
        pltpu.sync_copy(acc.at[sl], aggout.at[c, sl])

    return sc_agg


def _t1_body(degp_ref, cntp_ref, dinv_ref, cnt_ref):
    dsum = jnp.sum(degp_ref[...], axis=0) + 1.0
    csum = jnp.sum(cntp_ref[...], axis=0) + 1.0
    dinv_ref[...] = lax.rsqrt(dsum)[:, None]
    cnt_ref[...] = csum[:, None]


def _t2_body(partp_ref, dinv_ref, sew_ref):
    psum = jnp.sum(partp_ref[...], axis=0)[:, None]
    dv = dinv_ref[...]
    sew_ref[...] = dv * (psum + dv)


def _mm_body(z_ref, w_ref, h_ref, hb_ref):
    h = jnp.dot(z_ref[...], w_ref[...], preferred_element_type=jnp.float32)
    h_ref[...] = h
    hb_ref[...] = h.astype(jnp.bfloat16)


def _comb_body(h_ref, agg_ref, cnt_ref, sew_ref, a_ref, b_ref, w_ref,
               lb_ref, bb_ref, wn_ref, o_ref, ob_ref):
    i = pl.program_id(0)
    h = h_ref[...]
    at = (agg_ref[0] + agg_ref[1]).astype(jnp.float32) + h
    t = jnp.dot(h, a_ref[...], preferred_element_type=jnp.float32) + lb_ref[...]
    u = jnp.dot(at, b_ref[...], preferred_element_type=jnp.float32)
    o = cnt_ref[...] * t + u + sew_ref[...] * w_ref[...] + bb_ref[...]
    rows = i * RB + lax.broadcasted_iota(jnp.int32, (RB, 1), 0)
    o = jnp.maximum(jnp.where(rows < N, o, 0.0), 0.0)
    hn = jnp.dot(o, wn_ref[...], preferred_element_type=jnp.float32)
    o_ref[...] = hn
    ob_ref[...] = hn.astype(jnp.bfloat16)


def _comb_last_body(h_ref, agg_ref, cnt_ref, sew_ref, a_ref, b_ref, w_ref,
                    lb_ref, bb_ref, acc_ref):
    i = pl.program_id(0)
    h = h_ref[...]
    at = (agg_ref[0] + agg_ref[1]).astype(jnp.float32) + h
    t = jnp.dot(h, a_ref[...], preferred_element_type=jnp.float32) + lb_ref[...]
    u = jnp.dot(at, b_ref[...], preferred_element_type=jnp.float32)
    o = cnt_ref[...] * t + u + sew_ref[...] * w_ref[...] + bb_ref[...]
    rows = i * RB + lax.broadcasted_iota(jnp.int32, (RB, 1), 0)
    o = jnp.where(rows < N, o, 0.0)

    @pl.when(i == 0)
    def _():
        acc_ref[...] = jnp.zeros_like(acc_ref)

    acc_ref[...] += jnp.sum(o, axis=0, keepdims=True)

    @pl.when(i == NBLK - 1)
    def _():
        g = acc_ref[...] / jnp.float32(N)
        lane = lax.broadcasted_iota(jnp.int32, (1, D), 1)
        m = lane < NCLS
        gm = jnp.where(m, g, -1e30)
        mx = jnp.max(gm, axis=1, keepdims=True)
        ex = jnp.where(m, jnp.exp(gm - mx), 0.0)
        ls = jnp.log(jnp.sum(ex, axis=1, keepdims=True))
        acc_ref[...] = gm - mx - ls


def _pad2(a, r, c):
    return jnp.zeros((r, c), a.dtype).at[:a.shape[0], :a.shape[1]].set(a)


def kernel(x, edge_index, edge_attr, edge_flag, batch,
           W0, lin_W0, lin_b0, b0,
           W1, lin_W1, lin_b1, b1,
           W2, lin_W2, lin_b2, b2):
    e = edge_index.shape[1]
    epw = ((e + NW * 8 * CH - 1) // (NW * 8 * CH)) * 8 * CH
    epad = NW * epw
    cpw = epw // CH

    row = edge_index[0].astype(jnp.int32)
    col = edge_index[1].astype(jnp.int32)
    pad_e = epad - e
    rowp = jnp.concatenate([row, jnp.full((pad_e,), N, jnp.int32)])
    colp = jnp.concatenate([col, jnp.full((pad_e,), N, jnp.int32)])
    eap = jnp.concatenate([edge_attr, jnp.zeros((pad_e,), jnp.float32)])
    xp = jnp.zeros((NPAD, x.shape[1]), jnp.float32).at[:N].set(x)
    z1 = jnp.zeros((NPAD,), jnp.float32)
    z2 = jnp.zeros((NPAD // NS, D), jnp.bfloat16)

    degp, cntp, colr = _make_sc_pass1(epw)(rowp, colp, eap, z1)
    bl = 2048
    dinv, cnt = pl.pallas_call(
        _t1_body,
        grid=(NPAD // bl,),
        in_specs=[pl.BlockSpec((NW, bl), lambda i: (0, i)),
                  pl.BlockSpec((NW, bl), lambda i: (0, i))],
        out_specs=[pl.BlockSpec((bl, 1), lambda i: (i, 0)),
                   pl.BlockSpec((bl, 1), lambda i: (i, 0))],
        out_shape=[jax.ShapeDtypeStruct((NPAD, 1), jnp.float32),
                   jax.ShapeDtypeStruct((NPAD, 1), jnp.float32)],
    )(degp, cntp)
    dinv1 = dinv.reshape(NPAD)
    partp = _make_sc_pass2(epw)(rowp, colp, eap, dinv1, z1)
    sew = pl.pallas_call(
        _t2_body,
        grid=(NPAD // bl,),
        in_specs=[pl.BlockSpec((NW, bl), lambda i: (0, i)),
                  pl.BlockSpec((bl, 1), lambda i: (i, 0))],
        out_specs=pl.BlockSpec((bl, 1), lambda i: (i, 0)),
        out_shape=jax.ShapeDtypeStruct((NPAD, 1), jnp.float32),
    )(partp, dinv)

    rowp2 = rowp.reshape(NW * cpw, CH)
    colr2 = colr.reshape(NW * cpw, CH)
    sc_agg = _make_sc_agg(cpw)

    def prep(Wl, lWl, lbl, bbl):
        dout = Wl.shape[1]
        return (_pad2(Wl, Wl.shape[0], D),
                _pad2(lWl[:dout], D, D),
                _pad2(lWl[dout:2 * dout], D, D),
                _pad2(lWl[2 * dout][None, :], 1, D),
                _pad2(lbl[None, :], 1, D),
                _pad2(bbl[None, :], 1, D))

    params = [prep(W0, lin_W0, lin_b0, b0),
              prep(W1, lin_W1, lin_b1, b1),
              prep(W2, lin_W2, lin_b2, b2)]

    def mm(z, W):
        din = z.shape[1]
        return pl.pallas_call(
            _mm_body,
            grid=(NBLK,),
            in_specs=[pl.BlockSpec((RB, din), lambda i: (i, 0)),
                      pl.BlockSpec((din, D), lambda i: (0, 0))],
            out_specs=[pl.BlockSpec((RB, D), lambda i: (i, 0)),
                       pl.BlockSpec((RB, D), lambda i: (i, 0))],
            out_shape=[jax.ShapeDtypeStruct((NPAD, D), jnp.float32),
                       jax.ShapeDtypeStruct((NPAD, D), jnp.bfloat16)],
        )(z, W)

    def comb(h, agg, A, B, w, lb, bb, Wnext):
        last = Wnext is None
        body = _comb_last_body if last else _comb_body
        if last:
            out_spec = pl.BlockSpec((1, D), lambda i: (0, 0))
            out_shape = jax.ShapeDtypeStruct((1, D), jnp.float32)
        else:
            out_spec = [pl.BlockSpec((RB, D), lambda i: (i, 0)),
                        pl.BlockSpec((RB, D), lambda i: (i, 0))]
            out_shape = [jax.ShapeDtypeStruct((NPAD, D), jnp.float32),
                         jax.ShapeDtypeStruct((NPAD, D), jnp.bfloat16)]
        in_specs = [pl.BlockSpec((RB, D), lambda i: (i, 0)),
                    pl.BlockSpec((NC, RB, D), lambda i: (0, i, 0)),
                    pl.BlockSpec((RB, 1), lambda i: (i, 0)),
                    pl.BlockSpec((RB, 1), lambda i: (i, 0)),
                    pl.BlockSpec((D, D), lambda i: (0, 0)),
                    pl.BlockSpec((D, D), lambda i: (0, 0)),
                    pl.BlockSpec((1, D), lambda i: (0, 0)),
                    pl.BlockSpec((1, D), lambda i: (0, 0)),
                    pl.BlockSpec((1, D), lambda i: (0, 0))]
        args = [h, agg, cnt, sew, A, B, w, lb, bb]
        if not last:
            in_specs.append(pl.BlockSpec((D, D), lambda i: (0, 0)))
            args.append(Wnext)
        return pl.pallas_call(
            body,
            grid=(NBLK,),
            in_specs=in_specs,
            out_specs=out_spec,
            out_shape=out_shape,
        )(*args)

    h, hb = mm(xp, params[0][0])
    for li, (Wl, A, B, w, lb, bb) in enumerate(params):
        agg = sc_agg(hb, rowp2, colr2, z2)
        wnext = params[li + 1][0] if li < 2 else None
        h = comb(h, agg, A, B, w, lb, bb, wnext)
        if li < 2:
            h, hb = h

    return h[:, :NCLS]

# --- scband reference (transcript-rebuilt; emitter-appended) ---
"""Pipeline reference for scband-ibgconv-76106820485776 (READ-ONLY COPY).

The authoritative reference and input builder live on the scoring server;
editing this copy changes nothing except your own understanding.
"""

import jax, jax.numpy as jnp
import numpy as np

N = 10000
E = 320000
D_IN = 128
HID = 64
NCLS = 40
DIMS = [(D_IN, HID), (HID, HID), (HID, NCLS)]


def _glorot(key, fan_in, fan_out):
    limit = float(np.sqrt(6.0 / (fan_in + fan_out)))
    return jax.random.uniform(key, (fan_in, fan_out), dtype=jnp.float32, minval=-limit, maxval=limit)


def setup_inputs(seed: int = 0) -> dict:
    key = jax.random.key(seed)
    ks = jax.random.split(key, 20)
    inp = {}
    inp['x'] = jax.random.normal(ks[0], (N, D_IN), dtype=jnp.float32)
    inp['edge_index'] = jax.random.randint(ks[1], (2, E), 0, N, dtype=jnp.int32).astype(jnp.int64)
    inp['edge_attr'] = jax.random.normal(ks[2], (E,), dtype=jnp.float32)
    inp['edge_flag'] = jnp.ones((E,), dtype=jnp.bool_)
    inp['batch'] = jnp.zeros((N,), dtype=jnp.int32)
    for i, (din, dout) in enumerate(DIMS):
        inp['W%d' % i] = _glorot(ks[3 + 4 * i], din, dout)
        inp['lin_W%d' % i] = _glorot(ks[4 + 4 * i], 2 * dout + 1, dout)
        inp['lin_b%d' % i] = jnp.zeros((dout,), dtype=jnp.float32)
        inp['b%d' % i] = jnp.zeros((dout,), dtype=jnp.float32)
    return inp


def _gcn_norm(edge_index, edge_attr):
    # self loops masked out: weight 0 so degree sums match edge removal exactly
    keep = edge_index[0] != edge_index[1]
    ea_e = jnp.where(keep, edge_attr, jnp.zeros((), dtype=edge_attr.dtype))
    loop = jnp.arange(N, dtype=edge_index.dtype)
    row = jnp.concatenate([edge_index[0], loop])
    col = jnp.concatenate([edge_index[1], loop])
    ea = jnp.concatenate([ea_e, jnp.ones((N,), dtype=ea_e.dtype)])
    mask = jnp.concatenate([keep, jnp.ones((N,), dtype=jnp.bool_)])
    deg = jax.ops.segment_sum(ea, col, num_segments=N)
    deg_inv_sqrt = jnp.where(deg > 0, deg ** -0.5, 0.0)
    ew = deg_inv_sqrt[row] * ea * deg_inv_sqrt[col]
    return row, col, ew, mask


def _conv(z, row, col, ew, mask, W, lin_W, lin_b, b):
    h = z @ W
    # message: lin(cat([x_i, x_j, edge_weight])) ; x_i = h[col] (target), x_j = h[row] (source)
    msg = jnp.concatenate([h[col], h[row], ew[:, None]], axis=1) @ lin_W + lin_b
    msg = jnp.where(mask[:, None], msg, jnp.zeros((), dtype=msg.dtype))
    out = jax.ops.segment_sum(msg, col, num_segments=N) + b
    return out


def reference(x, edge_index, edge_attr, edge_flag, batch,
              W0, lin_W0, lin_b0, b0,
              W1, lin_W1, lin_b1, b1,
              W2, lin_W2, lin_b2, b2):
    ea = jnp.abs(edge_attr)  # edge_attr[edge_attr < 0] = -edge_attr[...]
    row, col, ew, mask = _gcn_norm(edge_index, ea)
    params = [(W0, lin_W0, lin_b0, b0), (W1, lin_W1, lin_b1, b1), (W2, lin_W2, lin_b2, b2)]
    z = x
    for i, (W, lW, lb, b) in enumerate(params):
        z = _conv(z, row, col, ew, mask, W, lW, lb, b)
        if i != len(params) - 1:
            z = jax.nn.relu(z)  # dropout is identity in eval mode
    # global mean pool over batch (single graph: batch all zeros)
    num_graphs = 1
    s = jax.ops.segment_sum(z, batch, num_segments=num_graphs)
    cnt = jax.ops.segment_sum(jnp.ones((N,), dtype=z.dtype), batch, num_segments=num_graphs)
    g = s / cnt[:, None]
    return jax.nn.log_softmax(g, axis=-1)

if __name__ == "__main__":
    import jax
    _d = setup_inputs()
    print(jax.jit(kernel)(*tuple(_d.values())))

</pallas_src>

<mosaic_0001>
#map = affine_map<(d0, d1) -> (0)>
#map1 = affine_map<(d0, d1) -> (0, 0)>
module attributes {stable_mosaic.version = 14 : i64} {
  func.func @sc_pass2(%arg0: i32, %arg1: i32, %arg2: memref<327680xi32, #tpu.memory_space<hbm>>, %arg3: memref<327680xi32, #tpu.memory_space<hbm>>, %arg4: memref<327680xf32, #tpu.memory_space<hbm>>, %arg5: memref<10240xf32, #tpu.memory_space<hbm>>, %arg6: memref<10240xf32, #tpu.memory_space<hbm>>, %arg7: memref<32x10240xf32, #tpu.memory_space<hbm>>, %arg8: memref<10240xi32, #tpu.memory_space<vmem>>, %arg9: memref<10240xi32, #tpu.memory_space<vmem>>, %arg10: memref<10240xf32, #tpu.memory_space<vmem>>, %arg11: memref<10240xf32, #tpu.memory_space<vmem>>, %arg12: memref<10240xf32, #tpu.memory_space<vmem>>) attributes {dimension_semantics = [#tpu.dimension_semantics<core_parallel>, #tpu.dimension_semantics<subcore_parallel>], iteration_bounds = array<i64: 2, 16>, scalar_prefetch = 0 : i64, scratch_operands = 5 : i64, tpu.core_type = #tpu.core_type<sc_vector_subcore>, window_params = [{transform_indices = #map}, {transform_indices = #map}, {transform_indices = #map}, {transform_indices = #map}, {transform_indices = #map}, {transform_indices = #map1}]} {
    %mul3A = arith.constant 2 : i32
    %mul3A_0 = arith.muli %arg1, %mul3A : i32
    %add3A = arith.addi %mul3A_0, %arg0 : i32
    %mul3A_1 = arith.constant 10240 : i32
    %mul3A_2 = arith.muli %add3A, %mul3A_1 : i32
    "tpu.region"() ({
      %run_scoped3A = tpu.sem_alloc : memref<!tpu.dma_semaphore, #tpu.memory_space<semaphore_mem>>
      %dma_start3A = tpu.memref_slice %arg2[%mul3A_2] : memref<327680xi32, #tpu.memory_space<hbm>> -> memref<10240xi32, #tpu.memory_space<hbm>>
      %dma_start3A_8 = tpu.memref_slice %arg2[%mul3A_2] : memref<327680xi32, #tpu.memory_space<hbm>> -> memref<10240xi32, #tpu.memory_space<hbm>>
      tpu.enqueue_dma source(%dma_start3A_8 : memref<10240xi32, #tpu.memory_space<hbm>>) target(%arg8 : memref<10240xi32, #tpu.memory_space<vmem>>) target_semaphore(%run_scoped3A : memref<!tpu.dma_semaphore, #tpu.memory_space<semaphore_mem>>)
      %dma_wait3A = tpu.memref_slice %arg2[%mul3A_2] : memref<327680xi32, #tpu.memory_space<hbm>> -> memref<10240xi32, #tpu.memory_space<hbm>>
      %dma_wait3A_9 = tpu.memref_slice %arg2[%mul3A_2] : memref<327680xi32, #tpu.memory_space<hbm>> -> memref<10240xi32, #tpu.memory_space<hbm>>
      tpu.wait_dma2 semaphore(%run_scoped3A : memref<!tpu.dma_semaphore, #tpu.memory_space<semaphore_mem>>) src(%dma_wait3A_9 : memref<10240xi32, #tpu.memory_space<hbm>>) dst(%arg8 : memref<10240xi32, #tpu.memory_space<vmem>>)
      tpu.yield
    }) : () -> ()
    "tpu.region"() ({
      %run_scoped3A = tpu.sem_alloc : memref<!tpu.dma_semaphore, #tpu.memory_space<semaphore_mem>>
      %dma_start3A = tpu.memref_slice %arg3[%mul3A_2] : memref<327680xi32, #tpu.memory_space<hbm>> -> memref<10240xi32, #tpu.memory_space<hbm>>
      %dma_start3A_8 = tpu.memref_slice %arg3[%mul3A_2] : memref<327680xi32, #tpu.memory_space<hbm>> -> memref<10240xi32, #tpu.memory_space<hbm>>
      tpu.enqueue_dma source(%dma_start3A_8 : memref<10240xi32, #tpu.memory_space<hbm>>) target(%arg9 : memref<10240xi32, #tpu.memory_space<vmem>>) target_semaphore(%run_scoped3A : memref<!tpu.dma_semaphore, #tpu.memory_space<semaphore_mem>>)
      %dma_wait3A = tpu.memref_slice %arg3[%mul3A_2] : memref<327680xi32, #tpu.memory_space<hbm>> -> memref<10240xi32, #tpu.memory_space<hbm>>
      %dma_wait3A_9 = tpu.memref_slice %arg3[%mul3A_2] : memref<327680xi32, #tpu.memory_space<hbm>> -> memref<10240xi32, #tpu.memory_space<hbm>>
      tpu.wait_dma2 semaphore(%run_scoped3A : memref<!tpu.dma_semaphore, #tpu.memory_space<semaphore_mem>>) src(%dma_wait3A_9 : memref<10240xi32, #tpu.memory_space<hbm>>) dst(%arg9 : memref<10240xi32, #tpu.memory_space<vmem>>)
      tpu.yield
    }) : () -> ()
    "tpu.region"() ({
      %run_scoped3A = tpu.sem_alloc : memref<!tpu.dma_semaphore, #tpu.memory_space<semaphore_mem>>
      %dma_start3A = tpu.memref_slice %arg4[%mul3A_2] : memref<327680xf32, #tpu.memory_space<hbm>> -> memref<10240xf32, #tpu.memory_space<hbm>>
      %dma_start3A_8 = tpu.memref_slice %arg4[%mul3A_2] : memref<327680xf32, #tpu.memory_space<hbm>> -> memref<10240xf32, #tpu.memory_space<hbm>>
      tpu.enqueue_dma source(%dma_start3A_8 : memref<10240xf32, #tpu.memory_space<hbm>>) target(%arg10 : memref<10240xf32, #tpu.memory_space<vmem>>) target_semaphore(%run_scoped3A : memref<!tpu.dma_semaphore, #tpu.memory_space<semaphore_mem>>)
      %dma_wait3A = tpu.memref_slice %arg4[%mul3A_2] : memref<327680xf32, #tpu.memory_space<hbm>> -> memref<10240xf32, #tpu.memory_space<hbm>>
      %dma_wait3A_9 = tpu.memref_slice %arg4[%mul3A_2] : memref<327680xf32, #tpu.memory_space<hbm>> -> memref<10240xf32, #tpu.memory_space<hbm>>
      tpu.wait_dma2 semaphore(%run_scoped3A : memref<!tpu.dma_semaphore, #tpu.memory_space<semaphore_mem>>) src(%dma_wait3A_9 : memref<10240xf32, #tpu.memory_space<hbm>>) dst(%arg10 : memref<10240xf32, #tpu.memory_space<vmem>>)
      tpu.yield
    }) : () -> ()
    "tpu.region"() ({
      %run_scoped3A = tpu.sem_alloc : memref<!tpu.dma_semaphore, #tpu.memory_space<semaphore_mem>>
      tpu.enqueue_dma source(%arg5 : memref<10240xf32, #tpu.memory_space<hbm>>) target(%arg11 : memref<10240xf32, #tpu.memory_space<vmem>>) target_semaphore(%run_scoped3A : memref<!tpu.dma_semaphore, #tpu.memory_space<semaphore_mem>>)
      tpu.wait_dma2 semaphore(%run_scoped3A : memref<!tpu.dma_semaphore, #tpu.memory_space<semaphore_mem>>) src(%arg5 : memref<10240xf32, #tpu.memory_space<hbm>>) dst(%arg11 : memref<10240xf32, #tpu.memory_space<vmem>>)
      tpu.yield
    }) : () -> ()
    "tpu.region"() ({
      %run_scoped3A = tpu.sem_alloc : memref<!tpu.dma_semaphore, #tpu.memory_space<semaphore_mem>>
      tpu.enqueue_dma source(%arg6 : memref<10240xf32, #tpu.memory_space<hbm>>) target(%arg12 : memref<10240xf32, #tpu.memory_space<vmem>>) target_semaphore(%run_scoped3A : memref<!tpu.dma_semaphore, #tpu.memory_space<semaphore_mem>>)
      tpu.wait_dma2 semaphore(%run_scoped3A : memref<!tpu.dma_semaphore, #tpu.memory_space<semaphore_mem>>) src(%arg6 : memref<10240xf32, #tpu.memory_space<hbm>>) dst(%arg12 : memref<10240xf32, #tpu.memory_space<vmem>>)
      tpu.yield
    }) : () -> ()
    %scan3A = arith.constant 0 : i32
    %scan3A_3 = arith.constant 0 : i32
    %scan3A_4 = arith.constant 640 : i32
    %scan3A_5 = arith.addi %scan3A_3, %scan3A_4 : i32
    %scan3A_6 = arith.constant 1 : i32
    scf.for %scan3A_8 = %scan3A_3 to %scan3A_5 step %scan3A_6  : i32 {
      %mul3A_9 = arith.constant 16 : i32
      %mul3A_10 = arith.muli %scan3A_8, %mul3A_9 : i32
      %get3A = arith.index_cast %mul3A_10 : i32 to index
      %get3A_11 = tpu.vector_load %arg8[%get3A] {strides = array<i32>} : memref<10240xi32, #tpu.memory_space<vmem>>, vector<16xi32>,
      %get3A_12 = arith.index_cast %mul3A_10 : i32 to index
      %get3A_13 = tpu.vector_load %arg9[%get3A_12] {strides = array<i32>} : memref<10240xi32, #tpu.memory_space<vmem>>, vector<16xi32>,
      %get3A_14 = arith.index_cast %mul3A_10 : i32 to index
      %get3A_15 = tpu.vector_load %arg10[%get3A_14] {strides = array<i32>} : memref<10240xf32, #tpu.memory_space<vmem>>, vector<16xf32>,
      %ne3A = arith.cmpi ne, %get3A_11, %get3A_13 : vector<16xi32>
      %gather3A = tpu.vector_load_idx %arg11[%get3A_11] : memref<10240xf32, #tpu.memory_space<vmem>>[vector<16xi32>], vector<16xf32>,
      %abs3A = math.absf %get3A_15 : vector<16xf32>
      %jit3A = arith.constant 0.000000e+00 : f32
      %broadcast_in_dim3A = vector.broadcast %jit3A : f32 to vector<16xf32>
      %select_n3A = arith.select %ne3A, %abs3A, %broadcast_in_dim3A : vector<16xi1>, vector<16xf32>
      %mul3A_16 = arith.mulf %select_n3A, %gather3A : vector<16xf32>
      tpu.vector_store_idx %arg12[%get3A_13], %mul3A_16 {add = true} : memref<10240xf32, #tpu.memory_space<vmem>>[vector<16xi32>], vector<16xf32>,
    }
    %scan3A_7 = arith.constant 640 : i32
    "tpu.region"() ({
      %run_scoped3A = tpu.sem_alloc : memref<!tpu.dma_semaphore, #tpu.memory_space<semaphore_mem>>
      %dma_start3A = arith.constant 0 : i32
      %dma_start3A_8 = tpu.memref_slice %arg7[%add3A, %dma_start3A] : memref<32x10240xf32, #tpu.memory_space<hbm>> -> memref<1x10240xf32, #tpu.memory_space<hbm>>
      %dma_start3A_9 = tpu.memref_squeeze %dma_start3A_8 : memref<1x10240xf32, #tpu.memory_space<hbm>> -> memref<10240xf32, #tpu.memory_space<hbm>>
      %dma_start3A_10 = arith.constant 0 : i32
      %dma_start3A_11 = tpu.memref_slice %arg7[%add3A, %dma_start3A_10] : memref<32x10240xf32, #tpu.memory_space<hbm>> -> memref<1x10240xf32, #tpu.memory_space<hbm>>
      %dma_start3A_12 = tpu.memref_squeeze %dma_start3A_11 : memref<1x10240xf32, #tpu.memory_space<hbm>> -> memref<10240xf32, #tpu.memory_space<hbm>>
      tpu.enqueue_dma source(%arg12 : memref<10240xf32, #tpu.memory_space<vmem>>) target(%dma_start3A_12 : memref<10240xf32, #tpu.memory_space<hbm>>) target_semaphore(%run_scoped3A : memref<!tpu.dma_semaphore, #tpu.memory_space<semaphore_mem>>)
      %dma_wait3A = arith.constant 0 : i32
      %dma_wait3A_13 = tpu.memref_slice %arg7[%add3A, %dma_wait3A] : memref<32x10240xf32, #tpu.memory_space<hbm>> -> memref<1x10240xf32, #tpu.memory_space<hbm>>
      %dma_wait3A_14 = tpu.memref_squeeze %dma_wait3A_13 : memref<1x10240xf32, #tpu.memory_space<hbm>> -> memref<10240xf32, #tpu.memory_space<hbm>>
      %dma_wait3A_15 = arith.constant 0 : i32
      %dma_wait3A_16 = tpu.memref_slice %arg7[%add3A, %dma_wait3A_15] : memref<32x10240xf32, #tpu.memory_space<hbm>> -> memref<1x10240xf32, #tpu.memory_space<hbm>>
      %dma_wait3A_17 = tpu.memref_squeeze %dma_wait3A_16 : memref<1x10240xf32, #tpu.memory_space<hbm>> -> memref<10240xf32, #tpu.memory_space<hbm>>
      tpu.wait_dma2 semaphore(%run_scoped3A : memref<!tpu.dma_semaphore, #tpu.memory_space<semaphore_mem>>) src(%arg12 : memref<10240xf32, #tpu.memory_space<vmem>>) dst(%dma_wait3A_17 : memref<10240xf32, #tpu.memory_space<hbm>>)
      tpu.yield
    }) : () -> ()
    return
  }
}

#map = affine_map<(d0, d1) -> (0)>
#map1 = affine_map<(d0, d1) -> (0, 0)>
module attributes {stable_mosaic.version = 14 : i64} {
  func.func @sc_pass1(%arg0: i32, %arg1: i32, %arg2: memref<327680xi32, #tpu.memory_space<hbm>>, %arg3: memref<327680xi32, #tpu.memory_space<hbm>>, %arg4: memref<327680xf32, #tpu.memory_space<hbm>>, %arg5: memref<10240xf32, #tpu.memory_space<hbm>>, %arg6: memref<32x10240xf32, #tpu.memory_space<hbm>>, %arg7: memref<32x10240xf32, #tpu.memory_space<hbm>>, %arg8: memref<327680xi32, #tpu.memory_space<hbm>>, %arg9: memref<10240xi32, #tpu.memory_space<vmem>>, %arg10: memref<10240xi32, #tpu.memory_space<vmem>>, %arg11: memref<10240xf32, #tpu.memory_space<vmem>>, %arg12: memref<10240xi32, #tpu.memory_space<vmem>>, %arg13: memref<10240xf32, #tpu.memory_space<vmem>>, %arg14: memref<10240xf32, #tpu.memory_space<vmem>>) attributes {dimension_semantics = [#tpu.dimension_semantics<core_parallel>, #tpu.dimension_semantics<subcore_parallel>], iteration_bounds = array<i64: 2, 16>, scalar_prefetch = 0 : i64, scratch_operands = 6 : i64, tpu.core_type = #tpu.core_type<sc_vector_subcore>, window_params = [{transform_indices = #map}, {transform_indices = #map}, {transform_indices = #map}, {transform_indices = #map}, {transform_indices = #map1}, {transform_indices = #map1}, {transform_indices = #map}]} {
    %mul3A = arith.constant 2 : i32
    %mul3A_0 = arith.muli %arg1, %mul3A : i32
    %add3A = arith.addi %mul3A_0, %arg0 : i32
    %mul3A_1 = arith.constant 10240 : i32
    %mul3A_2 = arith.muli %add3A, %mul3A_1 : i32
    "tpu.region"() ({
      %run_scoped3A = tpu.sem_alloc : memref<!tpu.dma_semaphore, #tpu.memory_space<semaphore_mem>>
      %dma_start3A = tpu.memref_slice %arg2[%mul3A_2] : memref<327680xi32, #tpu.memory_space<hbm>> -> memref<10240xi32, #tpu.memory_space<hbm>>
      %dma_start3A_8 = tpu.memref_slice %arg2[%mul3A_2] : memref<327680xi32, #tpu.memory_space<hbm>> -> memref<10240xi32, #tpu.memory_space<hbm>>
      tpu.enqueue_dma source(%dma_start3A_8 : memref<10240xi32, #tpu.memory_space<hbm>>) target(%arg9 : memref<10240xi32, #tpu.memory_space<vmem>>) target_semaphore(%run_scoped3A : memref<!tpu.dma_semaphore, #tpu.memory_space<semaphore_mem>>)
      %dma_wait3A = tpu.memref_slice %arg2[%mul3A_2] : memref<327680xi32, #tpu.memory_space<hbm>> -> memref<10240xi32, #tpu.memory_space<hbm>>
      %dma_wait3A_9 = tpu.memref_slice %arg2[%mul3A_2] : memref<327680xi32, #tpu.memory_space<hbm>> -> memref<10240xi32, #tpu.memory_space<hbm>>
      tpu.wait_dma2 semaphore(%run_scoped3A : memref<!tpu.dma_semaphore, #tpu.memory_space<semaphore_mem>>) src(%dma_wait3A_9 : memref<10240xi32, #tpu.memory_space<hbm>>) dst(%arg9 : memref<10240xi32, #tpu.memory_space<vmem>>)
      tpu.yield
    }) : () -> ()
    "tpu.region"() ({
      %run_scoped3A = tpu.sem_alloc : memref<!tpu.dma_semaphore, #tpu.memory_space<semaphore_mem>>
      %dma_start3A = tpu.memref_slice %arg3[%mul3A_2] : memref<327680xi32, #tpu.memory_space<hbm>> -> memref<10240xi32, #tpu.memory_space<hbm>>
      %dma_start3A_8 = tpu.memref_slice %arg3[%mul3A_2] : memref<327680xi32, #tpu.memory_space<hbm>> -> memref<10240xi32, #tpu.memory_space<hbm>>
      tpu.enqueue_dma source(%dma_start3A_8 : memref<10240xi32, #tpu.memory_space<hbm>>) target(%arg10 : memref<10240xi32, #tpu.memory_space<vmem>>) target_semaphore(%run_scoped3A : memref<!tpu.dma_semaphore, #tpu.memory_space<semaphore_mem>>)
      %dma_wait3A = tpu.memref_slice %arg3[%mul3A_2] : memref<327680xi32, #tpu.memory_space<hbm>> -> memref<10240xi32, #tpu.memory_space<hbm>>
      %dma_wait3A_9 = tpu.memref_slice %arg3[%mul3A_2] : memref<327680xi32, #tpu.memory_space<hbm>> -> memref<10240xi32, #tpu.memory_space<hbm>>
      tpu.wait_dma2 semaphore(%run_scoped3A : memref<!tpu.dma_semaphore, #tpu.memory_space<semaphore_mem>>) src(%dma_wait3A_9 : memref<10240xi32, #tpu.memory_space<hbm>>) dst(%arg10 : memref<10240xi32, #tpu.memory_space<vmem>>)
      tpu.yield
    }) : () -> ()
    "tpu.region"() ({
      %run_scoped3A = tpu.sem_alloc : memref<!tpu.dma_semaphore, #tpu.memory_space<semaphore_mem>>
      %dma_start3A = tpu.memref_slice %arg4[%mul3A_2] : memref<327680xf32, #tpu.memory_space<hbm>> -> memref<10240xf32, #tpu.memory_space<hbm>>
      %dma_start3A_8 = tpu.memref_slice %arg4[%mul3A_2] : memref<327680xf32, #tpu.memory_space<hbm>> -> memref<10240xf32, #tpu.memory_space<hbm>>
      tpu.enqueue_dma source(%dma_start3A_8 : memref<10240xf32, #tpu.memory_space<hbm>>) target(%arg11 : memref<10240xf32, #tpu.memory_space<vmem>>) target_semaphore(%run_scoped3A : memref<!tpu.dma_semaphore, #tpu.memory_space<semaphore_mem>>)
      %dma_wait3A = tpu.memref_slice %arg4[%mul3A_2] : memref<327680xf32, #tpu.memory_space<hbm>> -> memref<10240xf32, #tpu.memory_space<hbm>>
      %dma_wait3A_9 = tpu.memref_slice %arg4[%mul3A_2] : memref<327680xf32, #tpu.memory_space<hbm>> -> memref<10240xf32, #tpu.memory_space<hbm>>
      tpu.wait_dma2 semaphore(%run_scoped3A : memref<!tpu.dma_semaphore, #tpu.memory_space<semaphore_mem>>) src(%dma_wait3A_9 : memref<10240xf32, #tpu.memory_space<hbm>>) dst(%arg11 : memref<10240xf32, #tpu.memory_space<vmem>>)
      tpu.yield
    }) : () -> ()
    "tpu.region"() ({
      %run_scoped3A = tpu.sem_alloc : memref<!tpu.dma_semaphore, #tpu.memory_space<semaphore_mem>>
      tpu.enqueue_dma source(%arg5 : memref<10240xf32, #tpu.memory_space<hbm>>) target(%arg13 : memref<10240xf32, #tpu.memory_space<vmem>>) target_semaphore(%run_scoped3A : memref<!tpu.dma_semaphore, #tpu.memory_space<semaphore_mem>>)
      tpu.wait_dma2 semaphore(%run_scoped3A : memref<!tpu.dma_semaphore, #tpu.memory_space<semaphore_mem>>) src(%arg5 : memref<10240xf32, #tpu.memory_space<hbm>>) dst(%arg13 : memref<10240xf32, #tpu.memory_space<vmem>>)
      tpu.yield
    }) : () -> ()
    "tpu.region"() ({
      %run_scoped3A = tpu.sem_alloc : memref<!tpu.dma_semaphore, #tpu.memory_space<semaphore_mem>>
      tpu.enqueue_dma source(%arg5 : memref<10240xf32, #tpu.memory_space<hbm>>) target(%arg14 : memref<10240xf32, #tpu.memory_space<vmem>>) target_semaphore(%run_scoped3A : memref<!tpu.dma_semaphore, #tpu.memory_space<semaphore_mem>>)
      tpu.wait_dma2 semaphore(%run_scoped3A : memref<!tpu.dma_semaphore, #tpu.memory_space<semaphore_mem>>) src(%arg5 : memref<10240xf32, #tpu.memory_space<hbm>>) dst(%arg14 : memref<10240xf32, #tpu.memory_space<vmem>>)
      tpu.yield
    }) : () -> ()
    %scan3A = arith.constant 0 : i32
    %scan3A_3 = arith.constant 0 : i32
    %scan3A_4 = arith.constant 640 : i32
    %scan3A_5 = arith.addi %scan3A_3, %scan3A_4 : i32
    %scan3A_6 = arith.constant 1 : i32
    scf.for %scan3A_8 = %scan3A_3 to %scan3A_5 step %scan3A_6  : i32 {
      %mul3A_9 = arith.constant 16 : i32
      %mul3A_10 = arith.muli %scan3A_8, %mul3A_9 : i32
      %get3A = arith.index_cast %mul3A_10 : i32 to index
      %get3A_11 = tpu.vector_load %arg9[%get3A] {strides = array<i32>} : memref<10240xi32, #tpu.memory_space<vmem>>, vector<16xi32>,
      %get3A_12 = arith.index_cast %mul3A_10 : i32 to index
      %get3A_13 = tpu.vector_load %arg10[%get3A_12] {strides = array<i32>} : memref<10240xi32, #tpu.memory_space<vmem>>, vector<16xi32>,
      %get3A_14 = arith.index_cast %mul3A_10 : i32 to index
      %get3A_15 = tpu.vector_load %arg11[%get3A_14] {strides = array<i32>} : memref<10240xf32, #tpu.memory_space<vmem>>, vector<16xf32>,
      %ne3A = arith.cmpi ne, %get3A_11, %get3A_13 : vector<16xi32>
      %abs3A = math.absf %get3A_15 : vector<16xf32>
      %jit3A = arith.constant 0.000000e+00 : f32
      %broadcast_in_dim3A = vector.broadcast %jit3A : f32 to vector<16xf32>
      %select_n3A = arith.select %ne3A, %abs3A, %broadcast_in_dim3A : vector<16xi1>, vector<16xf32>
      tpu.vector_store_idx %arg13[%get3A_13], %select_n3A {add = true} : memref<10240xf32, #tpu.memory_space<vmem>>[vector<16xi32>], vector<16xf32>,
      %jit3A_16 = arith.constant 1.000000e+00 : f32
      %jit3A_17 = arith.constant 0.000000e+00 : f32
      %broadcast_in_dim3A_18 = vector.broadcast %jit3A_16 : f32 to vector<16xf32>
      %broadcast_in_dim3A_19 = vector.broadcast %jit3A_17 : f32 to vector<16xf32>
      %select_n3A_20 = arith.select %ne3A, %broadcast_in_dim3A_18, %broadcast_in_dim3A_19 : vector<16xi1>, vector<16xf32>
      tpu.vector_store_idx %arg14[%get3A_13], %select_n3A_20 {add = true} : memref<10240xf32, #tpu.memory_space<vmem>>[vector<16xi32>], vector<16xf32>,
      %jit3A_21 = arith.constant 10000 : i32
      %broadcast_in_dim3A_22 = vector.broadcast %jit3A_21 : i32 to vector<16xi32>
      %select_n3A_23 = arith.select %ne3A, %get3A_13, %broadcast_in_dim3A_22 : vector<16xi1>, vector<16xi32>
      %swap3A = arith.index_cast %mul3A_10 : i32 to index
      %swap3A_24 = tpu.vector_load %arg12[%swap3A] {strides = array<i32>} : memref<10240xi32, #tpu.memory_space<vmem>>, vector<16xi32>,
      tpu.vector_store %arg12[%swap3A], %select_n3A_23 {strides = array<i32>} : memref<10240xi32, #tpu.memory_space<vmem>>, vector<16xi32>,
    }
    %scan3A_7 = arith.constant 640 : i32
    "tpu.region"() ({
      %run_scoped3A = tpu.sem_alloc : memref<!tpu.dma_semaphore, #tpu.memory_space<semaphore_mem>>
      %dma_start3A = arith.constant 0 : i32
      %dma_start3A_8 = tpu.memref_slice %arg6[%add3A, %dma_start3A] : memref<32x10240xf32, #tpu.memory_space<hbm>> -> memref<1x10240xf32, #tpu.memory_space<hbm>>
      %dma_start3A_9 = tpu.memref_squeeze %dma_start3A_8 : memref<1x10240xf32, #tpu.memory_space<hbm>> -> memref<10240xf32, #tpu.memory_space<hbm>>
      %dma_start3A_10 = arith.constant 0 : i32
      %dma_start3A_11 = tpu.memref_slice %arg6[%add3A, %dma_start3A_10] : memref<32x10240xf32, #tpu.memory_space<hbm>> -> memref<1x10240xf32, #tpu.memory_space<hbm>>
      %dma_start3A_12 = tpu.memref_squeeze %dma_start3A_11 : memref<1x10240xf32, #tpu.memory_space<hbm>> -> memref<10240xf32, #tpu.memory_space<hbm>>
      tpu.enqueue_dma source(%arg13 : memref<10240xf32, #tpu.memory_space<vmem>>) target(%dma_start3A_12 : memref<10240xf32, #tpu.memory_space<hbm>>) target_semaphore(%run_scoped3A : memref<!tpu.dma_semaphore, #tpu.memory_space<semaphore_mem>>)
      %dma_wait3A = arith.constant 0 : i32
      %dma_wait3A_13 = tpu.memref_slice %arg6[%add3A, %dma_wait3A] : memref<32x10240xf32, #tpu.memory_space<hbm>> -> memref<1x10240xf32, #tpu.memory_space<hbm>>
      %dma_wait3A_14 = tpu.memref_squeeze %dma_wait3A_13 : memref<1x10240xf32, #tpu.memory_space<hbm>> -> memref<10240xf32, #tpu.memory_space<hbm>>
      %dma_wait3A_15 = arith.constant 0 : i32
      %dma_wait3A_16 = tpu.memref_slice %arg6[%add3A, %dma_wait3A_15] : memref<32x10240xf32, #tpu.memory_space<hbm>> -> memref<1x10240xf32, #tpu.memory_space<hbm>>
      %dma_wait3A_17 = tpu.memref_squeeze %dma_wait3A_16 : memref<1x10240xf32, #tpu.memory_space<hbm>> -> memref<10240xf32, #tpu.memory_space<hbm>>
      tpu.wait_dma2 semaphore(%run_scoped3A : memref<!tpu.dma_semaphore, #tpu.memory_space<semaphore_mem>>) src(%arg13 : memref<10240xf32, #tpu.memory_space<vmem>>) dst(%dma_wait3A_17 : memref<10240xf32, #tpu.memory_space<hbm>>)
      tpu.yield
    }) : () -> ()
    "tpu.region"() ({
      %run_scoped3A = tpu.sem_alloc : memref<!tpu.dma_semaphore, #tpu.memory_space<semaphore_mem>>
      %dma_start3A = arith.constant 0 : i32
      %dma_start3A_8 = tpu.memref_slice %arg7[%add3A, %dma_start3A] : memref<32x10240xf32, #tpu.memory_space<hbm>> -> memref<1x10240xf32, #tpu.memory_space<hbm>>
      %dma_start3A_9 = tpu.memref_squeeze %dma_start3A_8 : memref<1x10240xf32, #tpu.memory_space<hbm>> -> memref<10240xf32, #tpu.memory_space<hbm>>
      %dma_start3A_10 = arith.constant 0 : i32
      %dma_start3A_11 = tpu.memref_slice %arg7[%add3A, %dma_start3A_10] : memref<32x10240xf32, #tpu.memory_space<hbm>> -> memref<1x10240xf32, #tpu.memory_space<hbm>>
      %dma_start3A_12 = tpu.memref_squeeze %dma_start3A_11 : memref<1x10240xf32, #tpu.memory_space<hbm>> -> memref<10240xf32, #tpu.memory_space<hbm>>
      tpu.enqueue_dma source(%arg14 : memref<10240xf32, #tpu.memory_space<vmem>>) target(%dma_start3A_12 : memref<10240xf32, #tpu.memory_space<hbm>>) target_semaphore(%run_scoped3A : memref<!tpu.dma_semaphore, #tpu.memory_space<semaphore_mem>>)
      %dma_wait3A = arith.constant 0 : i32
      %dma_wait3A_13 = tpu.memref_slice %arg7[%add3A, %dma_wait3A] : memref<32x10240xf32, #tpu.memory_space<hbm>> -> memref<1x10240xf32, #tpu.memory_space<hbm>>
      %dma_wait3A_14 = tpu.memref_squeeze %dma_wait3A_13 : memref<1x10240xf32, #tpu.memory_space<hbm>> -> memref<10240xf32, #tpu.memory_space<hbm>>
      %dma_wait3A_15 = arith.constant 0 : i32
      %dma_wait3A_16 = tpu.memref_slice %arg7[%add3A, %dma_wait3A_15] : memref<32x10240xf32, #tpu.memory_space<hbm>> -> memref<1x10240xf32, #tpu.memory_space<hbm>>
      %dma_wait3A_17 = tpu.memref_squeeze %dma_wait3A_16 : memref<1x10240xf32, #tpu.memory_space<hbm>> -> memref<10240xf32, #tpu.memory_space<hbm>>
      tpu.wait_dma2 semaphore(%run_scoped3A : memref<!tpu.dma_semaphore, #tpu.memory_space<semaphore_mem>>) src(%arg14 : memref<10240xf32, #tpu.memory_space<vmem>>) dst(%dma_wait3A_17 : memref<10240xf32, #tpu.memory_space<hbm>>)
      tpu.yield
    }) : () -> ()
    "tpu.region"() ({
      %run_scoped3A = tpu.sem_alloc : memref<!tpu.dma_semaphore, #tpu.memory_space<semaphore_mem>>
      %dma_start3A = tpu.memref_slice %arg8[%mul3A_2] : memref<327680xi32, #tpu.memory_space<hbm>> -> memref<10240xi32, #tpu.memory_space<hbm>>
      %dma_start3A_8 = tpu.memref_slice %arg8[%mul3A_2] : memref<327680xi32, #tpu.memory_space<hbm>> -> memref<10240xi32, #tpu.memory_space<hbm>>
      tpu.enqueue_dma source(%arg12 : memref<10240xi32, #tpu.memory_space<vmem>>) target(%dma_start3A_8 : memref<10240xi32, #tpu.memory_space<hbm>>) target_semaphore(%run_scoped3A : memref<!tpu.dma_semaphore, #tpu.memory_space<semaphore_mem>>)
      %dma_wait3A = tpu.memref_slice %arg8[%mul3A_2] : memref<327680xi32, #tpu.memory_space<hbm>> -> memref<10240xi32, #tpu.memory_space<hbm>>
      %dma_wait3A_9 = tpu.memref_slice %arg8[%mul3A_2] : memref<327680xi32, #tpu.memory_space<hbm>> -> memref<10240xi32, #tpu.memory_space<hbm>>
      tpu.wait_dma2 semaphore(%run_scoped3A : memref<!tpu.dma_semaphore, #tpu.memory_space<semaphore_mem>>) src(%arg12 : memref<10240xi32, #tpu.memory_space<vmem>>) dst(%dma_wait3A_9 : memref<10240xi32, #tpu.memory_space<hbm>>)
      tpu.yield
    }) : () -> ()
    return
  }
}

#map = affine_map<(d0, d1) -> (0, 0)>
#map1 = affine_map<(d0, d1) -> (0, 0, 0)>
module attributes {stable_mosaic.version = 14 : i64} {
  func.func @sc_agg(%arg0: i32, %arg1: i32, %arg2: memref<10240x64xbf16, #tpu.memory_space<hbm>>, %arg3: memref<2560x128xi32, #tpu.memory_space<hbm>>, %arg4: memref<2560x128xi32, #tpu.memory_space<hbm>>, %arg5: memref<640x64xbf16, #tpu.memory_space<hbm>>, %arg6: memref<2x10240x64xbf16, #tpu.memory_space<hbm>>, %arg7: memref<80x128xi32, #tpu.memory_space<vmem>>, %arg8: memref<80x128xi32, #tpu.memory_space<vmem>>, %arg9: memref<128x64xbf16, #tpu.memory_space<vmem>>, %arg10: memref<128x64xbf16, #tpu.memory_space<vmem>>, %arg11: memref<10240x64xbf16, #tpu.memory_space<vmem_shared>>, %arg12: memref<!tpu.dma_semaphore, #tpu.memory_space<semaphore_mem>>, %arg13: memref<!tpu.dma_semaphore, #tpu.memory_space<semaphore_mem>>) attributes {dimension_semantics = [#tpu.dimension_semantics<core_parallel>, #tpu.dimension_semantics<subcore_parallel>], iteration_bounds = array<i64: 2, 16>, scalar_prefetch = 0 : i64, scratch_operands = 7 : i64, tpu.core_type = #tpu.core_type<sc_vector_subcore>, window_params = [{transform_indices = #map}, {transform_indices = #map}, {transform_indices = #map}, {transform_indices = #map}, {transform_indices = #map1}]} {
    %mul3A = arith.constant 2 : i32
    %mul3A_0 = arith.muli %arg1, %mul3A : i32
    %add3A = arith.addi %mul3A_0, %arg0 : i32
    %mul3A_1 = arith.constant 640 : i32
    %mul3A_2 = arith.muli %arg1, %mul3A_1 : i32
    "tpu.region"() ({
      %run_scoped3A = tpu.sem_alloc : memref<!tpu.dma_semaphore, #tpu.memory_space<semaphore_mem>>
      %dma_start3A_21 = arith.constant 0 : i32
      %dma_start3A_22 = tpu.memref_slice %arg11[%mul3A_2, %dma_start3A_21] : memref<10240x64xbf16, #tpu.memory_space<vmem_shared>> -> memref<640x64xbf16, #tpu.memory_space<vmem_shared>>
      tpu.enqueue_dma source(%arg5 : memref<640x64xbf16, #tpu.memory_space<hbm>>) target(%dma_start3A_22 : memref<640x64xbf16, #tpu.memory_space<vmem_shared>>) target_semaphore(%run_scoped3A : memref<!tpu.dma_semaphore, #tpu.memory_space<semaphore_mem>>)
      %dma_wait3A = arith.constant 0 : i32
      %dma_wait3A_23 = tpu.memref_slice %arg11[%mul3A_2, %dma_wait3A] : memref<10240x64xbf16, #tpu.memory_space<vmem_shared>> -> memref<640x64xbf16, #tpu.memory_space<vmem_shared>>
      tpu.wait_dma2 semaphore(%run_scoped3A : memref<!tpu.dma_semaphore, #tpu.memory_space<semaphore_mem>>) src(%arg5 : memref<640x64xbf16, #tpu.memory_space<hbm>>) dst(%dma_wait3A_23 : memref<640x64xbf16, #tpu.memory_space<vmem_shared>>)
      tpu.yield
    }) : () -> ()
    %mul3A_3 = arith.constant 80 : i32
    %mul3A_4 = arith.muli %add3A, %mul3A_3 : i32
    "tpu.region"() ({
      %run_scoped3A = tpu.sem_alloc : memref<!tpu.dma_semaphore, #tpu.memory_space<semaphore_mem>>
      %dma_start3A_21 = arith.constant 0 : i32
      %dma_start3A_22 = tpu.memref_slice %arg3[%mul3A_4, %dma_start3A_21] : memref<2560x128xi32, #tpu.memory_space<hbm>> -> memref<80x128xi32, #tpu.memory_space<hbm>>
      %dma_start3A_23 = arith.constant 0 : i32
      %dma_start3A_24 = tpu.memref_slice %arg3[%mul3A_4, %dma_start3A_23] : memref<2560x128xi32, #tpu.memory_space<hbm>> -> memref<80x128xi32, #tpu.memory_space<hbm>>
      tpu.enqueue_dma source(%dma_start3A_24 : memref<80x128xi32, #tpu.memory_space<hbm>>) target(%arg7 : memref<80x128xi32, #tpu.memory_space<vmem>>) target_semaphore(%run_scoped3A : memref<!tpu.dma_semaphore, #tpu.memory_space<semaphore_mem>>)
      %dma_wait3A = arith.constant 0 : i32
      %dma_wait3A_25 = tpu.memref_slice %arg3[%mul3A_4, %dma_wait3A] : memref<2560x128xi32, #tpu.memory_space<hbm>> -> memref<80x128xi32, #tpu.memory_space<hbm>>
      %dma_wait3A_26 = arith.constant 0 : i32
      %dma_wait3A_27 = tpu.memref_slice %arg3[%mul3A_4, %dma_wait3A_26] : memref<2560x128xi32, #tpu.memory_space<hbm>> -> memref<80x128xi32, #tpu.memory_space<hbm>>
      tpu.wait_dma2 semaphore(%run_scoped3A : memref<!tpu.dma_semaphore, #tpu.memory_space<semaphore_mem>>) src(%dma_wait3A_27 : memref<80x128xi32, #tpu.memory_space<hbm>>) dst(%arg7 : memref<80x128xi32, #tpu.memory_space<vmem>>)
      tpu.yield
    }) : () -> ()
    %mul3A_5 = arith.constant 80 : i32
    %mul3A_6 = arith.muli %add3A, %mul3A_5 : i32
    "tpu.region"() ({
      %run_scoped3A = tpu.sem_alloc : memref<!tpu.dma_semaphore, #tpu.memory_space<semaphore_mem>>
      %dma_start3A_21 = arith.constant 0 : i32
      %dma_start3A_22 = tpu.memref_slice %arg4[%mul3A_6, %dma_start3A_21] : memref<2560x128xi32, #tpu.memory_space<hbm>> -> memref<80x128xi32, #tpu.memory_space<hbm>>
      %dma_start3A_23 = arith.constant 0 : i32
      %dma_start3A_24 = tpu.memref_slice %arg4[%mul3A_6, %dma_start3A_23] : memref<2560x128xi32, #tpu.memory_space<hbm>> -> memref<80x128xi32, #tpu.memory_space<hbm>>
      tpu.enqueue_dma source(%dma_start3A_24 : memref<80x128xi32, #tpu.memory_space<hbm>>) target(%arg8 : memref<80x128xi32, #tpu.memory_space<vmem>>) target_semaphore(%run_scoped3A : memref<!tpu.dma_semaphore, #tpu.memory_space<semaphore_mem>>)
      %dma_wait3A = arith.constant 0 : i32
      %dma_wait3A_25 = tpu.memref_slice %arg4[%mul3A_6, %dma_wait3A] : memref<2560x128xi32, #tpu.memory_space<hbm>> -> memref<80x128xi32, #tpu.memory_space<hbm>>
      %dma_wait3A_26 = arith.constant 0 : i32
      %dma_wait3A_27 = tpu.memref_slice %arg4[%mul3A_6, %dma_wait3A_26] : memref<2560x128xi32, #tpu.memory_space<hbm>> -> memref<80x128xi32, #tpu.memory_space<hbm>>
      tpu.wait_dma2 semaphore(%run_scoped3A : memref<!tpu.dma_semaphore, #tpu.memory_space<semaphore_mem>>) src(%dma_wait3A_27 : memref<80x128xi32, #tpu.memory_space<hbm>>) dst(%arg8 : memref<80x128xi32, #tpu.memory_space<vmem>>)
      tpu.yield
    }) : () -> ()
    %barrier3A = arith.constant 0 : index
    tpu.barrier barrier_id(%barrier3A)
    %dma_start3A = arith.constant 0 : i32
    %dma_start3A_7 = arith.constant 0 : i32
    %dma_start3A_8 = tpu.memref_slice %arg7[%dma_start3A, %dma_start3A_7] : memref<80x128xi32, #tpu.memory_space<vmem>> -> memref<1x128xi32, #tpu.memory_space<vmem>>
    %dma_start3A_9 = tpu.memref_squeeze %dma_start3A_8 : memref<1x128xi32, #tpu.memory_space<vmem>> -> memref<128xi32, #tpu.memory_space<vmem>>
    %dma_start3A_10 = arith.constant 0 : i32
    %dma_start3A_11 = arith.constant 0 : i32
    %dma_start3A_12 = tpu.memref_slice %arg2[%dma_start3A_10, %dma_start3A_11] : memref<10240x64xbf16, #tpu.memory_space<hbm>> -> memref<10240x64xbf16, #tpu.memory_space<hbm>>
    tpu.enqueue_indirect_dma source(%dma_start3A_12 : memref<10240x64xbf16, #tpu.memory_space<hbm>>) target(%arg9 : memref<128x64xbf16, #tpu.memory_space<vmem>>) offsets(%dma_start3A_9 : memref<128xi32, #tpu.memory_space<vmem>>) semaphore(%arg12 : memref<!tpu.dma_semaphore, #tpu.memory_space<semaphore_mem>>)
    %scan3A = arith.constant 0 : i32
    %scan3A_13 = arith.constant 0 : i32
    %scan3A_14 = arith.constant 40 : i32
    %scan3A_15 = arith.addi %scan3A_13, %scan3A_14 : i32
    %scan3A_16 = arith.constant 1 : i32
    scf.for %scan3A_21 = %scan3A_13 to %scan3A_15 step %scan3A_16  : i32 {
      %mul3A_22 = arith.constant 2 : i32
      %mul3A_23 = arith.muli %mul3A_22, %scan3A_21 : i32
      %add3A_24 = arith.constant 1 : i32
      %add3A_25 = arith.addi %mul3A_23, %add3A_24 : i32
      %dma_start3A_26 = arith.constant 0 : i32
      %dma_start3A_27 = tpu.memref_slice %arg7[%add3A_25, %dma_start3A_26] : memref<80x128xi32, #tpu.memory_space<vmem>> -> memref<1x128xi32, #tpu.memory_space<vmem>>
      %dma_start3A_28 = tpu.memref_squeeze %dma_start3A_27 : memref<1x128xi32, #tpu.memory_space<vmem>> -> memref<128xi32, #tpu.memory_space<vmem>>
      %dma_start3A_29 = arith.constant 0 : i32
      %dma_start3A_30 = arith.constant 0 : i32
      %dma_start3A_31 = tpu.memref_slice %arg2[%dma_start3A_29, %dma_start3A_30] : memref<10240x64xbf16, #tpu.memory_space<hbm>> -> memref<10240x64xbf16, #tpu.memory_space<hbm>>
      tpu.enqueue_indirect_dma source(%dma_start3A_31 : memref<10240x64xbf16, #tpu.memory_space<hbm>>) target(%arg10 : memref<128x64xbf16, #tpu.memory_space<vmem>>) offsets(%dma_start3A_28 : memref<128xi32, #tpu.memory_space<vmem>>) semaphore(%arg13 : memref<!tpu.dma_semaphore, #tpu.memory_space<semaphore_mem>>)
      %dma_wait3A = arith.constant 0 : i32
      %dma_wait3A_32 = tpu.memref_slice %arg7[%mul3A_23, %dma_wait3A] : memref<80x128xi32, #tpu.memory_space<vmem>> -> memref<1x128xi32, #tpu.memory_space<vmem>>
      %dma_wait3A_33 = tpu.memref_squeeze %dma_wait3A_32 : memref<1x128xi32, #tpu.memory_space<vmem>> -> memref<128xi32, #tpu.memory_space<vmem>>
      %dma_wait3A_34 = arith.constant 0 : i32
      %dma_wait3A_35 = arith.constant 0 : i32
      %dma_wait3A_36 = tpu.memref_slice %arg2[%dma_wait3A_34, %dma_wait3A_35] : memref<10240x64xbf16, #tpu.memory_space<hbm>> -> memref<10240x64xbf16, #tpu.memory_space<hbm>>
      tpu.wait_indirect_dma semaphore(%arg12 : memref<!tpu.dma_semaphore, #tpu.memory_space<semaphore_mem>>) src(%dma_wait3A_36 : memref<10240x64xbf16, #tpu.memory_space<hbm>>) dst(%arg9 : memref<128x64xbf16, #tpu.memory_space<vmem>>)
      "tpu.region"() ({
        %run_scoped3A = tpu.sem_alloc : memref<!tpu.dma_semaphore, #tpu.memory_space<semaphore_mem>>
        %dma_start3A_51 = arith.constant 0 : i32
        %dma_start3A_52 = tpu.memref_slice %arg8[%mul3A_23, %dma_start3A_51] : memref<80x128xi32, #tpu.memory_space<vmem>> -> memref<1x128xi32, #tpu.memory_space<vmem>>
        %dma_start3A_53 = tpu.memref_squeeze %dma_start3A_52 : memref<1x128xi32, #tpu.memory_space<vmem>> -> memref<128xi32, #tpu.memory_space<vmem>>
        %dma_start3A_54 = arith.constant 0 : i32
        %dma_start3A_55 = arith.constant 0 : i32
        %dma_start3A_56 = tpu.memref_slice %arg11[%dma_start3A_54, %dma_start3A_55] : memref<10240x64xbf16, #tpu.memory_space<vmem_shared>> -> memref<10240x64xbf16, #tpu.memory_space<vmem_shared>>
        tpu.enqueue_indirect_dma source(%arg9 : memref<128x64xbf16, #tpu.memory_space<vmem>>) target(%dma_start3A_56 : memref<10240x64xbf16, #tpu.memory_space<vmem_shared>>) offsets(%dma_start3A_53 : memref<128xi32, #tpu.memory_space<vmem>>) semaphore(%run_scoped3A : memref<!tpu.dma_semaphore, #tpu.memory_space<semaphore_mem>>) {add = true}
        %dma_wait3A_57 = arith.constant 0 : i32
        %dma_wait3A_58 = tpu.memref_slice %arg8[%mul3A_23, %dma_wait3A_57] : memref<80x128xi32, #tpu.memory_space<vmem>> -> memref<1x128xi32, #tpu.memory_space<vmem>>
        %dma_wait3A_59 = tpu.memref_squeeze %dma_wait3A_58 : memref<1x128xi32, #tpu.memory_space<vmem>> -> memref<128xi32, #tpu.memory_space<vmem>>
        %dma_wait3A_60 = arith.constant 0 : i32
        %dma_wait3A_61 = arith.constant 0 : i32
        %dma_wait3A_62 = tpu.memref_slice %arg11[%dma_wait3A_60, %dma_wait3A_61] : memref<10240x64xbf16, #tpu.memory_space<vmem_shared>> -> memref<10240x64xbf16, #tpu.memory_space<vmem_shared>>
        tpu.wait_indirect_dma semaphore(%run_scoped3A : memref<!tpu.dma_semaphore, #tpu.memory_space<semaphore_mem>>) src(%arg9 : memref<128x64xbf16, #tpu.memory_space<vmem>>) dst(%dma_wait3A_62 : memref<10240x64xbf16, #tpu.memory_space<vmem_shared>>)
        tpu.yield
      }) : () -> ()
      %add3A_37 = arith.constant 2 : i32
      %add3A_38 = arith.addi %mul3A_23, %add3A_37 : i32
      %lt3A = arith.constant 80 : i32
      %lt3A_39 = arith.cmpi slt, %add3A_38, %lt3A : i32
      %convert_element_type3A = arith.extui %lt3A_39 : i1 to i32
      %cond3A = arith.constant 0 : i32
      %cond3A_40 = arith.cmpi ne, %convert_element_type3A, %cond3A : i32
      scf.if %cond3A_40 {
        %add3A_51 = arith.constant 2 : i32
        %add3A_52 = arith.addi %mul3A_23, %add3A_51 : i32
        %dma_start3A_53 = arith.constant 0 : i32
        %dma_start3A_54 = tpu.memref_slice %arg7[%add3A_52, %dma_start3A_53] : memref<80x128xi32, #tpu.memory_space<vmem>> -> memref<1x128xi32, #tpu.memory_space<vmem>>
        %dma_start3A_55 = tpu.memref_squeeze %dma_start3A_54 : memref<1x128xi32, #tpu.memory_space<vmem>> -> memref<128xi32, #tpu.memory_space<vmem>>
        %dma_start3A_56 = arith.constant 0 : i32
        %dma_start3A_57 = arith.constant 0 : i32
        %dma_start3A_58 = tpu.memref_slice %arg2[%dma_start3A_56, %dma_start3A_57] : memref<10240x64xbf16, #tpu.memory_space<hbm>> -> memref<10240x64xbf16, #tpu.memory_space<hbm>>
        tpu.enqueue_indirect_dma source(%dma_start3A_58 : memref<10240x64xbf16, #tpu.memory_space<hbm>>) target(%arg9 : memref<128x64xbf16, #tpu.memory_space<vmem>>) offsets(%dma_start3A_55 : memref<128xi32, #tpu.memory_space<vmem>>) semaphore(%arg12 : memref<!tpu.dma_semaphore, #tpu.memory_space<semaphore_mem>>)
      } else {
      }
      %add3A_41 = arith.constant 1 : i32
      %add3A_42 = arith.addi %mul3A_23, %add3A_41 : i32
      %dma_wait3A_43 = arith.constant 0 : i32
      %dma_wait3A_44 = tpu.memref_slice %arg7[%add3A_42, %dma_wait3A_43] : memref<80x128xi32, #tpu.memory_space<vmem>> -> memref<1x128xi32, #tpu.memory_space<vmem>>
      %dma_wait3A_45 = tpu.memref_squeeze %dma_wait3A_44 : memref<1x128xi32, #tpu.memory_space<vmem>> -> memref<128xi32, #tpu.memory_space<vmem>>
      %dma_wait3A_46 = arith.constant 0 : i32
      %dma_wait3A_47 = arith.constant 0 : i32
      %dma_wait3A_48 = tpu.memref_slice %arg2[%dma_wait3A_46, %dma_wait3A_47] : memref<10240x64xbf16, #tpu.memory_space<hbm>> -> memref<10240x64xbf16, #tpu.memory_space<hbm>>
      tpu.wait_indirect_dma semaphore(%arg13 : memref<!tpu.dma_semaphore, #tpu.memory_space<semaphore_mem>>) src(%dma_wait3A_48 : memref<10240x64xbf16, #tpu.memory_space<hbm>>) dst(%arg10 : memref<128x64xbf16, #tpu.memory_space<vmem>>)
      %add3A_49 = arith.constant 1 : i32
      %add3A_50 = arith.addi %mul3A_23, %add3A_49 : i32
      "tpu.region"() ({
        %run_scoped3A = tpu.sem_alloc : memref<!tpu.dma_semaphore, #tpu.memory_space<semaphore_mem>>
        %dma_start3A_51 = arith.constant 0 : i32
        %dma_start3A_52 = tpu.memref_slice %arg8[%add3A_50, %dma_start3A_51] : memref<80x128xi32, #tpu.memory_space<vmem>> -> memref<1x128xi32, #tpu.memory_space<vmem>>
        %dma_start3A_53 = tpu.memref_squeeze %dma_start3A_52 : memref<1x128xi32, #tpu.memory_space<vmem>> -> memref<128xi32, #tpu.memory_space<vmem>>
        %dma_start3A_54 = arith.constant 0 : i32
        %dma_start3A_55 = arith.constant 0 : i32
        %dma_start3A_56 = tpu.memref_slice %arg11[%dma_start3A_54, %dma_start3A_55] : memref<10240x64xbf16, #tpu.memory_space<vmem_shared>> -> memref<10240x64xbf16, #tpu.memory_space<vmem_shared>>
        tpu.enqueue_indirect_dma source(%arg10 : memref<128x64xbf16, #tpu.memory_space<vmem>>) target(%dma_start3A_56 : memref<10240x64xbf16, #tpu.memory_space<vmem_shared>>) offsets(%dma_start3A_53 : memref<128xi32, #tpu.memory_space<vmem>>) semaphore(%run_scoped3A : memref<!tpu.dma_semaphore, #tpu.memory_space<semaphore_mem>>) {add = true}
        %dma_wait3A_57 = arith.constant 0 : i32
        %dma_wait3A_58 = tpu.memref_slice %arg8[%add3A_50, %dma_wait3A_57] : memref<80x128xi32, #tpu.memory_space<vmem>> -> memref<1x128xi32, #tpu.memory_space<vmem>>
        %dma_wait3A_59 = tpu.memref_squeeze %dma_wait3A_58 : memref<1x128xi32, #tpu.memory_space<vmem>> -> memref<128xi32, #tpu.memory_space<vmem>>
        %dma_wait3A_60 = arith.constant 0 : i32
        %dma_wait3A_61 = arith.constant 0 : i32
        %dma_wait3A_62 = tpu.memref_slice %arg11[%dma_wait3A_60, %dma_wait3A_61] : memref<10240x64xbf16, #tpu.memory_space<vmem_shared>> -> memref<10240x64xbf16, #tpu.memory_space<vmem_shared>>
        tpu.wait_indirect_dma semaphore(%run_scoped3A : memref<!tpu.dma_semaphore, #tpu.memory_space<semaphore_mem>>) src(%arg10 : memref<128x64xbf16, #tpu.memory_space<vmem>>) dst(%dma_wait3A_62 : memref<10240x64xbf16, #tpu.memory_space<vmem_shared>>)
        tpu.yield
      }) : () -> ()
    }
    %scan3A_17 = arith.constant 40 : i32
    %barrier3A_18 = arith.constant 0 : index
    tpu.barrier barrier_id(%barrier3A_18)
    %mul3A_19 = arith.constant 640 : i32
    %mul3A_20 = arith.muli %arg1, %mul3A_19 : i32
    "tpu.region"() ({
      %run_scoped3A = tpu.sem_alloc : memref<!tpu.dma_semaphore, #tpu.memory_space<semaphore_mem>>
      %dma_start3A_21 = arith.constant 0 : i32
      %dma_start3A_22 = tpu.memref_slice %arg6[%arg0, %mul3A_20, %dma_start3A_21] : memref<2x10240x64xbf16, #tpu.memory_space<hbm>> -> memref<1x640x64xbf16, #tpu.memory_space<hbm>>
      %dma_start3A_23 = tpu.memref_squeeze %dma_start3A_22 : memref<1x640x64xbf16, #tpu.memory_space<hbm>> -> memref<640x64xbf16, #tpu.memory_space<hbm>>
      %dma_start3A_24 = arith.constant 0 : i32
      %dma_start3A_25 = tpu.memref_slice %arg11[%mul3A_20, %dma_start3A_24] : memref<10240x64xbf16, #tpu.memory_space<vmem_shared>> -> memref<640x64xbf16, #tpu.memory_space<vmem_shared>>
      tpu.enqueue_dma source(%dma_start3A_25 : memref<640x64xbf16, #tpu.memory_space<vmem_shared>>) target(%dma_start3A_23 : memref<640x64xbf16, #tpu.memory_space<hbm>>) target_semaphore(%run_scoped3A : memref<!tpu.dma_semaphore, #tpu.memory_space<semaphore_mem>>)
      %dma_wait3A = arith.constant 0 : i32
      %dma_wait3A_26 = tpu.memref_slice %arg6[%arg0, %mul3A_20, %dma_wait3A] : memref<2x10240x64xbf16, #tpu.memory_space<hbm>> -> memref<1x640x64xbf16, #tpu.memory_space<hbm>>
      %dma_wait3A_27 = tpu.memref_squeeze %dma_wait3A_26 : memref<1x640x64xbf16, #tpu.memory_space<hbm>> -> memref<640x64xbf16, #tpu.memory_space<hbm>>
      %dma_wait3A_28 = arith.constant 0 : i32
      %dma_wait3A_29 = tpu.memref_slice %arg11[%mul3A_20, %dma_wait3A_28] : memref<10240x64xbf16, #tpu.memory_space<vmem_shared>> -> memref<640x64xbf16, #tpu.memory_space<vmem_shared>>
      tpu.wait_dma2 semaphore(%run_scoped3A : memref<!tpu.dma_semaphore, #tpu.memory_space<semaphore_mem>>) src(%dma_wait3A_29 : memref<640x64xbf16, #tpu.memory_space<vmem_shared>>) dst(%dma_wait3A_27 : memref<640x64xbf16, #tpu.memory_space<hbm>>)
      tpu.yield
    }) : () -> ()
    return
  }
}

#map = affine_map<(d0, d1) -> (0, 0)>
#map1 = affine_map<(d0, d1) -> (0, 0, 0)>
module attributes {stable_mosaic.version = 14 : i64} {
  func.func @sc_agg(%arg0: i32, %arg1: i32, %arg2: memref<10240x64xbf16, #tpu.memory_space<hbm>>, %arg3: memref<2560x128xi32, #tpu.memory_space<hbm>>, %arg4: memref<2560x128xi32, #tpu.memory_space<hbm>>, %arg5: memref<640x64xbf16, #tpu.memory_space<hbm>>, %arg6: memref<2x10240x64xbf16, #tpu.memory_space<hbm>>, %arg7: memref<80x128xi32, #tpu.memory_space<vmem>>, %arg8: memref<80x128xi32, #tpu.memory_space<vmem>>, %arg9: memref<128x64xbf16, #tpu.memory_space<vmem>>, %arg10: memref<128x64xbf16, #tpu.memory_space<vmem>>, %arg11: memref<10240x64xbf16, #tpu.memory_space<vmem_shared>>, %arg12: memref<!tpu.dma_semaphore, #tpu.memory_space<semaphore_mem>>, %arg13: memref<!tpu.dma_semaphore, #tpu.memory_space<semaphore_mem>>) attributes {dimension_semantics = [#tpu.dimension_semantics<core_parallel>, #tpu.dimension_semantics<subcore_parallel>], iteration_bounds = array<i64: 2, 16>, scalar_prefetch = 0 : i64, scratch_operands = 7 : i64, tpu.core_type = #tpu.core_type<sc_vector_subcore>, window_params = [{transform_indices = #map}, {transform_indices = #map}, {transform_indices = #map}, {transform_indices = #map}, {transform_indices = #map1}]} {
    %mul3A = arith.constant 2 : i32
    %mul3A_0 = arith.muli %arg1, %mul3A : i32
    %add3A = arith.addi %mul3A_0, %arg0 : i32
    %mul3A_1 = arith.constant 640 : i32
    %mul3A_2 = arith.muli %arg1, %mul3A_1 : i32
    "tpu.region"() ({
      %run_scoped3A = tpu.sem_alloc : memref<!tpu.dma_semaphore, #tpu.memory_space<semaphore_mem>>
      %dma_start3A_21 = arith.constant 0 : i32
      %dma_start3A_22 = tpu.memref_slice %arg11[%mul3A_2, %dma_start3A_21] : memref<10240x64xbf16, #tpu.memory_space<vmem_shared>> -> memref<640x64xbf16, #tpu.memory_space<vmem_shared>>
      tpu.enqueue_dma source(%arg5 : memref<640x64xbf16, #tpu.memory_space<hbm>>) target(%dma_start3A_22 : memref<640x64xbf16, #tpu.memory_space<vmem_shared>>) target_semaphore(%run_scoped3A : memref<!tpu.dma_semaphore, #tpu.memory_space<semaphore_mem>>)
      %dma_wait3A = arith.constant 0 : i32
      %dma_wait3A_23 = tpu.memref_slice %arg11[%mul3A_2, %dma_wait3A] : memref<10240x64xbf16, #tpu.memory_space<vmem_shared>> -> memref<640x64xbf16, #tpu.memory_space<vmem_shared>>
      tpu.wait_dma2 semaphore(%run_scoped3A : memref<!tpu.dma_semaphore, #tpu.memory_space<semaphore_mem>>) src(%arg5 : memref<640x64xbf16, #tpu.memory_space<hbm>>) dst(%dma_wait3A_23 : memref<640x64xbf16, #tpu.memory_space<vmem_shared>>)
      tpu.yield
    }) : () -> ()
    %mul3A_3 = arith.constant 80 : i32
    %mul3A_4 = arith.muli %add3A, %mul3A_3 : i32
    "tpu.region"() ({
      %run_scoped3A = tpu.sem_alloc : memref<!tpu.dma_semaphore, #tpu.memory_space<semaphore_mem>>
      %dma_start3A_21 = arith.constant 0 : i32
      %dma_start3A_22 = tpu.memref_slice %arg3[%mul3A_4, %dma_start3A_21] : memref<2560x128xi32, #tpu.memory_space<hbm>> -> memref<80x128xi32, #tpu.memory_space<hbm>>
      %dma_start3A_23 = arith.constant 0 : i32
      %dma_start3A_24 = tpu.memref_slice %arg3[%mul3A_4, %dma_start3A_23] : memref<2560x128xi32, #tpu.memory_space<hbm>> -> memref<80x128xi32, #tpu.memory_space<hbm>>
      tpu.enqueue_dma source(%dma_start3A_24 : memref<80x128xi32, #tpu.memory_space<hbm>>) target(%arg7 : memref<80x128xi32, #tpu.memory_space<vmem>>) target_semaphore(%run_scoped3A : memref<!tpu.dma_semaphore, #tpu.memory_space<semaphore_mem>>)
      %dma_wait3A = arith.constant 0 : i32
      %dma_wait3A_25 = tpu.memref_slice %arg3[%mul3A_4, %dma_wait3A] : memref<2560x128xi32, #tpu.memory_space<hbm>> -> memref<80x128xi32, #tpu.memory_space<hbm>>
      %dma_wait3A_26 = arith.constant 0 : i32
      %dma_wait3A_27 = tpu.memref_slice %arg3[%mul3A_4, %dma_wait3A_26] : memref<2560x128xi32, #tpu.memory_space<hbm>> -> memref<80x128xi32, #tpu.memory_space<hbm>>
      tpu.wait_dma2 semaphore(%run_scoped3A : memref<!tpu.dma_semaphore, #tpu.memory_space<semaphore_mem>>) src(%dma_wait3A_27 : memref<80x128xi32, #tpu.memory_space<hbm>>) dst(%arg7 : memref<80x128xi32, #tpu.memory_space<vmem>>)
      tpu.yield
    }) : () -> ()
    %mul3A_5 = arith.constant 80 : i32
    %mul3A_6 = arith.muli %add3A, %mul3A_5 : i32
    "tpu.region"() ({
      %run_scoped3A = tpu.sem_alloc : memref<!tpu.dma_semaphore, #tpu.memory_space<semaphore_mem>>
      %dma_start3A_21 = arith.constant 0 : i32
      %dma_start3A_22 = tpu.memref_slice %arg4[%mul3A_6, %dma_start3A_21] : memref<2560x128xi32, #tpu.memory_space<hbm>> -> memref<80x128xi32, #tpu.memory_space<hbm>>
      %dma_start3A_23 = arith.constant 0 : i32
      %dma_start3A_24 = tpu.memref_slice %arg4[%mul3A_6, %dma_start3A_23] : memref<2560x128xi32, #tpu.memory_space<hbm>> -> memref<80x128xi32, #tpu.memory_space<hbm>>
      tpu.enqueue_dma source(%dma_start3A_24 : memref<80x128xi32, #tpu.memory_space<hbm>>) target(%arg8 : memref<80x128xi32, #tpu.memory_space<vmem>>) target_semaphore(%run_scoped3A : memref<!tpu.dma_semaphore, #tpu.memory_space<semaphore_mem>>)
      %dma_wait3A = arith.constant 0 : i32
      %dma_wait3A_25 = tpu.memref_slice %arg4[%mul3A_6, %dma_wait3A] : memref<2560x128xi32, #tpu.memory_space<hbm>> -> memref<80x128xi32, #tpu.memory_space<hbm>>
      %dma_wait3A_26 = arith.constant 0 : i32
      %dma_wait3A_27 = tpu.memref_slice %arg4[%mul3A_6, %dma_wait3A_26] : memref<2560x128xi32, #tpu.memory_space<hbm>> -> memref<80x128xi32, #tpu.memory_space<hbm>>
      tpu.wait_dma2 semaphore(%run_scoped3A : memref<!tpu.dma_semaphore, #tpu.memory_space<semaphore_mem>>) src(%dma_wait3A_27 : memref<80x128xi32, #tpu.memory_space<hbm>>) dst(%arg8 : memref<80x128xi32, #tpu.memory_space<vmem>>)
      tpu.yield
    }) : () -> ()
    %barrier3A = arith.constant 0 : index
    tpu.barrier barrier_id(%barrier3A)
    %dma_start3A = arith.constant 0 : i32
    %dma_start3A_7 = arith.constant 0 : i32
    %dma_start3A_8 = tpu.memref_slice %arg7[%dma_start3A, %dma_start3A_7] : memref<80x128xi32, #tpu.memory_space<vmem>> -> memref<1x128xi32, #tpu.memory_space<vmem>>
    %dma_start3A_9 = tpu.memref_squeeze %dma_start3A_8 : memref<1x128xi32, #tpu.memory_space<vmem>> -> memref<128xi32, #tpu.memory_space<vmem>>
    %dma_start3A_10 = arith.constant 0 : i32
    %dma_start3A_11 = arith.constant 0 : i32
    %dma_start3A_12 = tpu.memref_slice %arg2[%dma_start3A_10, %dma_start3A_11] : memref<10240x64xbf16, #tpu.memory_space<hbm>> -> memref<10240x64xbf16, #tpu.memory_space<hbm>>
    tpu.enqueue_indirect_dma source(%dma_start3A_12 : memref<10240x64xbf16, #tpu.memory_space<hbm>>) target(%arg9 : memref<128x64xbf16, #tpu.memory_space<vmem>>) offsets(%dma_start3A_9 : memref<128xi32, #tpu.memory_space<vmem>>) semaphore(%arg12 : memref<!tpu.dma_semaphore, #tpu.memory_space<semaphore_mem>>)
    %scan3A = arith.constant 0 : i32
    %scan3A_13 = arith.constant 0 : i32
    %scan3A_14 = arith.constant 40 : i32
    %scan3A_15 = arith.addi %scan3A_13, %scan3A_14 : i32
    %scan3A_16 = arith.constant 1 : i32
    scf.for %scan3A_21 = %scan3A_13 to %scan3A_15 step %scan3A_16  : i32 {
      %mul3A_22 = arith.constant 2 : i32
      %mul3A_23 = arith.muli %mul3A_22, %scan3A_21 : i32
      %add3A_24 = arith.constant 1 : i32
      %add3A_25 = arith.addi %mul3A_23, %add3A_24 : i32
      %dma_start3A_26 = arith.constant 0 : i32
      %dma_start3A_27 = tpu.memref_slice %arg7[%add3A_25, %dma_start3A_26] : memref<80x128xi32, #tpu.memory_space<vmem>> -> memref<1x128xi32, #tpu.memory_space<vmem>>
      %dma_start3A_28 = tpu.memref_squeeze %dma_start3A_27 : memref<1x128xi32, #tpu.memory_space<vmem>> -> memref<128xi32, #tpu.memory_space<vmem>>
      %dma_start3A_29 = arith.constant 0 : i32
      %dma_start3A_30 = arith.constant 0 : i32
      %dma_start3A_31 = tpu.memref_slice %arg2[%dma_start3A_29, %dma_start3A_30] : memref<10240x64xbf16, #tpu.memory_space<hbm>> -> memref<10240x64xbf16, #tpu.memory_space<hbm>>
      tpu.enqueue_indirect_dma source(%dma_start3A_31 : memref<10240x64xbf16, #tpu.memory_space<hbm>>) target(%arg10 : memref<128x64xbf16, #tpu.memory_space<vmem>>) offsets(%dma_start3A_28 : memref<128xi32, #tpu.memory_space<vmem>>) semaphore(%arg13 : memref<!tpu.dma_semaphore, #tpu.memory_space<semaphore_mem>>)
      %dma_wait3A = arith.constant 0 : i32
      %dma_wait3A_32 = tpu.memref_slice %arg7[%mul3A_23, %dma_wait3A] : memref<80x128xi32, #tpu.memory_space<vmem>> -> memref<1x128xi32, #tpu.memory_space<vmem>>
      %dma_wait3A_33 = tpu.memref_squeeze %dma_wait3A_32 : memref<1x128xi32, #tpu.memory_space<vmem>> -> memref<128xi32, #tpu.memory_space<vmem>>
      %dma_wait3A_34 = arith.constant 0 : i32
      %dma_wait3A_35 = arith.constant 0 : i32
      %dma_wait3A_36 = tpu.memref_slice %arg2[%dma_wait3A_34, %dma_wait3A_35] : memref<10240x64xbf16, #tpu.memory_space<hbm>> -> memref<10240x64xbf16, #tpu.memory_space<hbm>>
      tpu.wait_indirect_dma semaphore(%arg12 : memref<!tpu.dma_semaphore, #tpu.memory_space<semaphore_mem>>) src(%dma_wait3A_36 : memref<10240x64xbf16, #tpu.memory_space<hbm>>) dst(%arg9 : memref<128x64xbf16, #tpu.memory_space<vmem>>)
      "tpu.region"() ({
        %run_scoped3A = tpu.sem_alloc : memref<!tpu.dma_semaphore, #tpu.memory_space<semaphore_mem>>
        %dma_start3A_51 = arith.constant 0 : i32
        %dma_start3A_52 = tpu.memref_slice %arg8[%mul3A_23, %dma_start3A_51] : memref<80x128xi32, #tpu.memory_space<vmem>> -> memref<1x128xi32, #tpu.memory_space<vmem>>
        %dma_start3A_53 = tpu.memref_squeeze %dma_start3A_52 : memref<1x128xi32, #tpu.memory_space<vmem>> -> memref<128xi32, #tpu.memory_space<vmem>>
        %dma_start3A_54 = arith.constant 0 : i32
        %dma_start3A_55 = arith.constant 0 : i32
        %dma_start3A_56 = tpu.memref_slice %arg11[%dma_start3A_54, %dma_start3A_55] : memref<10240x64xbf16, #tpu.memory_space<vmem_shared>> -> memref<10240x64xbf16, #tpu.memory_space<vmem_shared>>
        tpu.enqueue_indirect_dma source(%arg9 : memref<128x64xbf16, #tpu.memory_space<vmem>>) target(%dma_start3A_56 : memref<10240x64xbf16, #tpu.memory_space<vmem_shared>>) offsets(%dma_start3A_53 : memref<128xi32, #tpu.memory_space<vmem>>) semaphore(%run_scoped3A : memref<!tpu.dma_semaphore, #tpu.memory_space<semaphore_mem>>) {add = true}
        %dma_wait3A_57 = arith.constant 0 : i32
        %dma_wait3A_58 = tpu.memref_slice %arg8[%mul3A_23, %dma_wait3A_57] : memref<80x128xi32, #tpu.memory_space<vmem>> -> memref<1x128xi32, #tpu.memory_space<vmem>>
        %dma_wait3A_59 = tpu.memref_squeeze %dma_wait3A_58 : memref<1x128xi32, #tpu.memory_space<vmem>> -> memref<128xi32, #tpu.memory_space<vmem>>
        %dma_wait3A_60 = arith.constant 0 : i32
        %dma_wait3A_61 = arith.constant 0 : i32
        %dma_wait3A_62 = tpu.memref_slice %arg11[%dma_wait3A_60, %dma_wait3A_61] : memref<10240x64xbf16, #tpu.memory_space<vmem_shared>> -> memref<10240x64xbf16, #tpu.memory_space<vmem_shared>>
        tpu.wait_indirect_dma semaphore(%run_scoped3A : memref<!tpu.dma_semaphore, #tpu.memory_space<semaphore_mem>>) src(%arg9 : memref<128x64xbf16, #tpu.memory_space<vmem>>) dst(%dma_wait3A_62 : memref<10240x64xbf16, #tpu.memory_space<vmem_shared>>)
        tpu.yield
      }) : () -> ()
      %add3A_37 = arith.constant 2 : i32
      %add3A_38 = arith.addi %mul3A_23, %add3A_37 : i32
      %lt3A = arith.constant 80 : i32
      %lt3A_39 = arith.cmpi slt, %add3A_38, %lt3A : i32
      %convert_element_type3A = arith.extui %lt3A_39 : i1 to i32
      %cond3A = arith.constant 0 : i32
      %cond3A_40 = arith.cmpi ne, %convert_element_type3A, %cond3A : i32
      scf.if %cond3A_40 {
        %add3A_51 = arith.constant 2 : i32
        %add3A_52 = arith.addi %mul3A_23, %add3A_51 : i32
        %dma_start3A_53 = arith.constant 0 : i32
        %dma_start3A_54 = tpu.memref_slice %arg7[%add3A_52, %dma_start3A_53] : memref<80x128xi32, #tpu.memory_space<vmem>> -> memref<1x128xi32, #tpu.memory_space<vmem>>
        %dma_start3A_55 = tpu.memref_squeeze %dma_start3A_54 : memref<1x128xi32, #tpu.memory_space<vmem>> -> memref<128xi32, #tpu.memory_space<vmem>>
        %dma_start3A_56 = arith.constant 0 : i32
        %dma_start3A_57 = arith.constant 0 : i32
        %dma_start3A_58 = tpu.memref_slice %arg2[%dma_start3A_56, %dma_start3A_57] : memref<10240x64xbf16, #tpu.memory_space<hbm>> -> memref<10240x64xbf16, #tpu.memory_space<hbm>>
        tpu.enqueue_indirect_dma source(%dma_start3A_58 : memref<10240x64xbf16, #tpu.memory_space<hbm>>) target(%arg9 : memref<128x64xbf16, #tpu.memory_space<vmem>>) offsets(%dma_start3A_55 : memref<128xi32, #tpu.memory_space<vmem>>) semaphore(%arg12 : memref<!tpu.dma_semaphore, #tpu.memory_space<semaphore_mem>>)
      } else {
      }
      %add3A_41 = arith.constant 1 : i32
      %add3A_42 = arith.addi %mul3A_23, %add3A_41 : i32
      %dma_wait3A_43 = arith.constant 0 : i32
      %dma_wait3A_44 = tpu.memref_slice %arg7[%add3A_42, %dma_wait3A_43] : memref<80x128xi32, #tpu.memory_space<vmem>> -> memref<1x128xi32, #tpu.memory_space<vmem>>
      %dma_wait3A_45 = tpu.memref_squeeze %dma_wait3A_44 : memref<1x128xi32, #tpu.memory_space<vmem>> -> memref<128xi32, #tpu.memory_space<vmem>>
      %dma_wait3A_46 = arith.constant 0 : i32
      %dma_wait3A_47 = arith.constant 0 : i32
      %dma_wait3A_48 = tpu.memref_slice %arg2[%dma_wait3A_46, %dma_wait3A_47] : memref<10240x64xbf16, #tpu.memory_space<hbm>> -> memref<10240x64xbf16, #tpu.memory_space<hbm>>
      tpu.wait_indirect_dma semaphore(%arg13 : memref<!tpu.dma_semaphore, #tpu.memory_space<semaphore_mem>>) src(%dma_wait3A_48 : memref<10240x64xbf16, #tpu.memory_space<hbm>>) dst(%arg10 : memref<128x64xbf16, #tpu.memory_space<vmem>>)
      %add3A_49 = arith.constant 1 : i32
      %add3A_50 = arith.addi %mul3A_23, %add3A_49 : i32
      "tpu.region"() ({
        %run_scoped3A = tpu.sem_alloc : memref<!tpu.dma_semaphore, #tpu.memory_space<semaphore_mem>>
        %dma_start3A_51 = arith.constant 0 : i32
        %dma_start3A_52 = tpu.memref_slice %arg8[%add3A_50, %dma_start3A_51] : memref<80x128xi32, #tpu.memory_space<vmem>> -> memref<1x128xi32, #tpu.memory_space<vmem>>
        %dma_start3A_53 = tpu.memref_squeeze %dma_start3A_52 : memref<1x128xi32, #tpu.memory_space<vmem>> -> memref<128xi32, #tpu.memory_space<vmem>>
        %dma_start3A_54 = arith.constant 0 : i32
        %dma_start3A_55 = arith.constant 0 : i32
        %dma_start3A_56 = tpu.memref_slice %arg11[%dma_start3A_54, %dma_start3A_55] : memref<10240x64xbf16, #tpu.memory_space<vmem_shared>> -> memref<10240x64xbf16, #tpu.memory_space<vmem_shared>>
        tpu.enqueue_indirect_dma source(%arg10 : memref<128x64xbf16, #tpu.memory_space<vmem>>) target(%dma_start3A_56 : memref<10240x64xbf16, #tpu.memory_space<vmem_shared>>) offsets(%dma_start3A_53 : memref<128xi32, #tpu.memory_space<vmem>>) semaphore(%run_scoped3A : memref<!tpu.dma_semaphore, #tpu.memory_space<semaphore_mem>>) {add = true}
        %dma_wait3A_57 = arith.constant 0 : i32
        %dma_wait3A_58 = tpu.memref_slice %arg8[%add3A_50, %dma_wait3A_57] : memref<80x128xi32, #tpu.memory_space<vmem>> -> memref<1x128xi32, #tpu.memory_space<vmem>>
        %dma_wait3A_59 = tpu.memref_squeeze %dma_wait3A_58 : memref<1x128xi32, #tpu.memory_space<vmem>> -> memref<128xi32, #tpu.memory_space<vmem>>
        %dma_wait3A_60 = arith.constant 0 : i32
        %dma_wait3A_61 = arith.constant 0 : i32
        %dma_wait3A_62 = tpu.memref_slice %arg11[%dma_wait3A_60, %dma_wait3A_61] : memref<10240x64xbf16, #tpu.memory_space<vmem_shared>> -> memref<10240x64xbf16, #tpu.memory_space<vmem_shared>>
        tpu.wait_indirect_dma semaphore(%run_scoped3A : memref<!tpu.dma_semaphore, #tpu.memory_space<semaphore_mem>>) src(%arg10 : memref<128x64xbf16, #tpu.memory_space<vmem>>) dst(%dma_wait3A_62 : memref<10240x64xbf16, #tpu.memory_space<vmem_shared>>)
        tpu.yield
      }) : () -> ()
    }
    %scan3A_17 = arith.constant 40 : i32
    %barrier3A_18 = arith.constant 0 : index
    tpu.barrier barrier_id(%barrier3A_18)
    %mul3A_19 = arith.constant 640 : i32
    %mul3A_20 = arith.muli %arg1, %mul3A_19 : i32
    "tpu.region"() ({
      %run_scoped3A = tpu.sem_alloc : memref<!tpu.dma_semaphore, #tpu.memory_space<semaphore_mem>>
      %dma_start3A_21 = arith.constant 0 : i32
      %dma_start3A_22 = tpu.memref_slice %arg6[%arg0, %mul3A_20, %dma_start3A_21] : memref<2x10240x64xbf16, #tpu.memory_space<hbm>> -> memref<1x640x64xbf16, #tpu.memory_space<hbm>>
      %dma_start3A_23 = tpu.memref_squeeze %dma_start3A_22 : memref<1x640x64xbf16, #tpu.memory_space<hbm>> -> memref<640x64xbf16, #tpu.memory_space<hbm>>
      %dma_start3A_24 = arith.constant 0 : i32
      %dma_start3A_25 = tpu.memref_slice %arg11[%mul3A_20, %dma_start3A_24] : memref<10240x64xbf16, #tpu.memory_space<vmem_shared>> -> memref<640x64xbf16, #tpu.memory_space<vmem_shared>>
      tpu.enqueue_dma source(%dma_start3A_25 : memref<640x64xbf16, #tpu.memory_space<vmem_shared>>) target(%dma_start3A_23 : memref<640x64xbf16, #tpu.memory_space<hbm>>) target_semaphore(%run_scoped3A : memref<!tpu.dma_semaphore, #tpu.memory_space<semaphore_mem>>)
      %dma_wait3A = arith.constant 0 : i32
      %dma_wait3A_26 = tpu.memref_slice %arg6[%arg0, %mul3A_20, %dma_wait3A] : memref<2x10240x64xbf16, #tpu.memory_space<hbm>> -> memref<1x640x64xbf16, #tpu.memory_space<hbm>>
      %dma_wait3A_27 = tpu.memref_squeeze %dma_wait3A_26 : memref<1x640x64xbf16, #tpu.memory_space<hbm>> -> memref<640x64xbf16, #tpu.memory_space<hbm>>
      %dma_wait3A_28 = arith.constant 0 : i32
      %dma_wait3A_29 = tpu.memref_slice %arg11[%mul3A_20, %dma_wait3A_28] : memref<10240x64xbf16, #tpu.memory_space<vmem_shared>> -> memref<640x64xbf16, #tpu.memory_space<vmem_shared>>
      tpu.wait_dma2 semaphore(%run_scoped3A : memref<!tpu.dma_semaphore, #tpu.memory_space<semaphore_mem>>) src(%dma_wait3A_29 : memref<640x64xbf16, #tpu.memory_space<vmem_shared>>) dst(%dma_wait3A_27 : memref<640x64xbf16, #tpu.memory_space<hbm>>)
      tpu.yield
    }) : () -> ()
    return
  }
}

#map = affine_map<(d0, d1) -> (0, 0)>
#map1 = affine_map<(d0, d1) -> (0, 0, 0)>
module attributes {stable_mosaic.version = 14 : i64} {
  func.func @sc_agg(%arg0: i32, %arg1: i32, %arg2: memref<10240x64xbf16, #tpu.memory_space<hbm>>, %arg3: memref<2560x128xi32, #tpu.memory_space<hbm>>, %arg4: memref<2560x128xi32, #tpu.memory_space<hbm>>, %arg5: memref<640x64xbf16, #tpu.memory_space<hbm>>, %arg6: memref<2x10240x64xbf16, #tpu.memory_space<hbm>>, %arg7: memref<80x128xi32, #tpu.memory_space<vmem>>, %arg8: memref<80x128xi32, #tpu.memory_space<vmem>>, %arg9: memref<128x64xbf16, #tpu.memory_space<vmem>>, %arg10: memref<128x64xbf16, #tpu.memory_space<vmem>>, %arg11: memref<10240x64xbf16, #tpu.memory_space<vmem_shared>>, %arg12: memref<!tpu.dma_semaphore, #tpu.memory_space<semaphore_mem>>, %arg13: memref<!tpu.dma_semaphore, #tpu.memory_space<semaphore_mem>>) attributes {dimension_semantics = [#tpu.dimension_semantics<core_parallel>, #tpu.dimension_semantics<subcore_parallel>], iteration_bounds = array<i64: 2, 16>, scalar_prefetch = 0 : i64, scratch_operands = 7 : i64, tpu.core_type = #tpu.core_type<sc_vector_subcore>, window_params = [{transform_indices = #map}, {transform_indices = #map}, {transform_indices = #map}, {transform_indices = #map}, {transform_indices = #map1}]} {
    %mul3A = arith.constant 2 : i32
    %mul3A_0 = arith.muli %arg1, %mul3A : i32
    %add3A = arith.addi %mul3A_0, %arg0 : i32
    %mul3A_1 = arith.constant 640 : i32
    %mul3A_2 = arith.muli %arg1, %mul3A_1 : i32
    "tpu.region"() ({
      %run_scoped3A = tpu.sem_alloc : memref<!tpu.dma_semaphore, #tpu.memory_space<semaphore_mem>>
      %dma_start3A_21 = arith.constant 0 : i32
      %dma_start3A_22 = tpu.memref_slice %arg11[%mul3A_2, %dma_start3A_21] : memref<10240x64xbf16, #tpu.memory_space<vmem_shared>> -> memref<640x64xbf16, #tpu.memory_space<vmem_shared>>
      tpu.enqueue_dma source(%arg5 : memref<640x64xbf16, #tpu.memory_space<hbm>>) target(%dma_start3A_22 : memref<640x64xbf16, #tpu.memory_space<vmem_shared>>) target_semaphore(%run_scoped3A : memref<!tpu.dma_semaphore, #tpu.memory_space<semaphore_mem>>)
      %dma_wait3A = arith.constant 0 : i32
      %dma_wait3A_23 = tpu.memref_slice %arg11[%mul3A_2, %dma_wait3A] : memref<10240x64xbf16, #tpu.memory_space<vmem_shared>> -> memref<640x64xbf16, #tpu.memory_space<vmem_shared>>
      tpu.wait_dma2 semaphore(%run_scoped3A : memref<!tpu.dma_semaphore, #tpu.memory_space<semaphore_mem>>) src(%arg5 : memref<640x64xbf16, #tpu.memory_space<hbm>>) dst(%dma_wait3A_23 : memref<640x64xbf16, #tpu.memory_space<vmem_shared>>)
      tpu.yield
    }) : () -> ()
    %mul3A_3 = arith.constant 80 : i32
    %mul3A_4 = arith.muli %add3A, %mul3A_3 : i32
    "tpu.region"() ({
      %run_scoped3A = tpu.sem_alloc : memref<!tpu.dma_semaphore, #tpu.memory_space<semaphore_mem>>
      %dma_start3A_21 = arith.constant 0 : i32
      %dma_start3A_22 = tpu.memref_slice %arg3[%mul3A_4, %dma_start3A_21] : memref<2560x128xi32, #tpu.memory_space<hbm>> -> memref<80x128xi32, #tpu.memory_space<hbm>>
      %dma_start3A_23 = arith.constant 0 : i32
      %dma_start3A_24 = tpu.memref_slice %arg3[%mul3A_4, %dma_start3A_23] : memref<2560x128xi32, #tpu.memory_space<hbm>> -> memref<80x128xi32, #tpu.memory_space<hbm>>
      tpu.enqueue_dma source(%dma_start3A_24 : memref<80x128xi32, #tpu.memory_space<hbm>>) target(%arg7 : memref<80x128xi32, #tpu.memory_space<vmem>>) target_semaphore(%run_scoped3A : memref<!tpu.dma_semaphore, #tpu.memory_space<semaphore_mem>>)
      %dma_wait3A = arith.constant 0 : i32
      %dma_wait3A_25 = tpu.memref_slice %arg3[%mul3A_4, %dma_wait3A] : memref<2560x128xi32, #tpu.memory_space<hbm>> -> memref<80x128xi32, #tpu.memory_space<hbm>>
      %dma_wait3A_26 = arith.constant 0 : i32
      %dma_wait3A_27 = tpu.memref_slice %arg3[%mul3A_4, %dma_wait3A_26] : memref<2560x128xi32, #tpu.memory_space<hbm>> -> memref<80x128xi32, #tpu.memory_space<hbm>>
      tpu.wait_dma2 semaphore(%run_scoped3A : memref<!tpu.dma_semaphore, #tpu.memory_space<semaphore_mem>>) src(%dma_wait3A_27 : memref<80x128xi32, #tpu.memory_space<hbm>>) dst(%arg7 : memref<80x128xi32, #tpu.memory_space<vmem>>)
      tpu.yield
    }) : () -> ()
    %mul3A_5 = arith.constant 80 : i32
    %mul3A_6 = arith.muli %add3A, %mul3A_5 : i32
    "tpu.region"() ({
      %run_scoped3A = tpu.sem_alloc : memref<!tpu.dma_semaphore, #tpu.memory_space<semaphore_mem>>
      %dma_start3A_21 = arith.constant 0 : i32
      %dma_start3A_22 = tpu.memref_slice %arg4[%mul3A_6, %dma_start3A_21] : memref<2560x128xi32, #tpu.memory_space<hbm>> -> memref<80x128xi32, #tpu.memory_space<hbm>>
      %dma_start3A_23 = arith.constant 0 : i32
      %dma_start3A_24 = tpu.memref_slice %arg4[%mul3A_6, %dma_start3A_23] : memref<2560x128xi32, #tpu.memory_space<hbm>> -> memref<80x128xi32, #tpu.memory_space<hbm>>
      tpu.enqueue_dma source(%dma_start3A_24 : memref<80x128xi32, #tpu.memory_space<hbm>>) target(%arg8 : memref<80x128xi32, #tpu.memory_space<vmem>>) target_semaphore(%run_scoped3A : memref<!tpu.dma_semaphore, #tpu.memory_space<semaphore_mem>>)
      %dma_wait3A = arith.constant 0 : i32
      %dma_wait3A_25 = tpu.memref_slice %arg4[%mul3A_6, %dma_wait3A] : memref<2560x128xi32, #tpu.memory_space<hbm>> -> memref<80x128xi32, #tpu.memory_space<hbm>>
      %dma_wait3A_26 = arith.constant 0 : i32
      %dma_wait3A_27 = tpu.memref_slice %arg4[%mul3A_6, %dma_wait3A_26] : memref<2560x128xi32, #tpu.memory_space<hbm>> -> memref<80x128xi32, #tpu.memory_space<hbm>>
      tpu.wait_dma2 semaphore(%run_scoped3A : memref<!tpu.dma_semaphore, #tpu.memory_space<semaphore_mem>>) src(%dma_wait3A_27 : memref<80x128xi32, #tpu.memory_space<hbm>>) dst(%arg8 : memref<80x128xi32, #tpu.memory_space<vmem>>)
      tpu.yield
    }) : () -> ()
    %barrier3A = arith.constant 0 : index
    tpu.barrier barrier_id(%barrier3A)
    %dma_start3A = arith.constant 0 : i32
    %dma_start3A_7 = arith.constant 0 : i32
    %dma_start3A_8 = tpu.memref_slice %arg7[%dma_start3A, %dma_start3A_7] : memref<80x128xi32, #tpu.memory_space<vmem>> -> memref<1x128xi32, #tpu.memory_space<vmem>>
    %dma_start3A_9 = tpu.memref_squeeze %dma_start3A_8 : memref<1x128xi32, #tpu.memory_space<vmem>> -> memref<128xi32, #tpu.memory_space<vmem>>
    %dma_start3A_10 = arith.constant 0 : i32
    %dma_start3A_11 = arith.constant 0 : i32
    %dma_start3A_12 = tpu.memref_slice %arg2[%dma_start3A_10, %dma_start3A_11] : memref<10240x64xbf16, #tpu.memory_space<hbm>> -> memref<10240x64xbf16, #tpu.memory_space<hbm>>
    tpu.enqueue_indirect_dma source(%dma_start3A_12 : memref<10240x64xbf16, #tpu.memory_space<hbm>>) target(%arg9 : memref<128x64xbf16, #tpu.memory_space<vmem>>) offsets(%dma_start3A_9 : memref<128xi32, #tpu.memory_space<vmem>>) semaphore(%arg12 : memref<!tpu.dma_semaphore, #tpu.memory_space<semaphore_mem>>)
    %scan3A = arith.constant 0 : i32
    %scan3A_13 = arith.constant 0 : i32
    %scan3A_14 = arith.constant 40 : i32
    %scan3A_15 = arith.addi %scan3A_13, %scan3A_14 : i32
    %scan3A_16 = arith.constant 1 : i32
    scf.for %scan3A_21 = %scan3A_13 to %scan3A_15 step %scan3A_16  : i32 {
      %mul3A_22 = arith.constant 2 : i32
      %mul3A_23 = arith.muli %mul3A_22, %scan3A_21 : i32
      %add3A_24 = arith.constant 1 : i32
      %add3A_25 = arith.addi %mul3A_23, %add3A_24 : i32
      %dma_start3A_26 = arith.constant 0 : i32
      %dma_start3A_27 = tpu.memref_slice %arg7[%add3A_25, %dma_start3A_26] : memref<80x128xi32, #tpu.memory_space<vmem>> -> memref<1x128xi32, #tpu.memory_space<vmem>>
      %dma_start3A_28 = tpu.memref_squeeze %dma_start3A_27 : memref<1x128xi32, #tpu.memory_space<vmem>> -> memref<128xi32, #tpu.memory_space<vmem>>
      %dma_start3A_29 = arith.constant 0 : i32
      %dma_start3A_30 = arith.constant 0 : i32
      %dma_start3A_31 = tpu.memref_slice %arg2[%dma_start3A_29, %dma_start3A_30] : memref<10240x64xbf16, #tpu.memory_space<hbm>> -> memref<10240x64xbf16, #tpu.memory_space<hbm>>
      tpu.enqueue_indirect_dma source(%dma_start3A_31 : memref<10240x64xbf16, #tpu.memory_space<hbm>>) target(%arg10 : memref<128x64xbf16, #tpu.memory_space<vmem>>) offsets(%dma_start3A_28 : memref<128xi32, #tpu.memory_space<vmem>>) semaphore(%arg13 : memref<!tpu.dma_semaphore, #tpu.memory_space<semaphore_mem>>)
      %dma_wait3A = arith.constant 0 : i32
      %dma_wait3A_32 = tpu.memref_slice %arg7[%mul3A_23, %dma_wait3A] : memref<80x128xi32, #tpu.memory_space<vmem>> -> memref<1x128xi32, #tpu.memory_space<vmem>>
      %dma_wait3A_33 = tpu.memref_squeeze %dma_wait3A_32 : memref<1x128xi32, #tpu.memory_space<vmem>> -> memref<128xi32, #tpu.memory_space<vmem>>
      %dma_wait3A_34 = arith.constant 0 : i32
      %dma_wait3A_35 = arith.constant 0 : i32
      %dma_wait3A_36 = tpu.memref_slice %arg2[%dma_wait3A_34, %dma_wait3A_35] : memref<10240x64xbf16, #tpu.memory_space<hbm>> -> memref<10240x64xbf16, #tpu.memory_space<hbm>>
      tpu.wait_indirect_dma semaphore(%arg12 : memref<!tpu.dma_semaphore, #tpu.memory_space<semaphore_mem>>) src(%dma_wait3A_36 : memref<10240x64xbf16, #tpu.memory_space<hbm>>) dst(%arg9 : memref<128x64xbf16, #tpu.memory_space<vmem>>)
      "tpu.region"() ({
        %run_scoped3A = tpu.sem_alloc : memref<!tpu.dma_semaphore, #tpu.memory_space<semaphore_mem>>
        %dma_start3A_51 = arith.constant 0 : i32
        %dma_start3A_52 = tpu.memref_slice %arg8[%mul3A_23, %dma_start3A_51] : memref<80x128xi32, #tpu.memory_space<vmem>> -> memref<1x128xi32, #tpu.memory_space<vmem>>
        %dma_start3A_53 = tpu.memref_squeeze %dma_start3A_52 : memref<1x128xi32, #tpu.memory_space<vmem>> -> memref<128xi32, #tpu.memory_space<vmem>>
        %dma_start3A_54 = arith.constant 0 : i32
        %dma_start3A_55 = arith.constant 0 : i32
        %dma_start3A_56 = tpu.memref_slice %arg11[%dma_start3A_54, %dma_start3A_55] : memref<10240x64xbf16, #tpu.memory_space<vmem_shared>> -> memref<10240x64xbf16, #tpu.memory_space<vmem_shared>>
        tpu.enqueue_indirect_dma source(%arg9 : memref<128x64xbf16, #tpu.memory_space<vmem>>) target(%dma_start3A_56 : memref<10240x64xbf16, #tpu.memory_space<vmem_shared>>) offsets(%dma_start3A_53 : memref<128xi32, #tpu.memory_space<vmem>>) semaphore(%run_scoped3A : memref<!tpu.dma_semaphore, #tpu.memory_space<semaphore_mem>>) {add = true}
        %dma_wait3A_57 = arith.constant 0 : i32
        %dma_wait3A_58 = tpu.memref_slice %arg8[%mul3A_23, %dma_wait3A_57] : memref<80x128xi32, #tpu.memory_space<vmem>> -> memref<1x128xi32, #tpu.memory_space<vmem>>
        %dma_wait3A_59 = tpu.memref_squeeze %dma_wait3A_58 : memref<1x128xi32, #tpu.memory_space<vmem>> -> memref<128xi32, #tpu.memory_space<vmem>>
        %dma_wait3A_60 = arith.constant 0 : i32
        %dma_wait3A_61 = arith.constant 0 : i32
        %dma_wait3A_62 = tpu.memref_slice %arg11[%dma_wait3A_60, %dma_wait3A_61] : memref<10240x64xbf16, #tpu.memory_space<vmem_shared>> -> memref<10240x64xbf16, #tpu.memory_space<vmem_shared>>
        tpu.wait_indirect_dma semaphore(%run_scoped3A : memref<!tpu.dma_semaphore, #tpu.memory_space<semaphore_mem>>) src(%arg9 : memref<128x64xbf16, #tpu.memory_space<vmem>>) dst(%dma_wait3A_62 : memref<10240x64xbf16, #tpu.memory_space<vmem_shared>>)
        tpu.yield
      }) : () -> ()
      %add3A_37 = arith.constant 2 : i32
      %add3A_38 = arith.addi %mul3A_23, %add3A_37 : i32
      %lt3A = arith.constant 80 : i32
      %lt3A_39 = arith.cmpi slt, %add3A_38, %lt3A : i32
      %convert_element_type3A = arith.extui %lt3A_39 : i1 to i32
      %cond3A = arith.constant 0 : i32
      %cond3A_40 = arith.cmpi ne, %convert_element_type3A, %cond3A : i32
      scf.if %cond3A_40 {
        %add3A_51 = arith.constant 2 : i32
        %add3A_52 = arith.addi %mul3A_23, %add3A_51 : i32
        %dma_start3A_53 = arith.constant 0 : i32
        %dma_start3A_54 = tpu.memref_slice %arg7[%add3A_52, %dma_start3A_53] : memref<80x128xi32, #tpu.memory_space<vmem>> -> memref<1x128xi32, #tpu.memory_space<vmem>>
        %dma_start3A_55 = tpu.memref_squeeze %dma_start3A_54 : memref<1x128xi32, #tpu.memory_space<vmem>> -> memref<128xi32, #tpu.memory_space<vmem>>
        %dma_start3A_56 = arith.constant 0 : i32
        %dma_start3A_57 = arith.constant 0 : i32
        %dma_start3A_58 = tpu.memref_slice %arg2[%dma_start3A_56, %dma_start3A_57] : memref<10240x64xbf16, #tpu.memory_space<hbm>> -> memref<10240x64xbf16, #tpu.memory_space<hbm>>
        tpu.enqueue_indirect_dma source(%dma_start3A_58 : memref<10240x64xbf16, #tpu.memory_space<hbm>>) target(%arg9 : memref<128x64xbf16, #tpu.memory_space<vmem>>) offsets(%dma_start3A_55 : memref<128xi32, #tpu.memory_space<vmem>>) semaphore(%arg12 : memref<!tpu.dma_semaphore, #tpu.memory_space<semaphore_mem>>)
      } else {
      }
      %add3A_41 = arith.constant 1 : i32
      %add3A_42 = arith.addi %mul3A_23, %add3A_41 : i32
      %dma_wait3A_43 = arith.constant 0 : i32
      %dma_wait3A_44 = tpu.memref_slice %arg7[%add3A_42, %dma_wait3A_43] : memref<80x128xi32, #tpu.memory_space<vmem>> -> memref<1x128xi32, #tpu.memory_space<vmem>>
      %dma_wait3A_45 = tpu.memref_squeeze %dma_wait3A_44 : memref<1x128xi32, #tpu.memory_space<vmem>> -> memref<128xi32, #tpu.memory_space<vmem>>
      %dma_wait3A_46 = arith.constant 0 : i32
      %dma_wait3A_47 = arith.constant 0 : i32
      %dma_wait3A_48 = tpu.memref_slice %arg2[%dma_wait3A_46, %dma_wait3A_47] : memref<10240x64xbf16, #tpu.memory_space<hbm>> -> memref<10240x64xbf16, #tpu.memory_space<hbm>>
      tpu.wait_indirect_dma semaphore(%arg13 : memref<!tpu.dma_semaphore, #tpu.memory_space<semaphore_mem>>) src(%dma_wait3A_48 : memref<10240x64xbf16, #tpu.memory_space<hbm>>) dst(%arg10 : memref<128x64xbf16, #tpu.memory_space<vmem>>)
      %add3A_49 = arith.constant 1 : i32
      %add3A_50 = arith.addi %mul3A_23, %add3A_49 : i32
      "tpu.region"() ({
        %run_scoped3A = tpu.sem_alloc : memref<!tpu.dma_semaphore, #tpu.memory_space<semaphore_mem>>
        %dma_start3A_51 = arith.constant 0 : i32
        %dma_start3A_52 = tpu.memref_slice %arg8[%add3A_50, %dma_start3A_51] : memref<80x128xi32, #tpu.memory_space<vmem>> -> memref<1x128xi32, #tpu.memory_space<vmem>>
        %dma_start3A_53 = tpu.memref_squeeze %dma_start3A_52 : memref<1x128xi32, #tpu.memory_space<vmem>> -> memref<128xi32, #tpu.memory_space<vmem>>
        %dma_start3A_54 = arith.constant 0 : i32
        %dma_start3A_55 = arith.constant 0 : i32
        %dma_start3A_56 = tpu.memref_slice %arg11[%dma_start3A_54, %dma_start3A_55] : memref<10240x64xbf16, #tpu.memory_space<vmem_shared>> -> memref<10240x64xbf16, #tpu.memory_space<vmem_shared>>
        tpu.enqueue_indirect_dma source(%arg10 : memref<128x64xbf16, #tpu.memory_space<vmem>>) target(%dma_start3A_56 : memref<10240x64xbf16, #tpu.memory_space<vmem_shared>>) offsets(%dma_start3A_53 : memref<128xi32, #tpu.memory_space<vmem>>) semaphore(%run_scoped3A : memref<!tpu.dma_semaphore, #tpu.memory_space<semaphore_mem>>) {add = true}
        %dma_wait3A_57 = arith.constant 0 : i32
        %dma_wait3A_58 = tpu.memref_slice %arg8[%add3A_50, %dma_wait3A_57] : memref<80x128xi32, #tpu.memory_space<vmem>> -> memref<1x128xi32, #tpu.memory_space<vmem>>
        %dma_wait3A_59 = tpu.memref_squeeze %dma_wait3A_58 : memref<1x128xi32, #tpu.memory_space<vmem>> -> memref<128xi32, #tpu.memory_space<vmem>>
        %dma_wait3A_60 = arith.constant 0 : i32
        %dma_wait3A_61 = arith.constant 0 : i32
        %dma_wait3A_62 = tpu.memref_slice %arg11[%dma_wait3A_60, %dma_wait3A_61] : memref<10240x64xbf16, #tpu.memory_space<vmem_shared>> -> memref<10240x64xbf16, #tpu.memory_space<vmem_shared>>
        tpu.wait_indirect_dma semaphore(%run_scoped3A : memref<!tpu.dma_semaphore, #tpu.memory_space<semaphore_mem>>) src(%arg10 : memref<128x64xbf16, #tpu.memory_space<vmem>>) dst(%dma_wait3A_62 : memref<10240x64xbf16, #tpu.memory_space<vmem_shared>>)
        tpu.yield
      }) : () -> ()
    }
    %scan3A_17 = arith.constant 40 : i32
    %barrier3A_18 = arith.constant 0 : index
    tpu.barrier barrier_id(%barrier3A_18)
    %mul3A_19 = arith.constant 640 : i32
    %mul3A_20 = arith.muli %arg1, %mul3A_19 : i32
    "tpu.region"() ({
      %run_scoped3A = tpu.sem_alloc : memref<!tpu.dma_semaphore, #tpu.memory_space<semaphore_mem>>
      %dma_start3A_21 = arith.constant 0 : i32
      %dma_start3A_22 = tpu.memref_slice %arg6[%arg0, %mul3A_20, %dma_start3A_21] : memref<2x10240x64xbf16, #tpu.memory_space<hbm>> -> memref<1x640x64xbf16, #tpu.memory_space<hbm>>
      %dma_start3A_23 = tpu.memref_squeeze %dma_start3A_22 : memref<1x640x64xbf16, #tpu.memory_space<hbm>> -> memref<640x64xbf16, #tpu.memory_space<hbm>>
      %dma_start3A_24 = arith.constant 0 : i32
      %dma_start3A_25 = tpu.memref_slice %arg11[%mul3A_20, %dma_start3A_24] : memref<10240x64xbf16, #tpu.memory_space<vmem_shared>> -> memref<640x64xbf16, #tpu.memory_space<vmem_shared>>
      tpu.enqueue_dma source(%dma_start3A_25 : memref<640x64xbf16, #tpu.memory_space<vmem_shared>>) target(%dma_start3A_23 : memref<640x64xbf16, #tpu.memory_space<hbm>>) target_semaphore(%run_scoped3A : memref<!tpu.dma_semaphore, #tpu.memory_space<semaphore_mem>>)
      %dma_wait3A = arith.constant 0 : i32
      %dma_wait3A_26 = tpu.memref_slice %arg6[%arg0, %mul3A_20, %dma_wait3A] : memref<2x10240x64xbf16, #tpu.memory_space<hbm>> -> memref<1x640x64xbf16, #tpu.memory_space<hbm>>
      %dma_wait3A_27 = tpu.memref_squeeze %dma_wait3A_26 : memref<1x640x64xbf16, #tpu.memory_space<hbm>> -> memref<640x64xbf16, #tpu.memory_space<hbm>>
      %dma_wait3A_28 = arith.constant 0 : i32
      %dma_wait3A_29 = tpu.memref_slice %arg11[%mul3A_20, %dma_wait3A_28] : memref<10240x64xbf16, #tpu.memory_space<vmem_shared>> -> memref<640x64xbf16, #tpu.memory_space<vmem_shared>>
      tpu.wait_dma2 semaphore(%run_scoped3A : memref<!tpu.dma_semaphore, #tpu.memory_space<semaphore_mem>>) src(%dma_wait3A_29 : memref<640x64xbf16, #tpu.memory_space<vmem_shared>>) dst(%dma_wait3A_27 : memref<640x64xbf16, #tpu.memory_space<hbm>>)
      tpu.yield
    }) : () -> ()
    return
  }
}

module attributes {stable_mosaic.version = 14 : i64} {
  func.func @_t1_body(%arg0: i32, %arg1: memref<32x2048xf32, #tpu.memory_space<vmem>>, %arg2: memref<32x2048xf32, #tpu.memory_space<vmem>>, %arg3: memref<2048x1xf32, #tpu.memory_space<vmem>>, %arg4: memref<2048x1xf32, #tpu.memory_space<vmem>>) attributes {dimension_semantics = [#tpu.dimension_semantics<arbitrary>], iteration_bounds = array<i64: 5>, scalar_prefetch = 0 : i64, scratch_operands = 0 : i64, tpu.core_type = #tpu.core_type<tc>, window_params = [{transform_indices = @transform_0, window_bounds = array<i64: 32, 2048>}, {transform_indices = @transform_1, window_bounds = array<i64: 32, 2048>}, {transform_indices = @transform_2, window_bounds = array<i64: 2048, 1>}, {transform_indices = @transform_3, window_bounds = array<i64: 2048, 1>}]} {
    %get3A = arith.constant 0 : index
    %get3A_0 = arith.constant 0 : index
    %get3A_1 = vector.load %arg1[%get3A, %get3A_0] : memref<32x2048xf32, #tpu.memory_space<vmem>>, vector<32x2048xf32>
    %reduce_sum3A = arith.constant dense<0.000000e+00> : vector<2048xf32>
    %reduce_sum3A_2 = vector.multi_reduction <add>, %get3A_1, %reduce_sum3A [0] : vector<32x2048xf32> to vector<2048xf32>
    %add3A = arith.constant 1.000000e+00 : f32
    %add3A_3 = vector.broadcast %add3A : f32 to vector<2048xf32>
    %add3A_4 = arith.addf %reduce_sum3A_2, %add3A_3 : vector<2048xf32>
    %get3A_5 = arith.constant 0 : index
    %get3A_6 = arith.constant 0 : index
    %get3A_7 = vector.load %arg2[%get3A_5, %get3A_6] : memref<32x2048xf32, #tpu.memory_space<vmem>>, vector<32x2048xf32>
    %reduce_sum3A_8 = arith.constant dense<0.000000e+00> : vector<2048xf32>
    %reduce_sum3A_9 = vector.multi_reduction <add>, %get3A_7, %reduce_sum3A_8 [0] : vector<32x2048xf32> to vector<2048xf32>
    %add3A_10 = arith.constant 1.000000e+00 : f32
    %add3A_11 = vector.broadcast %add3A_10 : f32 to vector<2048xf32>
    %add3A_12 = arith.addf %reduce_sum3A_9, %add3A_11 : vector<2048xf32>
    %rsqrt3A = math.rsqrt %add3A_4 : vector<2048xf32>
    %broadcast_in_dim3A = vector.shape_cast %rsqrt3A : vector<2048xf32> to vector<2048x1xf32>
    %swap3A = arith.constant 0 : index
    %swap3A_13 = arith.constant 0 : index
    %swap3A_14 = vector.load %arg3[%swap3A, %swap3A_13] : memref<2048x1xf32, #tpu.memory_space<vmem>>, vector<2048x1xf32>
    tpu.vector_store %arg3[%swap3A, %swap3A_13], %broadcast_in_dim3A {strides = array<i32>} : memref<2048x1xf32, #tpu.memory_space<vmem>>, vector<2048x1xf32>,
    %broadcast_in_dim3A_15 = vector.shape_cast %add3A_12 : vector<2048xf32> to vector<2048x1xf32>
    %swap3A_16 = arith.constant 0 : index
    %swap3A_17 = arith.constant 0 : index
    %swap3A_18 = vector.load %arg4[%swap3A_16, %swap3A_17] : memref<2048x1xf32, #tpu.memory_space<vmem>>, vector<2048x1xf32>
    tpu.vector_store %arg4[%swap3A_16, %swap3A_17], %broadcast_in_dim3A_15 {strides = array<i32>} : memref<2048x1xf32, #tpu.memory_space<vmem>>, vector<2048x1xf32>,
    return
  }
  func.func @transform_0(%arg0: i32) -> (i32, i32) {
    %c0_i32 = arith.constant 0 : i32
    %c0_i32_0 = arith.constant 0 : i32
    return %c0_i32, %arg0 : i32, i32
  }
  func.func @transform_1(%arg0: i32) -> (i32, i32) {
    %c0_i32 = arith.constant 0 : i32
    %c0_i32_0 = arith.constant 0 : i32
    return %c0_i32, %arg0 : i32, i32
  }
  func.func @transform_2(%arg0: i32) -> (i32, i32) {
    %c0_i32 = arith.constant 0 : i32
    %c0_i32_0 = arith.constant 0 : i32
    return %arg0, %c0_i32 : i32, i32
  }
  func.func @transform_3(%arg0: i32) -> (i32, i32) {
    %c0_i32 = arith.constant 0 : i32
    %c0_i32_0 = arith.constant 0 : i32
    return %arg0, %c0_i32 : i32, i32
  }
}

module attributes {stable_mosaic.version = 14 : i64} {
  func.func @_mm_body(%arg0: i32, %arg1: memref<512x128xf32, #tpu.memory_space<vmem>>, %arg2: memref<128x64xf32, #tpu.memory_space<vmem>>, %arg3: memref<512x64xf32, #tpu.memory_space<vmem>>, %arg4: memref<512x64xbf16, #tpu.memory_space<vmem>>) attributes {dimension_semantics = [#tpu.dimension_semantics<arbitrary>], iteration_bounds = array<i64: 20>, scalar_prefetch = 0 : i64, scratch_operands = 0 : i64, tpu.core_type = #tpu.core_type<tc>, window_params = [{transform_indices = @transform_0, window_bounds = array<i64: 512, 128>}, {pipeline_mode = #tpu.pipeline_mode<synchronous>, transform_indices = @transform_1, window_bounds = array<i64: 128, 64>}, {transform_indices = @transform_2, window_bounds = array<i64: 512, 64>}, {transform_indices = @transform_3, window_bounds = array<i64: 512, 64>}]} {
    %get3A = arith.constant 0 : index
    %get3A_0 = arith.constant 0 : index
    %get3A_1 = vector.load %arg1[%get3A, %get3A_0] : memref<512x128xf32, #tpu.memory_space<vmem>>, vector<512x128xf32>
    %get3A_2 = arith.constant 0 : index
    %get3A_3 = arith.constant 0 : index
    %get3A_4 = vector.load %arg2[%get3A_2, %get3A_3] : memref<128x64xf32, #tpu.memory_space<vmem>>, vector<128x64xf32>
    %dot_general3A = arith.constant dense<0.000000e+00> : vector<512x64xf32>
    %dot_general3A_5 = tpu.matmul %get3A_1, %get3A_4, %dot_general3A {dimension_numbers = #tpu.dot_dimension_numbers<[1], [0], [0], [1], [0, 0, 1, 1], [], []>, transpose_lhs_hint = false} : vector<512x128xf32>, vector<128x64xf32>, vector<512x64xf32> -> vector<512x64xf32>
    %swap3A = arith.constant 0 : index
    %swap3A_6 = arith.constant 0 : index
    %swap3A_7 = vector.load %arg3[%swap3A, %swap3A_6] : memref<512x64xf32, #tpu.memory_space<vmem>>, vector<512x64xf32>
    tpu.vector_store %arg3[%swap3A, %swap3A_6], %dot_general3A_5 {strides = array<i32>} : memref<512x64xf32, #tpu.memory_space<vmem>>, vector<512x64xf32>,
    %convert_element_type3A = arith.truncf %dot_general3A_5 : vector<512x64xf32> to vector<512x64xbf16>
    %swap3A_8 = arith.constant 0 : index
    %swap3A_9 = arith.constant 0 : index
    %swap3A_10 = vector.load %arg4[%swap3A_8, %swap3A_9] : memref<512x64xbf16, #tpu.memory_space<vmem>>, vector<512x64xbf16>
    tpu.vector_store %arg4[%swap3A_8, %swap3A_9], %convert_element_type3A {strides = array<i32>} : memref<512x64xbf16, #tpu.memory_space<vmem>>, vector<512x64xbf16>,
    return
  }
  func.func @transform_0(%arg0: i32) -> (i32, i32) {
    %c0_i32 = arith.constant 0 : i32
    %c0_i32_0 = arith.constant 0 : i32
    return %arg0, %c0_i32 : i32, i32
  }
  func.func @transform_1(%arg0: i32) -> (i32, i32) {
    %c0_i32 = arith.constant 0 : i32
    %c0_i32_0 = arith.constant 0 : i32
    %c0_i32_1 = arith.constant 0 : i32
    return %c0_i32, %c0_i32_0 : i32, i32
  }
  func.func @transform_2(%arg0: i32) -> (i32, i32) {
    %c0_i32 = arith.constant 0 : i32
    %c0_i32_0 = arith.constant 0 : i32
    return %arg0, %c0_i32 : i32, i32
  }
  func.func @transform_3(%arg0: i32) -> (i32, i32) {
    %c0_i32 = arith.constant 0 : i32
    %c0_i32_0 = arith.constant 0 : i32
    return %arg0, %c0_i32 : i32, i32
  }
}

module attributes {stable_mosaic.version = 14 : i64} {
  func.func @_t2_body(%arg0: i32, %arg1: memref<32x2048xf32, #tpu.memory_space<vmem>>, %arg2: memref<2048x1xf32, #tpu.memory_space<vmem>>, %arg3: memref<2048x1xf32, #tpu.memory_space<vmem>>) attributes {dimension_semantics = [#tpu.dimension_semantics<arbitrary>], iteration_bounds = array<i64: 5>, scalar_prefetch = 0 : i64, scratch_operands = 0 : i64, tpu.core_type = #tpu.core_type<tc>, window_params = [{transform_indices = @transform_0, window_bounds = array<i64: 32, 2048>}, {transform_indices = @transform_1, window_bounds = array<i64: 2048, 1>}, {transform_indices = @transform_2, window_bounds = array<i64: 2048, 1>}]} {
    %get3A = arith.constant 0 : index
    %get3A_0 = arith.constant 0 : index
    %get3A_1 = vector.load %arg1[%get3A, %get3A_0] : memref<32x2048xf32, #tpu.memory_space<vmem>>, vector<32x2048xf32>
    %reduce_sum3A = arith.constant dense<0.000000e+00> : vector<2048xf32>
    %reduce_sum3A_2 = vector.multi_reduction <add>, %get3A_1, %reduce_sum3A [0] : vector<32x2048xf32> to vector<2048xf32>
    %broadcast_in_dim3A = vector.shape_cast %reduce_sum3A_2 : vector<2048xf32> to vector<2048x1xf32>
    %get3A_3 = arith.constant 0 : index
    %get3A_4 = arith.constant 0 : index
    %get3A_5 = vector.load %arg2[%get3A_3, %get3A_4] : memref<2048x1xf32, #tpu.memory_space<vmem>>, vector<2048x1xf32>
    %add3A = arith.addf %broadcast_in_dim3A, %get3A_5 : vector<2048x1xf32>
    %mul3A = arith.mulf %get3A_5, %add3A : vector<2048x1xf32>
    %swap3A = arith.constant 0 : index
    %swap3A_6 = arith.constant 0 : index
    %swap3A_7 = vector.load %arg3[%swap3A, %swap3A_6] : memref<2048x1xf32, #tpu.memory_space<vmem>>, vector<2048x1xf32>
    tpu.vector_store %arg3[%swap3A, %swap3A_6], %mul3A {strides = array<i32>} : memref<2048x1xf32, #tpu.memory_space<vmem>>, vector<2048x1xf32>,
    return
  }
  func.func @transform_0(%arg0: i32) -> (i32, i32) {
    %c0_i32 = arith.constant 0 : i32
    %c0_i32_0 = arith.constant 0 : i32
    return %c0_i32, %arg0 : i32, i32
  }
  func.func @transform_1(%arg0: i32) -> (i32, i32) {
    %c0_i32 = arith.constant 0 : i32
    %c0_i32_0 = arith.constant 0 : i32
    return %arg0, %c0_i32 : i32, i32
  }
  func.func @transform_2(%arg0: i32) -> (i32, i32) {
    %c0_i32 = arith.constant 0 : i32
    %c0_i32_0 = arith.constant 0 : i32
    return %arg0, %c0_i32 : i32, i32
  }
}

module attributes {stable_mosaic.version = 14 : i64} {
  func.func @_comb_body(%arg0: i32, %arg1: memref<512x64xf32, #tpu.memory_space<vmem>>, %arg2: memref<2x512x64xbf16, #tpu.memory_space<vmem>>, %arg3: memref<512x1xf32, #tpu.memory_space<vmem>>, %arg4: memref<512x1xf32, #tpu.memory_space<vmem>>, %arg5: memref<64x64xf32, #tpu.memory_space<vmem>>, %arg6: memref<64x64xf32, #tpu.memory_space<vmem>>, %arg7: memref<1x64xf32, #tpu.memory_space<vmem>>, %arg8: memref<1x64xf32, #tpu.memory_space<vmem>>, %arg9: memref<1x64xf32, #tpu.memory_space<vmem>>, %arg10: memref<64x64xf32, #tpu.memory_space<vmem>>, %arg11: memref<512x64xf32, #tpu.memory_space<vmem>>, %arg12: memref<512x64xbf16, #tpu.memory_space<vmem>>) attributes {dimension_semantics = [#tpu.dimension_semantics<arbitrary>], iteration_bounds = array<i64: 20>, scalar_prefetch = 0 : i64, scratch_operands = 0 : i64, tpu.core_type = #tpu.core_type<tc>, window_params = [{transform_indices = @transform_0, window_bounds = array<i64: 512, 64>}, {transform_indices = @transform_1, window_bounds = array<i64: 2, 512, 64>}, {transform_indices = @transform_2, window_bounds = array<i64: 512, 1>}, {transform_indices = @transform_3, window_bounds = array<i64: 512, 1>}, {pipeline_mode = #tpu.pipeline_mode<synchronous>, transform_indices = @transform_4, window_bounds = array<i64: 64, 64>}, {pipeline_mode = #tpu.pipeline_mode<synchronous>, transform_indices = @transform_5, window_bounds = array<i64: 64, 64>}, {pipeline_mode = #tpu.pipeline_mode<synchronous>, transform_indices = @transform_6, window_bounds = array<i64: 1, 64>}, {pipeline_mode = #tpu.pipeline_mode<synchronous>, transform_indices = @transform_7, window_bounds = array<i64: 1, 64>}, {pipeline_mode = #tpu.pipeline_mode<synchronous>, transform_indices = @transform_8, window_bounds = array<i64: 1, 64>}, {pipeline_mode = #tpu.pipeline_mode<synchronous>, transform_indices = @transform_9, window_bounds = array<i64: 64, 64>}, {transform_indices = @transform_10, window_bounds = array<i64: 512, 64>}, {transform_indices = @transform_11, window_bounds = array<i64: 512, 64>}]} {
    %get3A = arith.constant 0 : index
    %get3A_0 = arith.constant 0 : index
    %get3A_1 = vector.load %arg1[%get3A, %get3A_0] : memref<512x64xf32, #tpu.memory_space<vmem>>, vector<512x64xf32>
    %get3A_2 = arith.constant 0 : index
    %get3A_3 = arith.constant 0 : index
    %get3A_4 = arith.constant 0 : index
    %get3A_5 = vector.load %arg2[%get3A_2, %get3A_3, %get3A_4] : memref<2x512x64xbf16, #tpu.memory_space<vmem>>, vector<1x512x64xbf16>
    %get3A_6 = vector.shape_cast %get3A_5 : vector<1x512x64xbf16> to vector<512x64xbf16>
    %get3A_7 = arith.constant 1 : index
    %get3A_8 = arith.constant 0 : index
    %get3A_9 = arith.constant 0 : index
    %get3A_10 = vector.load %arg2[%get3A_7, %get3A_8, %get3A_9] : memref<2x512x64xbf16, #tpu.memory_space<vmem>>, vector<1x512x64xbf16>
    %get3A_11 = vector.shape_cast %get3A_10 : vector<1x512x64xbf16> to vector<512x64xbf16>
    %add3A = arith.addf %get3A_6, %get3A_11 : vector<512x64xbf16>
    %convert_element_type3A = arith.extf %add3A : vector<512x64xbf16> to vector<512x64xf32>
    %add3A_12 = arith.addf %convert_element_type3A, %get3A_1 : vector<512x64xf32>
    %get3A_13 = arith.constant 0 : index
    %get3A_14 = arith.constant 0 : index
    %get3A_15 = vector.load %arg5[%get3A_13, %get3A_14] : memref<64x64xf32, #tpu.memory_space<vmem>>, vector<64x64xf32>
    %dot_general3A = arith.constant dense<0.000000e+00> : vector<512x64xf32>
    %dot_general3A_16 = tpu.matmul %get3A_1, %get3A_15, %dot_general3A {dimension_numbers = #tpu.dot_dimension_numbers<[1], [0], [0], [1], [0, 0, 1, 1], [], []>, transpose_lhs_hint = false} : vector<512x64xf32>, vector<64x64xf32>, vector<512x64xf32> -> vector<512x64xf32>
    %get3A_17 = arith.constant 0 : index
    %get3A_18 = arith.constant 0 : index
    %get3A_19 = vector.load %arg8[%get3A_17, %get3A_18] : memref<1x64xf32, #tpu.memory_space<vmem>>, vector<1x64xf32>
    %add3A_20 = vector.broadcast %get3A_19 : vector<1x64xf32> to vector<512x64xf32>
    %add3A_21 = arith.addf %dot_general3A_16, %add3A_20 : vector<512x64xf32>
    %get3A_22 = arith.constant 0 : index
    %get3A_23 = arith.constant 0 : index
    %get3A_24 = vector.load %arg6[%get3A_22, %get3A_23] : memref<64x64xf32, #tpu.memory_space<vmem>>, vector<64x64xf32>
    %dot_general3A_25 = arith.constant dense<0.000000e+00> : vector<512x64xf32>
    %dot_general3A_26 = tpu.matmul %add3A_12, %get3A_24, %dot_general3A_25 {dimension_numbers = #tpu.dot_dimension_numbers<[1], [0], [0], [1], [0, 0, 1, 1], [], []>, transpose_lhs_hint = false} : vector<512x64xf32>, vector<64x64xf32>, vector<512x64xf32> -> vector<512x64xf32>
    %get3A_27 = arith.constant 0 : index
    %get3A_28 = arith.constant 0 : index
    %get3A_29 = vector.load %arg3[%get3A_27, %get3A_28] : memref<512x1xf32, #tpu.memory_space<vmem>>, vector<512x1xf32>
    %mul3A = vector.broadcast %get3A_29 : vector<512x1xf32> to vector<512x64xf32>
    %mul3A_30 = arith.mulf %mul3A, %add3A_21 : vector<512x64xf32>
    %add3A_31 = arith.addf %mul3A_30, %dot_general3A_26 : vector<512x64xf32>
    %get3A_32 = arith.constant 0 : index
    %get3A_33 = arith.constant 0 : index
    %get3A_34 = vector.load %arg4[%get3A_32, %get3A_33] : memref<512x1xf32, #tpu.memory_space<vmem>>, vector<512x1xf32>
    %get3A_35 = arith.constant 0 : index
    %get3A_36 = arith.constant 0 : index
    %get3A_37 = vector.load %arg7[%get3A_35, %get3A_36] : memref<1x64xf32, #tpu.memory_space<vmem>>, vector<1x64xf32>
    %mul3A_38 = vector.broadcast %get3A_34 : vector<512x1xf32> to vector<512x64xf32>
    %mul3A_39 = vector.broadcast %get3A_37 : vector<1x64xf32> to vector<512x64xf32>
    %mul3A_40 = arith.mulf %mul3A_38, %mul3A_39 : vector<512x64xf32>
    %add3A_41 = arith.addf %add3A_31, %mul3A_40 : vector<512x64xf32>
    %get3A_42 = arith.constant 0 : index
    %get3A_43 = arith.constant 0 : index
    %get3A_44 = vector.load %arg9[%get3A_42, %get3A_43] : memref<1x64xf32, #tpu.memory_space<vmem>>, vector<1x64xf32>
    %add3A_45 = vector.broadcast %get3A_44 : vector<1x64xf32> to vector<512x64xf32>
    %add3A_46 = arith.addf %add3A_41, %add3A_45 : vector<512x64xf32>
    %mul3A_47 = arith.constant 512 : i32
    %mul3A_48 = arith.muli %arg0, %mul3A_47 : i32
    %iota3A = tpu.iota {dimensions = array<i32: 0>} : vector<512x1xi32>
    %add3A_49 = vector.broadcast %mul3A_48 : i32 to vector<512x1xi32>
    %add3A_50 = arith.addi %add3A_49, %iota3A : vector<512x1xi32>
    %lt3A = arith.constant 10000 : i32
    %lt3A_51 = vector.broadcast %lt3A : i32 to vector<512x1xi32>
    %lt3A_52 = arith.cmpi slt, %add3A_50, %lt3A_51 : vector<512x1xi32>
    %jit3A = arith.constant 0.000000e+00 : f32
    %broadcast_in_dim3A = vector.shape_cast %lt3A_52 : vector<512x1xi1> to vector<512x1xi1>
    %broadcast_in_dim3A_53 = vector.broadcast %broadcast_in_dim3A : vector<512x1xi1> to vector<512x64xi1>
    %broadcast_in_dim3A_54 = vector.broadcast %jit3A : f32 to vector<512x64xf32>
    %select_n3A = arith.select %broadcast_in_dim3A_53, %add3A_46, %broadcast_in_dim3A_54 : vector<512x64xi1>, vector<512x64xf32>
    %max3A = arith.constant 0.000000e+00 : f32
    %max3A_55 = vector.broadcast %max3A : f32 to vector<512x64xf32>
    %max3A_56 = arith.maximumf %select_n3A, %max3A_55 : vector<512x64xf32>
    %get3A_57 = arith.constant 0 : index
    %get3A_58 = arith.constant 0 : index
    %get3A_59 = vector.load %arg10[%get3A_57, %get3A_58] : memref<64x64xf32, #tpu.memory_space<vmem>>, vector<64x64xf32>
    %dot_general3A_60 = arith.constant dense<0.000000e+00> : vector<512x64xf32>
    %dot_general3A_61 = tpu.matmul %max3A_56, %get3A_59, %dot_general3A_60 {dimension_numbers = #tpu.dot_dimension_numbers<[1], [0], [0], [1], [0, 0, 1, 1], [], []>, transpose_lhs_hint = false} : vector<512x64xf32>, vector<64x64xf32>, vector<512x64xf32> -> vector<512x64xf32>
    %swap3A = arith.constant 0 : index
    %swap3A_62 = arith.constant 0 : index
    %swap3A_63 = vector.load %arg11[%swap3A, %swap3A_62] : memref<512x64xf32, #tpu.memory_space<vmem>>, vector<512x64xf32>
    tpu.vector_store %arg11[%swap3A, %swap3A_62], %dot_general3A_61 {strides = array<i32>} : memref<512x64xf32, #tpu.memory_space<vmem>>, vector<512x64xf32>,
    %convert_element_type3A_64 = arith.truncf %dot_general3A_61 : vector<512x64xf32> to vector<512x64xbf16>
    %swap3A_65 = arith.constant 0 : index
    %swap3A_66 = arith.constant 0 : index
    %swap3A_67 = vector.load %arg12[%swap3A_65, %swap3A_66] : memref<512x64xbf16, #tpu.memory_space<vmem>>, vector<512x64xbf16>
    tpu.vector_store %arg12[%swap3A_65, %swap3A_66], %convert_element_type3A_64 {strides = array<i32>} : memref<512x64xbf16, #tpu.memory_space<vmem>>, vector<512x64xbf16>,
    return
  }
  func.func @transform_0(%arg0: i32) -> (i32, i32) {
    %c0_i32 = arith.constant 0 : i32
    %c0_i32_0 = arith.constant 0 : i32
    return %arg0, %c0_i32 : i32, i32
  }
  func.func @transform_1(%arg0: i32) -> (i32, i32, i32) {
    %c0_i32 = arith.constant 0 : i32
    %c0_i32_0 = arith.constant 0 : i32
    %c0_i32_1 = arith.constant 0 : i32
    return %c0_i32, %arg0, %c0_i32_0 : i32, i32, i32
  }
  func.func @transform_2(%arg0: i32) -> (i32, i32) {
    %c0_i32 = arith.constant 0 : i32
    %c0_i32_0 = arith.constant 0 : i32
    return %arg0, %c0_i32 : i32, i32
  }
  func.func @transform_3(%arg0: i32) -> (i32, i32) {
    %c0_i32 = arith.constant 0 : i32
    %c0_i32_0 = arith.constant 0 : i32
    return %arg0, %c0_i32 : i32, i32
  }
  func.func @transform_4(%arg0: i32) -> (i32, i32) {
    %c0_i32 = arith.constant 0 : i32
    %c0_i32_0 = arith.constant 0 : i32
    %c0_i32_1 = arith.constant 0 : i32
    return %c0_i32, %c0_i32_0 : i32, i32
  }
  func.func @transform_5(%arg0: i32) -> (i32, i32) {
    %c0_i32 = arith.constant 0 : i32
    %c0_i32_0 = arith.constant 0 : i32
    %c0_i32_1 = arith.constant 0 : i32
    return %c0_i32, %c0_i32_0 : i32, i32
  }
  func.func @transform_6(%arg0: i32) -> (i32, i32) {
    %c0_i32 = arith.constant 0 : i32
    %c0_i32_0 = arith.constant 0 : i32
    %c0_i32_1 = arith.constant 0 : i32
    return %c0_i32, %c0_i32_0 : i32, i32
  }
  func.func @transform_7(%arg0: i32) -> (i32, i32) {
    %c0_i32 = arith.constant 0 : i32
    %c0_i32_0 = arith.constant 0 : i32
    %c0_i32_1 = arith.constant 0 : i32
    return %c0_i32, %c0_i32_0 : i32, i32
  }
  func.func @transform_8(%arg0: i32) -> (i32, i32) {
    %c0_i32 = arith.constant 0 : i32
    %c0_i32_0 = arith.constant 0 : i32
    %c0_i32_1 = arith.constant 0 : i32
    return %c0_i32, %c0_i32_0 : i32, i32
  }
  func.func @transform_9(%arg0: i32) -> (i32, i32) {
    %c0_i32 = arith.constant 0 : i32
    %c0_i32_0 = arith.constant 0 : i32
    %c0_i32_1 = arith.constant 0 : i32
    return %c0_i32, %c0_i32_0 : i32, i32
  }
  func.func @transform_10(%arg0: i32) -> (i32, i32) {
    %c0_i32 = arith.constant 0 : i32
    %c0_i32_0 = arith.constant 0 : i32
    return %arg0, %c0_i32 : i32, i32
  }
  func.func @transform_11(%arg0: i32) -> (i32, i32) {
    %c0_i32 = arith.constant 0 : i32
    %c0_i32_0 = arith.constant 0 : i32
    return %arg0, %c0_i32 : i32, i32
  }
}

module attributes {stable_mosaic.version = 14 : i64} {
  func.func @_comb_last_body(%arg0: i32, %arg1: memref<512x64xf32, #tpu.memory_space<vmem>>, %arg2: memref<2x512x64xbf16, #tpu.memory_space<vmem>>, %arg3: memref<512x1xf32, #tpu.memory_space<vmem>>, %arg4: memref<512x1xf32, #tpu.memory_space<vmem>>, %arg5: memref<64x64xf32, #tpu.memory_space<vmem>>, %arg6: memref<64x64xf32, #tpu.memory_space<vmem>>, %arg7: memref<1x64xf32, #tpu.memory_space<vmem>>, %arg8: memref<1x64xf32, #tpu.memory_space<vmem>>, %arg9: memref<1x64xf32, #tpu.memory_space<vmem>>, %arg10: memref<1x64xf32, #tpu.memory_space<vmem>>) attributes {dimension_semantics = [#tpu.dimension_semantics<arbitrary>], iteration_bounds = array<i64: 20>, scalar_prefetch = 0 : i64, scratch_operands = 0 : i64, tpu.core_type = #tpu.core_type<tc>, window_params = [{transform_indices = @transform_0, window_bounds = array<i64: 512, 64>}, {transform_indices = @transform_1, window_bounds = array<i64: 2, 512, 64>}, {transform_indices = @transform_2, window_bounds = array<i64: 512, 1>}, {transform_indices = @transform_3, window_bounds = array<i64: 512, 1>}, {pipeline_mode = #tpu.pipeline_mode<synchronous>, transform_indices = @transform_4, window_bounds = array<i64: 64, 64>}, {pipeline_mode = #tpu.pipeline_mode<synchronous>, transform_indices = @transform_5, window_bounds = array<i64: 64, 64>}, {pipeline_mode = #tpu.pipeline_mode<synchronous>, transform_indices = @transform_6, window_bounds = array<i64: 1, 64>}, {pipeline_mode = #tpu.pipeline_mode<synchronous>, transform_indices = @transform_7, window_bounds = array<i64: 1, 64>}, {pipeline_mode = #tpu.pipeline_mode<synchronous>, transform_indices = @transform_8, window_bounds = array<i64: 1, 64>}, {pipeline_mode = #tpu.pipeline_mode<synchronous>, transform_indices = @transform_9, window_bounds = array<i64: 1, 64>}]} {
    %get3A = arith.constant 0 : index
    %get3A_0 = arith.constant 0 : index
    %get3A_1 = vector.load %arg1[%get3A, %get3A_0] : memref<512x64xf32, #tpu.memory_space<vmem>>, vector<512x64xf32>
    %get3A_2 = arith.constant 0 : index
    %get3A_3 = arith.constant 0 : index
    %get3A_4 = arith.constant 0 : index
    %get3A_5 = vector.load %arg2[%get3A_2, %get3A_3, %get3A_4] : memref<2x512x64xbf16, #tpu.memory_space<vmem>>, vector<1x512x64xbf16>
    %get3A_6 = vector.shape_cast %get3A_5 : vector<1x512x64xbf16> to vector<512x64xbf16>
    %get3A_7 = arith.constant 1 : index
    %get3A_8 = arith.constant 0 : index
    %get3A_9 = arith.constant 0 : index
    %get3A_10 = vector.load %arg2[%get3A_7, %get3A_8, %get3A_9] : memref<2x512x64xbf16, #tpu.memory_space<vmem>>, vector<1x512x64xbf16>
    %get3A_11 = vector.shape_cast %get3A_10 : vector<1x512x64xbf16> to vector<512x64xbf16>
    %add3A = arith.addf %get3A_6, %get3A_11 : vector<512x64xbf16>
    %convert_element_type3A = arith.extf %add3A : vector<512x64xbf16> to vector<512x64xf32>
    %add3A_12 = arith.addf %convert_element_type3A, %get3A_1 : vector<512x64xf32>
    %get3A_13 = arith.constant 0 : index
    %get3A_14 = arith.constant 0 : index
    %get3A_15 = vector.load %arg5[%get3A_13, %get3A_14] : memref<64x64xf32, #tpu.memory_space<vmem>>, vector<64x64xf32>
    %dot_general3A = arith.constant dense<0.000000e+00> : vector<512x64xf32>
    %dot_general3A_16 = tpu.matmul %get3A_1, %get3A_15, %dot_general3A {dimension_numbers = #tpu.dot_dimension_numbers<[1], [0], [0], [1], [0, 0, 1, 1], [], []>, transpose_lhs_hint = false} : vector<512x64xf32>, vector<64x64xf32>, vector<512x64xf32> -> vector<512x64xf32>
    %get3A_17 = arith.constant 0 : index
    %get3A_18 = arith.constant 0 : index
    %get3A_19 = vector.load %arg8[%get3A_17, %get3A_18] : memref<1x64xf32, #tpu.memory_space<vmem>>, vector<1x64xf32>
    %add3A_20 = vector.broadcast %get3A_19 : vector<1x64xf32> to vector<512x64xf32>
    %add3A_21 = arith.addf %dot_general3A_16, %add3A_20 : vector<512x64xf32>
    %get3A_22 = arith.constant 0 : index
    %get3A_23 = arith.constant 0 : index
    %get3A_24 = vector.load %arg6[%get3A_22, %get3A_23] : memref<64x64xf32, #tpu.memory_space<vmem>>, vector<64x64xf32>
    %dot_general3A_25 = arith.constant dense<0.000000e+00> : vector<512x64xf32>
    %dot_general3A_26 = tpu.matmul %add3A_12, %get3A_24, %dot_general3A_25 {dimension_numbers = #tpu.dot_dimension_numbers<[1], [0], [0], [1], [0, 0, 1, 1], [], []>, transpose_lhs_hint = false} : vector<512x64xf32>, vector<64x64xf32>, vector<512x64xf32> -> vector<512x64xf32>
    %get3A_27 = arith.constant 0 : index
    %get3A_28 = arith.constant 0 : index
    %get3A_29 = vector.load %arg3[%get3A_27, %get3A_28] : memref<512x1xf32, #tpu.memory_space<vmem>>, vector<512x1xf32>
    %mul3A = vector.broadcast %get3A_29 : vector<512x1xf32> to vector<512x64xf32>
    %mul3A_30 = arith.mulf %mul3A, %add3A_21 : vector<512x64xf32>
    %add3A_31 = arith.addf %mul3A_30, %dot_general3A_26 : vector<512x64xf32>
    %get3A_32 = arith.constant 0 : index
    %get3A_33 = arith.constant 0 : index
    %get3A_34 = vector.load %arg4[%get3A_32, %get3A_33] : memref<512x1xf32, #tpu.memory_space<vmem>>, vector<512x1xf32>
    %get3A_35 = arith.constant 0 : index
    %get3A_36 = arith.constant 0 : index
    %get3A_37 = vector.load %arg7[%get3A_35, %get3A_36] : memref<1x64xf32, #tpu.memory_space<vmem>>, vector<1x64xf32>
    %mul3A_38 = vector.broadcast %get3A_34 : vector<512x1xf32> to vector<512x64xf32>
    %mul3A_39 = vector.broadcast %get3A_37 : vector<1x64xf32> to vector<512x64xf32>
    %mul3A_40 = arith.mulf %mul3A_38, %mul3A_39 : vector<512x64xf32>
    %add3A_41 = arith.addf %add3A_31, %mul3A_40 : vector<512x64xf32>
    %get3A_42 = arith.constant 0 : index
    %get3A_43 = arith.constant 0 : index
    %get3A_44 = vector.load %arg9[%get3A_42, %get3A_43] : memref<1x64xf32, #tpu.memory_space<vmem>>, vector<1x64xf32>
    %add3A_45 = vector.broadcast %get3A_44 : vector<1x64xf32> to vector<512x64xf32>
    %add3A_46 = arith.addf %add3A_41, %add3A_45 : vector<512x64xf32>
    %mul3A_47 = arith.constant 512 : i32
    %mul3A_48 = arith.muli %arg0, %mul3A_47 : i32
    %iota3A = tpu.iota {dimensions = array<i32: 0>} : vector<512x1xi32>
    %add3A_49 = vector.broadcast %mul3A_48 : i32 to vector<512x1xi32>
    %add3A_50 = arith.addi %add3A_49, %iota3A : vector<512x1xi32>
    %lt3A = arith.constant 10000 : i32
    %lt3A_51 = vector.broadcast %lt3A : i32 to vector<512x1xi32>
    %lt3A_52 = arith.cmpi slt, %add3A_50, %lt3A_51 : vector<512x1xi32>
    %jit3A = arith.constant 0.000000e+00 : f32
    %broadcast_in_dim3A = vector.shape_cast %lt3A_52 : vector<512x1xi1> to vector<512x1xi1>
    %broadcast_in_dim3A_53 = vector.broadcast %broadcast_in_dim3A : vector<512x1xi1> to vector<512x64xi1>
    %broadcast_in_dim3A_54 = vector.broadcast %jit3A : f32 to vector<512x64xf32>
    %select_n3A = arith.select %broadcast_in_dim3A_53, %add3A_46, %broadcast_in_dim3A_54 : vector<512x64xi1>, vector<512x64xf32>
    %eq3A = arith.constant 0 : i32
    %eq3A_55 = arith.cmpi eq, %arg0, %eq3A : i32
    %convert_element_type3A_56 = arith.extui %eq3A_55 : i1 to i32
    %cond3A = arith.constant 0 : i32
    %cond3A_57 = arith.cmpi ne, %convert_element_type3A_56, %cond3A : i32
    scf.if %cond3A_57 {
      %broadcast_in_dim3A_71 = arith.constant 0.000000e+00 : f32
      %broadcast_in_dim3A_72 = vector.broadcast %broadcast_in_dim3A_71 : f32 to vector<1x64xf32>
      %swap3A_73 = arith.constant 0 : index
      %swap3A_74 = arith.constant 0 : index
      %swap3A_75 = vector.load %arg10[%swap3A_73, %swap3A_74] : memref<1x64xf32, #tpu.memory_space<vmem>>, vector<1x64xf32>
      tpu.vector_store %arg10[%swap3A_73, %swap3A_74], %broadcast_in_dim3A_72 {strides = array<i32>} : memref<1x64xf32, #tpu.memory_space<vmem>>, vector<1x64xf32>,
    } else {
    }
    %get3A_58 = arith.constant 0 : index
    %get3A_59 = arith.constant 0 : index
    %get3A_60 = vector.load %arg10[%get3A_58, %get3A_59] : memref<1x64xf32, #tpu.memory_space<vmem>>, vector<1x64xf32>
    %reduce_sum3A = arith.constant dense<0.000000e+00> : vector<64xf32>
    %reduce_sum3A_61 = vector.multi_reduction <add>, %select_n3A, %reduce_sum3A [0] : vector<512x64xf32> to vector<64xf32>
    %broadcast_in_dim3A_62 = vector.shape_cast %reduce_sum3A_61 : vector<64xf32> to vector<1x64xf32>
    %add3A_63 = arith.addf %get3A_60, %broadcast_in_dim3A_62 : vector<1x64xf32>
    %swap3A = arith.constant 0 : index
    %swap3A_64 = arith.constant 0 : index
    %swap3A_65 = vector.load %arg10[%swap3A, %swap3A_64] : memref<1x64xf32, #tpu.memory_space<vmem>>, vector<1x64xf32>
    tpu.vector_store %arg10[%swap3A, %swap3A_64], %add3A_63 {strides = array<i32>} : memref<1x64xf32, #tpu.memory_space<vmem>>, vector<1x64xf32>,
    %eq3A_66 = arith.constant 19 : i32
    %eq3A_67 = arith.cmpi eq, %arg0, %eq3A_66 : i32
    %convert_element_type3A_68 = arith.extui %eq3A_67 : i1 to i32
    %cond3A_69 = arith.constant 0 : i32
    %cond3A_70 = arith.cmpi ne, %convert_element_type3A_68, %cond3A_69 : i32
    scf.if %cond3A_70 {
      %get3A_71 = arith.constant 0 : index
      %get3A_72 = arith.constant 0 : index
      %get3A_73 = vector.load %arg10[%get3A_71, %get3A_72] : memref<1x64xf32, #tpu.memory_space<vmem>>, vector<1x64xf32>
      %div3A = arith.constant 1.000000e+04 : f32
      %div3A_74 = vector.broadcast %div3A : f32 to vector<1x64xf32>
      %div3A_75 = arith.divf %get3A_73, %div3A_74 : vector<1x64xf32>
      %iota3A_76 = tpu.iota {dimensions = array<i32: 1>} : vector<1x64xi32>
      %lt3A_77 = arith.constant 40 : i32
      %lt3A_78 = vector.broadcast %lt3A_77 : i32 to vector<1x64xi32>
      %lt3A_79 = arith.cmpi slt, %iota3A_76, %lt3A_78 : vector<1x64xi32>
      %jit3A_80 = arith.constant -1.000000e+30 : f32
      %broadcast_in_dim3A_81 = vector.broadcast %jit3A_80 : f32 to vector<1x64xf32>
      %select_n3A_82 = arith.select %lt3A_79, %div3A_75, %broadcast_in_dim3A_81 : vector<1x64xi1>, vector<1x64xf32>
      %reduce_max3A = arith.constant dense<0xFF800000> : vector<1xf32>
      %reduce_max3A_83 = vector.multi_reduction <maximumf>, %select_n3A_82, %reduce_max3A [1] : vector<1x64xf32> to vector<1xf32>
      %broadcast_in_dim3A_84 = vector.shape_cast %reduce_max3A_83 : vector<1xf32> to vector<1x1xf32>
      %sub3A = vector.broadcast %broadcast_in_dim3A_84 : vector<1x1xf32> to vector<1x64xf32>
      %sub3A_85 = arith.subf %select_n3A_82, %sub3A : vector<1x64xf32>
      %exp3A = math.exp %sub3A_85 : vector<1x64xf32>
      %jit3A_86 = arith.constant 0.000000e+00 : f32
      %broadcast_in_dim3A_87 = vector.broadcast %jit3A_86 : f32 to vector<1x64xf32>
      %select_n3A_88 = arith.select %lt3A_79, %exp3A, %broadcast_in_dim3A_87 : vector<1x64xi1>, vector<1x64xf32>
      %reduce_sum3A_89 = arith.constant dense<0.000000e+00> : vector<1xf32>
      %reduce_sum3A_90 = vector.multi_reduction <add>, %select_n3A_88, %reduce_sum3A_89 [1] : vector<1x64xf32> to vector<1xf32>
      %broadcast_in_dim3A_91 = vector.shape_cast %reduce_sum3A_90 : vector<1xf32> to vector<1x1xf32>
      %log3A = math.log %broadcast_in_dim3A_91 : vector<1x1xf32>
      %sub3A_92 = vector.broadcast %broadcast_in_dim3A_84 : vector<1x1xf32> to vector<1x64xf32>
      %sub3A_93 = arith.subf %select_n3A_82, %sub3A_92 : vector<1x64xf32>
      %sub3A_94 = vector.broadcast %log3A : vector<1x1xf32> to vector<1x64xf32>
      %sub3A_95 = arith.subf %sub3A_93, %sub3A_94 : vector<1x64xf32>
      %swap3A_96 = arith.constant 0 : index
      %swap3A_97 = arith.constant 0 : index
      %swap3A_98 = vector.load %arg10[%swap3A_96, %swap3A_97] : memref<1x64xf32, #tpu.memory_space<vmem>>, vector<1x64xf32>
      tpu.vector_store %arg10[%swap3A_96, %swap3A_97], %sub3A_95 {strides = array<i32>} : memref<1x64xf32, #tpu.memory_space<vmem>>, vector<1x64xf32>,
    } else {
    }
    return
  }
  func.func @transform_0(%arg0: i32) -> (i32, i32) {
    %c0_i32 = arith.constant 0 : i32
    %c0_i32_0 = arith.constant 0 : i32
    return %arg0, %c0_i32 : i32, i32
  }
  func.func @transform_1(%arg0: i32) -> (i32, i32, i32) {
    %c0_i32 = arith.constant 0 : i32
    %c0_i32_0 = arith.constant 0 : i32
    %c0_i32_1 = arith.constant 0 : i32
    return %c0_i32, %arg0, %c0_i32_0 : i32, i32, i32
  }
  func.func @transform_2(%arg0: i32) -> (i32, i32) {
    %c0_i32 = arith.constant 0 : i32
    %c0_i32_0 = arith.constant 0 : i32
    return %arg0, %c0_i32 : i32, i32
  }
  func.func @transform_3(%arg0: i32) -> (i32, i32) {
    %c0_i32 = arith.constant 0 : i32
    %c0_i32_0 = arith.constant 0 : i32
    return %arg0, %c0_i32 : i32, i32
  }
  func.func @transform_4(%arg0: i32) -> (i32, i32) {
    %c0_i32 = arith.constant 0 : i32
    %c0_i32_0 = arith.constant 0 : i32
    %c0_i32_1 = arith.constant 0 : i32
    return %c0_i32, %c0_i32_0 : i32, i32
  }
  func.func @transform_5(%arg0: i32) -> (i32, i32) {
    %c0_i32 = arith.constant 0 : i32
    %c0_i32_0 = arith.constant 0 : i32
    %c0_i32_1 = arith.constant 0 : i32
    return %c0_i32, %c0_i32_0 : i32, i32
  }
  func.func @transform_6(%arg0: i32) -> (i32, i32) {
    %c0_i32 = arith.constant 0 : i32
    %c0_i32_0 = arith.constant 0 : i32
    %c0_i32_1 = arith.constant 0 : i32
    return %c0_i32, %c0_i32_0 : i32, i32
  }
  func.func @transform_7(%arg0: i32) -> (i32, i32) {
    %c0_i32 = arith.constant 0 : i32
    %c0_i32_0 = arith.constant 0 : i32
    %c0_i32_1 = arith.constant 0 : i32
    return %c0_i32, %c0_i32_0 : i32, i32
  }
  func.func @transform_8(%arg0: i32) -> (i32, i32) {
    %c0_i32 = arith.constant 0 : i32
    %c0_i32_0 = arith.constant 0 : i32
    %c0_i32_1 = arith.constant 0 : i32
    return %c0_i32, %c0_i32_0 : i32, i32
  }
  func.func @transform_9(%arg0: i32) -> (i32, i32) {
    %c0_i32 = arith.constant 0 : i32
    %c0_i32_0 = arith.constant 0 : i32
    %c0_i32_1 = arith.constant 0 : i32
    return %c0_i32, %c0_i32_0 : i32, i32
  }
}

</mosaic_0001>

<sc_bundles>
// kernel: kernel.13.cloned.1.call-start
scs
__scs_entry_jumppad:
0x0: {  	(pc) =	sbr.rel $0x88, $3  }
0x1: {  	(tag) =	ssettag $0x0;
	lr =	simm.s32 $0x1  }
0x2: {  	[smem:$0x3F92] =	sst lr;
	_ =	strace $0xD0000000  }
0x3: {  	_ = 	snop  }
0x4: {  	_ = 	snop  }
0x5: {  	_ = 	snop  }
0x6: {  	_ = 	snop  }
0x7: {  	_ = 	snop  }
__scs_overlays_trampoline_lowered:
0x8: {  	[smem:$0x3FA1] =	sst s0  }
0x9: {  	[smem:$0x3FA2] =	sst s1  }
0xa: {  	[smem:$0x3FA3] =	sst s2  }
0xb: {  	[smem:$0x3FA4] =	sst s3  }
0xc: {  	[smem:$0x3FA5] =	sst s4  }
0xd: {  	[smem:$0x3FA6] =	sst s5  }
0xe: {  	[smem:$0x3FA7] =	sst s6  }
0xf: {  	[smem:$0x3FA8] =	sst s7  }
0x10: {  	[smem:$0x3FA9] =	sst s8  }
0x11: {  	[smem:$0x3FAA] =	sst s9;
	s0 =	simm.s32 @!p0 $0x0  }
0x12: {  	s1 =	sld [smem:$0x3F90];
	s0 =	simm.s32 @p0 $0x1  }
0x13: {  	[smem:$0x3FAB] =	sst s0;
	s0 =	simm.s32 @!p1 $0x0  }
0x14: {  	s2 =	sld [smem:$0x3F8F];
	s0 =	simm.s32 @p1 $0x1  }
0x15: {  	[smem:$0x3FAC] =	sst s0;
	s0 =	simm.s32 @!p2 $0x0  }
0x16: {  	s3 =	sld [smem:$0x3FDB];
	s0 =	simm.s32 @p2 $0x1  }
0x17: {  	s4 =	simm.s32 $0x1BF5;
	[smem:$0x3FAE] =	sst s0  }
0x18: {  	s0 =	sld [smem:$0x3F91];
	_ =	swait.ge [sflag:s4], $0x0  }
0x19: {  	s7 =	sld [smem:$0x3F92]  }
0x1a: {  	s8 =	sadd.s32 $0xFFFFE003, lr  }
0x1b: {  	s9 =	sadd.s32 $0xFFFFFEF7, lr;
	s5 =	simm.s32 $0xFFFFFFFF;
	p2 =	slt.u32 s8, $0xFFFFF086  }
0x1c: {  	p1 =	slt.u32 s9, $0xF7A;
	s5 =	simm.s32 @!p2 $0x0  }
0x1d: {  	s5 =	simm.s32 @p1 $0x1;
	p0 =	seq.s32 s7, s2  }
0x1e: {  	s7 =	smul.u32 @!p0 $0xF7A, s2;
	p2 =	seq.s32 @!p0 s5, $0x0  }
0x1f: {  	s9 =	smul.u32 $0xF7A, s1;
	s8 =	simm.s32 @!p0 $0x1BF5;
	p2 =	por !p2, p0  }
0x20: {  	[sflag:s8] =	ssyncset.s32 @!p0 $0xFFFFF086;
	s6 =	sadd.s32 @!p0 s3, s7;
	s7 =	simm.s32 @!p0 $0x108  }
0x21: {  	s3 =	sadd.s32 s3, s9;
	s6 =	sadd.s32 @!p0 $0x88, s6;
	s7 =	simm.s32 @p2 $0x1082  }
0x22: {  	[simem:s7], [sflag:s8] =	dma.local @!p0 [hbm:s6], $0xF7A  }
0x23: {  	s9 =	sor.u32 $0xD0000000, s2;
	s6 =	simm.s32 $0x108;
	_ =	swait.ge @!p0 [sflag:s8], $0x0  }
0x24: {  	s3 =	sadd.s32 $0x88, s3;
	s6 =	simm.s32 @!p1 $0x1082;
	[sflag:s4] =	ssyncset.s32 $0xFFFFF086  }
0x25: {  	[simem:s6], [sflag:s4] =	dma.local [hbm:s3], $0xF7A  }
0x26: {  	[smem:$0x3F92] =	sst s1;
	(tag) =	ssettag s2;
	_ =	strace s9  }
0x27: {  	s1 =	sld [smem:$0x3FA2]  }
0x28: {  	s2 =	sld [smem:$0x3FA3]  }
0x29: {  	s4 =	sld [smem:$0x3FA5]  }
0x2a: {  	p0 =	seq.s32 s5, $0x0;
	s5 =	sld [smem:$0x3FA6]  }
0x2b: {  	s6 =	sld [smem:$0x3FA7]  }
0x2c: {  	s7 =	sld [smem:$0x3FA8]  }
0x2d: {  	s3 =	simm.s32 $0x108;
	s8 =	sld [smem:$0x3FA9]  }
0x2e: {  	s3 =	simm.s32 @!p0 $0x1082;
	s9 =	sld [smem:$0x3FAA]  }
0x2f: {  	lr =	sadd.s32 s0, s3;
	s0 =	sld [smem:$0x3FA1]  }
0x30: {  	s3 =	sld [smem:$0x3FA4]  }
0x31: {  	[smem:$0x3FAD] =	sst s10  }
0x32: {  	s10 =	sld [smem:$0x3FAB];
	_ =	sdelay $0x3  }
0x33: {  	p0 =	seq.s32 s10, $0x1;
	s10 =	sld [smem:$0x3FAD];
	_ =	sdelay $0x3  }
0x34: {  	[smem:$0x3FAD] =	sst s10  }
0x35: {  	s10 =	sld [smem:$0x3FAC];
	_ =	sdelay $0x3  }
0x36: {  	p1 =	seq.s32 s10, $0x1;
	s10 =	sld [smem:$0x3FAD];
	_ =	sdelay $0x3  }
0x37: {  	[smem:$0x3FAD] =	sst s10  }
0x38: {  	s10 =	sld [smem:$0x3FAE]  }
0x39: {  	_ = 	snop;
	(pc) =	sbr.ind lr, $3  }
0x3a: {  	_ = 	snop  }
0x3b: {  	_ = 	snop  }
0x3c: {  	p2 =	seq.s32 s10, $0x1;
	s10 =	sld [smem:$0x3FAD]  }
0x3d: {  	_ =	shalt  }
0x3e: {  	_ =	shalt  }
0x3f: {  	_ =	shalt  }
0x40: {  	_ =	shalt  }
0x41: {  	_ =	shalt  }
0x42: {  	_ =	shalt  }
0x43: {  	_ =	shalt  }
0x44: {  	_ =	shalt  }
0x45: {  	_ =	shalt  }
0x46: {  	_ =	shalt  }
0x47: {  	_ =	shalt  }
0x48: {  	_ =	shalt  }
0x49: {  	_ =	shalt  }
0x4a: {  	_ =	shalt  }
0x4b: {  	_ =	shalt  }
0x4c: {  	_ =	shalt  }
0x4d: {  	_ =	shalt  }
0x4e: {  	_ =	shalt  }
0x4f: {  	_ =	shalt  }
0x50: {  	_ =	shalt  }
0x51: {  	_ =	shalt  }
0x52: {  	_ =	shalt  }
0x53: {  	_ =	shalt  }
0x54: {  	_ =	shalt  }
0x55: {  	_ =	shalt  }
0x56: {  	_ =	shalt  }
0x57: {  	_ =	shalt  }
0x58: {  	_ =	shalt  }
0x59: {  	_ =	shalt  }
0x5a: {  	_ =	shalt  }
0x5b: {  	_ =	shalt  }
0x5c: {  	_ =	shalt  }
0x5d: {  	_ =	shalt  }
0x5e: {  	_ =	shalt  }
0x5f: {  	_ =	shalt  }
0x60: {  	_ =	shalt  }
0x61: {  	_ =	shalt  }
0x62: {  	_ =	shalt  }
0x63: {  	_ =	shalt  }
0x64: {  	_ =	shalt  }
0x65: {  	_ =	shalt  }
0x66: {  	_ =	shalt  }
0x67: {  	_ =	shalt  }
0x68: {  	_ =	shalt  }
0x69: {  	_ =	shalt  }
0x6a: {  	_ =	shalt  }
0x6b: {  	_ =	shalt  }
0x6c: {  	_ =	shalt  }
0x6d: {  	_ =	shalt  }
0x6e: {  	_ =	shalt  }
0x6f: {  	_ =	shalt  }
0x70: {  	_ =	shalt  }
0x71: {  	_ =	shalt  }
0x72: {  	_ =	shalt  }
0x73: {  	_ =	shalt  }
0x74: {  	_ =	shalt  }
0x75: {  	_ =	shalt  }
0x76: {  	_ =	shalt  }
0x77: {  	_ =	shalt  }
0x78: {  	_ =	shalt  }
0x79: {  	_ =	shalt  }
0x7a: {  	_ =	shalt  }
0x7b: {  	_ =	shalt  }
0x7c: {  	_ =	shalt  }
0x7d: {  	_ =	shalt  }
0x7e: {  	_ =	shalt  }
0x7f: {  	_ =	shalt  }
0x80: {  	_ =	shalt  }
0x81: {  	_ =	shalt  }
0x82: {  	_ =	shalt  }
0x83: {  	_ =	shalt  }
0x84: {  	_ =	shalt  }
0x85: {  	_ =	shalt  }
0x86: {  	_ =	shalt  }
0x87: {  	_ =	shalt  }
.Lfunc_end0:
.L_simem_size_0:
called_computation_lowered:
.L_overlay_start_0:
0x88: {  	s2 =	sld [smem:$0x3FD9]  }
0x89: {  	s3 =	sld [smem:$0x3FFE];
	_ =	sdelay $0x1  }
0x8a: {  	s1 =	srdreg.scid  }
0x8b: {  	s0 =	sand.u32 $0x1, s1  }
0x8c: {  	s16 =	sshll.u32 s0, $0xA;
	s2 =	sadd.s32 s3, s2  }
0x8d: {  	s2 =	sadd.s32 s2, s16  }
0x8e: {  	[smem:$0x3FB9] =	sst s2  }
0x8f: {  	_ = 	snop  }
0x90: {  	(tm) =	ssettm $0x1  }
0x91: {  	s17 =	sld [smem:$0x3FFB];
	_ =	sdelay $0x3  }
0x92: {  	_ =	strace s17  }
0x93: {  	s2 =	sld [smem:$0x3FFC];
	_ =	sdelay $0x3  }
0x94: {  	_ =	strace s2  }
0x95: {  	s2 =	sld [smem:$0x3FFD];
	_ =	sdelay $0x3  }
0x96: {  	_ =	strace s2  }
0x97: {  	_ =	strace $0x8FFFFFFF  }
0x98: {  	s18 =	sld [smem:$0x3FDB];
	_ =	sdelay $0x1  }
0x99: {  	s19 =	simm.s32 $_scs_section_size  }
0x9a: {  	s4 =	simm.s32 $_size__tile_overlayer_lowered;
	s5 =	simm.s32 $_tile_overlayer_lowered  }
0x9b: {  	s22 =	simm.s32 $0x1BFF;
	s21 =	sshll.u32 s5, $0x1;
	s2 =	sadd.s32 s19, s18  }
0x9c: {  	s6 =	simm.s32 $0x0;
	s20 =	sshll.u32 s4, $0x1;
	s4 =	sadd.s32 s21, s2  }
0x9d: {  	[timem:s6], [sflag:s22] =	dma.local [hbm:s4], s20  }
0x9e: {  	_ =	swait.ge [sflag:s22], s20  }
0x9f: {  	s3 =	ssub.s32 $0x0, s20;
	[sflag:s22] =	ssyncset.done $0x0  }
0xa0: {  	[sflag:s22] =	ssyncadd.s32 s3;
	_ =	sdelay $0x1  }
0xa1: {  	s23 =	simm.s32 $0x1B8B  }
0xa2: {  	_ =	swait.ge [sflag:s23], $0x1  }
0xa3: {  	[sflag:s23] =	ssyncset.done $0x0  }
0xa4: {  	s25 =	simm.s32 $0x1B8E;
	s24 =	sld [smem:$0x3FFE];
	[sflag:s23] =	ssyncadd.s32 $0xFFFFFFFF  }
0xa5: {  	s26 =	simm.s32 $execute0_lowered;
	[smem:$0x3FD2] =	sst s25  }
0xa6: {  	s4 =	sshll.u32 s26, $0x1;
	_ =	strace $0x80000046;
	[dreg:$0x1] =	wrdreg $0xFFFFFFFF  }
0xa7: {  	s28 =	simm.s32 $_size_execute0_lowered;
	s2 =	sadd.s32 s2, s4;
	[dreg:$0x0] =	wrdreg $0x0  }
0xa8: {  	s4 =	sshll.u32 s28, $0x1;
	[dreg:$0x2] =	wrdreg s2  }
0xa9: {  	[dreg:$0x3] =	wrdreg s4  }
0xaa: {  	[dreg:$0x4] =	wrdreg $0xC0  }
0xab: {  	_ =	task [dreg:s6], $0x5FFFF  }
0xac: {  	[dreg:$0x1] =	wrdreg $0xFFFFFFFF  }
0xad: {  	[dreg:$0x0] =	wrdreg $0x60  }
0xae: {  	[dreg:$0x2] =	wrdreg s24  }
0xaf: {  	[dreg:$0x3] =	wrdreg $0x9  }
0xb0: {  	_ =	task.clear_ibuf [dreg:s6], $0x4FFFF;
	_ =	strace $0x90000046  }
0xb1: {  	s29 =	simm.s32 $0x9;
	_ =	strace $0x80000048  }
0xb2: {  	_ =	swait.ge [sflag:s29], $0x1  }
0xb3: {  	[sflag:s29] =	ssyncadd.s32 $0xFFFFFFFF  }
0xb4: {  	_ =	strace $0x90000048  }
0xb5: {  	_ =	sfence  }
0xb6: {  	s30 =	sld [smem:$0x0];
	_ =	sdelay $0x2  }
0xb7: {  	s31 =	sshll.u32 s1, $0xD;
	s1 =	sshrl.u32 s1, $0x2  }
0xb8: {  	s3 =	sand.u32 $0x4000, s31;
	s1 =	sadd.s32 s1, s30  }
0xb9: {  	s0 =	sor.u32 s3, s0;
	s1 =	sshll.u32 s1, $0x11  }
0xba: {  	s0 =	sor.u32 s1, s0  }
0xbb: {  	s0 =	sadd.s32 $0x8F2B, s0  }
0xbc: {  	[sflag:s0] =	ssyncadd.remote.s32 $0x1  }
0xbd: {  	_ =	sfence.sel $0xFFFF  }
0xbe: {  	[dreg:$0x0] =	wrdreg $0xFFFFFFFF;
	(pc) =	sbr.abs _section_cstart, $3  }
0xbf: {  	[dreg:$0x1] =	wrdreg $0xFFFFFFFF  }
0xc0: {  	_ =	task.clear_ibuf [dreg:s6], $0x2FFFF;
	_ =	strace $0x9FFFFFFF  }
0xc1: {  	(tm) =	ssettm $0x7FFFFFFF  }
tec
execute0_lowered:
.L_overlay_start_1:
0x0: {  	(tag) =	ssettag $0x1  }
0x1: {  	s1 =	srdreg.scid  }
0x2: {  	s0 =	stileid.u32;
	s4 =	rddreg [dreg:$0x0]  }
0x3: {  	s2 =	simm.s32 $0x0;
	s11 =	simm.s32 $0x1;
	s12 =	simm.s32 $0x2800  }
0x4: {  	s13 =	simm.s32 $0x5000;
	s14 =	simm.s32 $0xA000;
	s15 =	simm.s32 $0xC800  }
0x5: {  	s16 =	simm.s32 $0x7800;
	s3 =	sand.u32 $0x1, s1;
	s5 =	sshll.u32 s0, $0x1  }
0x6: {  	s17 =	simm.s32 $0x0;
	s5 =	sor.u32 s3, s5;
	s6 =	ssub.s32 $0x2, s3  }
0x7: {  	[smem:$0x7FF] =	sst s2;
	s5 =	smul.u32 $0x500, s5;
	s31 =	sshrl.u32 s6, $0x1  }
0x8: {  	s1 =	rddreg [dreg:$0x1];
	_ =	strace $0x80000047;
	s10 =	ssub.s32 s6, s31  }
0x9: {  	s3 =	sadd.s32 $0x23400, s4;
	s9 =	sadd.s32 s5, s4;
	s10 =	smax.u32 s10, $0x1  }
0xa: {  	s4 =	sadd.s32 $0x5400, s9;
	s5 =	sadd.s32 $0xF400, s9;
	s6 =	sadd.s32 $0x19400, s9  }
0xb: {  	v0 =	vimm.f32 $1.000000000e+00;
	s7 =	sadd.s32 $0x2DA00, s9;
	s8 =	sadd.s32 $0x23A00, s9;
	s9 =	sadd.s32 $0x37A00, s9  }
.LBB2_1:
0xc: {  	[tilespmem:s2], [sflag:$0x1] =	stream.linear.gather [hbm4b:s4+s2], $0x2800, $0x38;
	[tilespmem:$0xF000] =	vst v63  }
0xd: {  	_ =	swait.ge [sflag:s11], $0x2800  }
0xe: {  	[sflag:s11] =	ssyncset.done $0x0  }
0xf: {  	[sflag:s11] =	ssyncadd.s32 $0xFFFFD800  }
0x10: {  	[tilespmem:s12], [sflag:$0x1] =	stream.linear.gather [hbm4b:s5+s2], $0x2800, $0x38;
	[tilespmem:$0xF000] =	vst v63  }
0x11: {  	_ =	swait.ge [sflag:s11], $0x2800  }
0x12: {  	[sflag:s11] =	ssyncset.done $0x0  }
0x13: {  	[sflag:s11] =	ssyncadd.s32 $0xFFFFD800  }
0x14: {  	[tilespmem:s13], [sflag:$0x1] =	stream.linear.gather [hbm4b:s6+s2], $0x2800, $0x38;
	[tilespmem:$0xF000] =	vst v63  }
0x15: {  	_ =	swait.ge [sflag:s11], $0x2800  }
0x16: {  	[sflag:s11] =	ssyncset.done $0x0  }
0x17: {  	[sflag:s11] =	ssyncadd.s32 $0xFFFFD800  }
0x18: {  	[tilespmem:s14], [sflag:$0x1] =	stream.linear.gather [hbm4b:s3+s2], $0x2800, $0x38;
	[tilespmem:$0xF000] =	vst v63  }
0x19: {  	_ =	swait.ge [sflag:s11], $0x2800  }
0x1a: {  	[sflag:s11] =	ssyncset.done $0x0  }
0x1b: {  	[sflag:s11] =	ssyncadd.s32 $0xFFFFD800  }
0x1c: {  	[tilespmem:s15], [sflag:$0x1] =	stream.linear.gather [hbm4b:s3+s2], $0x2800, $0x38;
	[tilespmem:$0xF000] =	vst v63  }
0x1d: {  	_ =	swait.ge [sflag:s11], $0x2800  }
0x1e: {  	[sflag:s11] =	ssyncset.done $0x0  }
0x1f: {  	s18 =	simm.s32 $0x0;
	[sflag:s11] =	ssyncadd.s32 $0xFFFFD800  }
0x20: {  	v2 =	vld [tilespmem:s18+$0x5000]  }
0x21: {  	s19 =	simm.s32 $0x40;
	v1 =	vld [tilespmem:s18+$0x2800]  }
.LBB2_2:
0x22: {  	p0 =	sne.s32 s19, $0x9FC0;
	v3 =	vld [tilespmem:s18+$0x0];
	_ =	sdelay $0x4  }
0x23: {  	v2 =	vand.u32 $0x7FFFFFFF, v2;
	vm0 =	veq.s32 v3, v1  }
.Ltmp0:
0x24: {  	v2 =	vsel vm0, $0x0, v2;
	v3 =	vsel vm0, $0x2710, v1;
	(pc) =	sbr.rel @p0 .LBB2_2-.Ltmp0, $4  }
0x25: {  	[tilespmem:v1+s14+$0x0] =	vst.idx.add.f32.msk $0xffff, v2;
	v2 =	vsel vm0, $0x0, v0  }
0x26: {  	s20 =	sshra.s32 s19, $0x2;
	[tilespmem:v1+s15+$0x0] =	vst.idx.add.f32.msk $0xffff, v2  }
0x27: {  	v2 =	vld [tilespmem:s20+$0x5000];
	[tilespmem:s18+$0x7800] =	vst v3;
	s18 =	smov.u32 s20  }
0x28: {  	s19 =	sadd.s32 $0x40, s19;
	v1 =	vld [tilespmem:s18+$0x2800]  }
0x29: {  	_ = 	snop  }
0x2a: {  	v3 =	vld [tilespmem:s18+$0x0];
	_ =	sdelay $0x4  }
0x2b: {  	v2 =	vand.u32 $0x7FFFFFFF, v2;
	vm0 =	veq.s32 v3, v1  }
0x2c: {  	v2 =	vsel vm0, $0x0, v2  }
0x2d: {  	[tilespmem:v1+s14+$0x0] =	vst.idx.add.f32.msk $0xffff, v2;
	v2 =	vsel vm0, $0x0, v0  }
0x2e: {  	v3 =	vsel vm0, $0x2710, v1;
	[tilespmem:v1+s15+$0x0] =	vst.idx.add.f32.msk $0xffff, v2  }
0x2f: {  	[tilespmem:s18+$0x7800] =	vst v3  }
0x30: {  	[hbm4b:s7+s2] =	stream.linear.scatter [tilespmem:s14], [sflag:$0x1], $0x2800, $0x38;
	[tilespmem:$0xF000] =	vst v63  }
0x31: {  	_ =	swait.ge [sflag:s11], $0x2800  }
0x32: {  	[sflag:s11] =	ssyncset.done $0x0  }
0x33: {  	[sflag:s11] =	ssyncadd.s32 $0xFFFFD800  }
0x34: {  	[hbm4b:s8+s2] =	stream.linear.scatter [tilespmem:s15], [sflag:$0x1], $0x2800, $0x38;
	[tilespmem:$0xF000] =	vst v63  }
0x35: {  	s17 =	sadd.s32 $0x1, s17;
	_ =	swait.ge [sflag:s11], $0x2800  }
0x36: {  	p0 =	sne.s32 s17, s10;
	[sflag:s11] =	ssyncset.done $0x0  }
.Ltmp1:
0x37: {  	[sflag:s11] =	ssyncadd.s32 $0xFFFFD800;
	(pc) =	sbr.rel @p0 .LBB2_1-.Ltmp1, $4  }
0x38: {  	[hbm4b:s9+s2] =	stream.linear.scatter [tilespmem:s16], [sflag:$0x1], $0x2800, $0x38;
	[tilespmem:$0xF000] =	vst v63  }
0x39: {  	_ =	swait.ge [sflag:s11], $0x2800  }
0x3a: {  	[sflag:s11] =	ssyncset.done $0x0  }
0x3b: {  	[sflag:s11] =	ssyncadd.s32 $0xFFFFD800  }
0x3c: {  	_ =	sfence.sel $0x180000  }
0x3d: {  	[bflag:$0x0] =	sbarrier.arrive $0xFFFF  }
0x3e: {  	p0 =	sne.s32 s0, $0x0;
	_ =	strace $0x90000047  }
0x3f: {  	s0 =	sadd.s32 @!p0 $0x100000, s1;
	[bflag:$0x2] =	sbarrier.arrive $0xFFFF  }
0x40: {  	[sflag:s0] =	ssyncadd.tile.s32 @!p0 $0x1;
	_ =	shalt  }
.Lfunc_end2:
_tile_overlayer_lowered:
.L_overlay_start_2:
0x41: {  	(tag) =	ssettag $0x2  }
0x42: {  	s0 =	rddreg [dreg:$0x0];
	s2 =	stileid.u32  }
0x43: {  	s1 =	rddreg [dreg:$0x1];
	p0 =	sne.s32 s2, $0x0  }
0x44: {  	s3 =	rddreg [dreg:$0x2];
	[bflag:$0x3] =	sbarrier.arrive $0xFFFF;
	s2 =	simm.s32 @!p0 $0x1C01  }
0x45: {  	[timem:s3], [sflag:s2] =	dma.local @!p0 [hbm:s0], s1  }
0x46: {  	s0 =	simm.s32 @!p0 $0x1  }
0x47: {  	_ =	swait.ge @!p0 [sflag:s0], s1  }
0x48: {  	s1 =	ssub.s32 @!p0 $0x0, s1;
	[sflag:s0] =	ssyncset.done @!p0 $0x0  }
0x49: {  	[sflag:s0] =	ssyncadd.s32 @!p0 s1  }
0x4a: {  	[bflag:$0x3] =	sbarrier.arrive $0xFFFF  }
0x4b: {  	_ =	shalt  }

// kernel: kernel.16.cloned.1.call-start
scs
__scs_entry_jumppad:
0x0: {  	(pc) =	sbr.rel $0x88, $3  }
0x1: {  	(tag) =	ssettag $0x0;
	lr =	simm.s32 $0x1  }
0x2: {  	[smem:$0x3F92] =	sst lr;
	_ =	strace $0xD0000000  }
0x3: {  	_ = 	snop  }
0x4: {  	_ = 	snop  }
0x5: {  	_ = 	snop  }
0x6: {  	_ = 	snop  }
0x7: {  	_ = 	snop  }
__scs_overlays_trampoline_lowered:
0x8: {  	[smem:$0x3FA1] =	sst s0  }
0x9: {  	[smem:$0x3FA2] =	sst s1  }
0xa: {  	[smem:$0x3FA3] =	sst s2  }
0xb: {  	[smem:$0x3FA4] =	sst s3  }
0xc: {  	[smem:$0x3FA5] =	sst s4  }
0xd: {  	[smem:$0x3FA6] =	sst s5  }
0xe: {  	[smem:$0x3FA7] =	sst s6  }
0xf: {  	[smem:$0x3FA8] =	sst s7  }
0x10: {  	[smem:$0x3FA9] =	sst s8  }
0x11: {  	[smem:$0x3FAA] =	sst s9;
	s0 =	simm.s32 @!p0 $0x0  }
0x12: {  	s1 =	sld [smem:$0x3F90];
	s0 =	simm.s32 @p0 $0x1  }
0x13: {  	[smem:$0x3FAB] =	sst s0;
	s0 =	simm.s32 @!p1 $0x0  }
0x14: {  	s2 =	sld [smem:$0x3F8F];
	s0 =	simm.s32 @p1 $0x1  }
0x15: {  	[smem:$0x3FAC] =	sst s0;
	s0 =	simm.s32 @!p2 $0x0  }
0x16: {  	s3 =	sld [smem:$0x3FDB];
	s0 =	simm.s32 @p2 $0x1  }
0x17: {  	s4 =	simm.s32 $0x1BF5;
	[smem:$0x3FAE] =	sst s0  }
0x18: {  	s0 =	sld [smem:$0x3F91];
	_ =	swait.ge [sflag:s4], $0x0  }
0x19: {  	s7 =	sld [smem:$0x3F92]  }
0x1a: {  	s8 =	sadd.s32 $0xFFFFE003, lr  }
0x1b: {  	s9 =	sadd.s32 $0xFFFFFEF7, lr;
	s5 =	simm.s32 $0xFFFFFFFF;
	p2 =	slt.u32 s8, $0xFFFFF086  }
0x1c: {  	p1 =	slt.u32 s9, $0xF7A;
	s5 =	simm.s32 @!p2 $0x0  }
0x1d: {  	s5 =	simm.s32 @p1 $0x1;
	p0 =	seq.s32 s7, s2  }
0x1e: {  	s7 =	smul.u32 @!p0 $0xF7A, s2;
	p2 =	seq.s32 @!p0 s5, $0x0  }
0x1f: {  	s9 =	smul.u32 $0xF7A, s1;
	s8 =	simm.s32 @!p0 $0x1BF5;
	p2 =	por !p2, p0  }
0x20: {  	[sflag:s8] =	ssyncset.s32 @!p0 $0xFFFFF086;
	s6 =	sadd.s32 @!p0 s3, s7;
	s7 =	simm.s32 @!p0 $0x108  }
0x21: {  	s3 =	sadd.s32 s3, s9;
	s6 =	sadd.s32 @!p0 $0x88, s6;
	s7 =	simm.s32 @p2 $0x1082  }
0x22: {  	[simem:s7], [sflag:s8] =	dma.local @!p0 [hbm:s6], $0xF7A  }
0x23: {  	s9 =	sor.u32 $0xD0000000, s2;
	s6 =	simm.s32 $0x108;
	_ =	swait.ge @!p0 [sflag:s8], $0x0  }
0x24: {  	s3 =	sadd.s32 $0x88, s3;
	s6 =	simm.s32 @!p1 $0x1082;
	[sflag:s4] =	ssyncset.s32 $0xFFFFF086  }
0x25: {  	[simem:s6], [sflag:s4] =	dma.local [hbm:s3], $0xF7A  }
0x26: {  	[smem:$0x3F92] =	sst s1;
	(tag) =	ssettag s2;
	_ =	strace s9  }
0x27: {  	s1 =	sld [smem:$0x3FA2]  }
0x28: {  	s2 =	sld [smem:$0x3FA3]  }
0x29: {  	s4 =	sld [smem:$0x3FA5]  }
0x2a: {  	p0 =	seq.s32 s5, $0x0;
	s5 =	sld [smem:$0x3FA6]  }
0x2b: {  	s6 =	sld [smem:$0x3FA7]  }
0x2c: {  	s7 =	sld [smem:$0x3FA8]  }
0x2d: {  	s3 =	simm.s32 $0x108;
	s8 =	sld [smem:$0x3FA9]  }
0x2e: {  	s3 =	simm.s32 @!p0 $0x1082;
	s9 =	sld [smem:$0x3FAA]  }
0x2f: {  	lr =	sadd.s32 s0, s3;
	s0 =	sld [smem:$0x3FA1]  }
0x30: {  	s3 =	sld [smem:$0x3FA4]  }
0x31: {  	[smem:$0x3FAD] =	sst s10  }
0x32: {  	s10 =	sld [smem:$0x3FAB];
	_ =	sdelay $0x3  }
0x33: {  	p0 =	seq.s32 s10, $0x1;
	s10 =	sld [smem:$0x3FAD];
	_ =	sdelay $0x3  }
0x34: {  	[smem:$0x3FAD] =	sst s10  }
0x35: {  	s10 =	sld [smem:$0x3FAC];
	_ =	sdelay $0x3  }
0x36: {  	p1 =	seq.s32 s10, $0x1;
	s10 =	sld [smem:$0x3FAD];
	_ =	sdelay $0x3  }
0x37: {  	[smem:$0x3FAD] =	sst s10  }
0x38: {  	s10 =	sld [smem:$0x3FAE]  }
0x39: {  	_ = 	snop;
	(pc) =	sbr.ind lr, $3  }
0x3a: {  	_ = 	snop  }
0x3b: {  	_ = 	snop  }
0x3c: {  	p2 =	seq.s32 s10, $0x1;
	s10 =	sld [smem:$0x3FAD]  }
0x3d: {  	_ =	shalt  }
0x3e: {  	_ =	shalt  }
0x3f: {  	_ =	shalt  }
0x40: {  	_ =	shalt  }
0x41: {  	_ =	shalt  }
0x42: {  	_ =	shalt  }
0x43: {  	_ =	shalt  }
0x44: {  	_ =	shalt  }
0x45: {  	_ =	shalt  }
0x46: {  	_ =	shalt  }
0x47: {  	_ =	shalt  }
0x48: {  	_ =	shalt  }
0x49: {  	_ =	shalt  }
0x4a: {  	_ =	shalt  }
0x4b: {  	_ =	shalt  }
0x4c: {  	_ =	shalt  }
0x4d: {  	_ =	shalt  }
0x4e: {  	_ =	shalt  }
0x4f: {  	_ =	shalt  }
0x50: {  	_ =	shalt  }
0x51: {  	_ =	shalt  }
0x52: {  	_ =	shalt  }
0x53: {  	_ =	shalt  }
0x54: {  	_ =	shalt  }
0x55: {  	_ =	shalt  }
0x56: {  	_ =	shalt  }
0x57: {  	_ =	shalt  }
0x58: {  	_ =	shalt  }
0x59: {  	_ =	shalt  }
0x5a: {  	_ =	shalt  }
0x5b: {  	_ =	shalt  }
0x5c: {  	_ =	shalt  }
0x5d: {  	_ =	shalt  }
0x5e: {  	_ =	shalt  }
0x5f: {  	_ =	shalt  }
0x60: {  	_ =	shalt  }
0x61: {  	_ =	shalt  }
0x62: {  	_ =	shalt  }
0x63: {  	_ =	shalt  }
0x64: {  	_ =	shalt  }
0x65: {  	_ =	shalt  }
0x66: {  	_ =	shalt  }
0x67: {  	_ =	shalt  }
0x68: {  	_ =	shalt  }
0x69: {  	_ =	shalt  }
0x6a: {  	_ =	shalt  }
0x6b: {  	_ =	shalt  }
0x6c: {  	_ =	shalt  }
0x6d: {  	_ =	shalt  }
0x6e: {  	_ =	shalt  }
0x6f: {  	_ =	shalt  }
0x70: {  	_ =	shalt  }
0x71: {  	_ =	shalt  }
0x72: {  	_ =	shalt  }
0x73: {  	_ =	shalt  }
0x74: {  	_ =	shalt  }
0x75: {  	_ =	shalt  }
0x76: {  	_ =	shalt  }
0x77: {  	_ =	shalt  }
0x78: {  	_ =	shalt  }
0x79: {  	_ =	shalt  }
0x7a: {  	_ =	shalt  }
0x7b: {  	_ =	shalt  }
0x7c: {  	_ =	shalt  }
0x7d: {  	_ =	shalt  }
0x7e: {  	_ =	shalt  }
0x7f: {  	_ =	shalt  }
0x80: {  	_ =	shalt  }
0x81: {  	_ =	shalt  }
0x82: {  	_ =	shalt  }
0x83: {  	_ =	shalt  }
0x84: {  	_ =	shalt  }
0x85: {  	_ =	shalt  }
0x86: {  	_ =	shalt  }
0x87: {  	_ =	shalt  }
.Lfunc_end0:
.L_simem_size_0:
called_computation.1_lowered:
.L_overlay_start_0:
0x88: {  	s2 =	sld [smem:$0x3FD9]  }
0x89: {  	s3 =	sld [smem:$0x3FFE];
	_ =	sdelay $0x1  }
0x8a: {  	s1 =	srdreg.scid  }
0x8b: {  	s0 =	sand.u32 $0x1, s1  }
0x8c: {  	s16 =	sshll.u32 s0, $0xA;
	s2 =	sadd.s32 s3, s2  }
0x8d: {  	s2 =	sadd.s32 s2, s16  }
0x8e: {  	[smem:$0x3FB9] =	sst s2  }
0x8f: {  	_ = 	snop  }
0x90: {  	(tm) =	ssettm $0x1  }
0x91: {  	s17 =	sld [smem:$0x3FFB];
	_ =	sdelay $0x3  }
0x92: {  	_ =	strace s17  }
0x93: {  	s2 =	sld [smem:$0x3FFC];
	_ =	sdelay $0x3  }
0x94: {  	_ =	strace s2  }
0x95: {  	s2 =	sld [smem:$0x3FFD];
	_ =	sdelay $0x3  }
0x96: {  	_ =	strace s2  }
0x97: {  	_ =	strace $0x8FFFFFFF  }
0x98: {  	s18 =	sld [smem:$0x3FDB];
	_ =	sdelay $0x1  }
0x99: {  	s19 =	simm.s32 $_scs_section_size  }
0x9a: {  	s4 =	simm.s32 $_size__tile_overlayer_lowered;
	s5 =	simm.s32 $_tile_overlayer_lowered  }
0x9b: {  	s22 =	simm.s32 $0x1BFF;
	s21 =	sshll.u32 s5, $0x1;
	s2 =	sadd.s32 s19, s18  }
0x9c: {  	s6 =	simm.s32 $0x0;
	s20 =	sshll.u32 s4, $0x1;
	s4 =	sadd.s32 s21, s2  }
0x9d: {  	[timem:s6], [sflag:s22] =	dma.local [hbm:s4], s20  }
0x9e: {  	_ =	swait.ge [sflag:s22], s20  }
0x9f: {  	s3 =	ssub.s32 $0x0, s20;
	[sflag:s22] =	ssyncset.done $0x0  }
0xa0: {  	[sflag:s22] =	ssyncadd.s32 s3;
	_ =	sdelay $0x1  }
0xa1: {  	s23 =	simm.s32 $0x1B8B  }
0xa2: {  	_ =	swait.ge [sflag:s23], $0x1  }
0xa3: {  	[sflag:s23] =	ssyncset.done $0x0  }
0xa4: {  	s25 =	simm.s32 $0x1B8E;
	s24 =	sld [smem:$0x3FFE];
	[sflag:s23] =	ssyncadd.s32 $0xFFFFFFFF  }
0xa5: {  	s26 =	simm.s32 $execute0_lowered;
	[smem:$0x3FD2] =	sst s25  }
0xa6: {  	s4 =	sshll.u32 s26, $0x1;
	_ =	strace $0x80000049;
	[dreg:$0x1] =	wrdreg $0xFFFFFFFF  }
0xa7: {  	s28 =	simm.s32 $_size_execute0_lowered;
	s2 =	sadd.s32 s2, s4;
	[dreg:$0x0] =	wrdreg $0x0  }
0xa8: {  	s4 =	sshll.u32 s28, $0x1;
	[dreg:$0x2] =	wrdreg s2  }
0xa9: {  	[dreg:$0x3] =	wrdreg s4  }
0xaa: {  	[dreg:$0x4] =	wrdreg $0xC0  }
0xab: {  	_ =	task [dreg:s6], $0x5FFFF  }
0xac: {  	[dreg:$0x1] =	wrdreg $0xFFFFFFFF  }
0xad: {  	[dreg:$0x0] =	wrdreg $0x60  }
0xae: {  	[dreg:$0x2] =	wrdreg s24  }
0xaf: {  	[dreg:$0x3] =	wrdreg $0x9  }
0xb0: {  	_ =	task.clear_ibuf [dreg:s6], $0x4FFFF;
	_ =	strace $0x90000049  }
0xb1: {  	s29 =	simm.s32 $0x9;
	_ =	strace $0x8000004B  }
0xb2: {  	_ =	swait.ge [sflag:s29], $0x1  }
0xb3: {  	[sflag:s29] =	ssyncadd.s32 $0xFFFFFFFF  }
0xb4: {  	_ =	strace $0x9000004B  }
0xb5: {  	_ =	sfence  }
0xb6: {  	s30 =	sld [smem:$0x0];
	_ =	sdelay $0x2  }
0xb7: {  	s31 =	sshll.u32 s1, $0xD;
	s1 =	sshrl.u32 s1, $0x2  }
0xb8: {  	s3 =	sand.u32 $0x4000, s31;
	s1 =	sadd.s32 s1, s30  }
0xb9: {  	s0 =	sor.u32 s3, s0;
	s1 =	sshll.u32 s1, $0x11  }
0xba: {  	s0 =	sor.u32 s1, s0  }
0xbb: {  	s0 =	sadd.s32 $0x8F2B, s0  }
0xbc: {  	[sflag:s0] =	ssyncadd.remote.s32 $0x1  }
0xbd: {  	_ =	sfence.sel $0xFFFF  }
0xbe: {  	[dreg:$0x0] =	wrdreg $0xFFFFFFFF;
	(pc) =	sbr.abs _section_cstart, $3  }
0xbf: {  	[dreg:$0x1] =	wrdreg $0xFFFFFFFF  }
0xc0: {  	_ =	task.clear_ibuf [dreg:s6], $0x2FFFF;
	_ =	strace $0x9FFFFFFF  }
0xc1: {  	(tm) =	ssettm $0x7FFFFFFF  }
tec
execute0_lowered:
.L_overlay_start_1:
0x0: {  	(tag) =	ssettag $0x1  }
0x1: {  	s1 =	srdreg.scid  }
0x2: {  	s0 =	stileid.u32;
	s5 =	rddreg [dreg:$0x0];
	s2 =	simm.s32 $0x0  }
0x3: {  	s10 =	simm.s32 $0x1;
	s11 =	simm.s32 $0x2800;
	s12 =	simm.s32 $0x5000  }
0x4: {  	s13 =	simm.s32 $0x7800;
	s4 =	sand.u32 $0x1, s1;
	s3 =	sshll.u32 s0, $0x1  }
0x5: {  	s14 =	simm.s32 $0xA000;
	s15 =	simm.s32 $0x0;
	s3 =	sor.u32 s4, s3  }
0x6: {  	[smem:$0x7FF] =	sst s2;
	s7 =	ssub.s32 $0x2, s4;
	s6 =	smul.u32 $0x500, s3  }
0x7: {  	s1 =	rddreg [dreg:$0x1];
	_ =	strace $0x8000004A;
	s31 =	sshrl.u32 s7, $0x1  }
0x8: {  	s4 =	sadd.s32 $0x23400, s5;
	s9 =	ssub.s32 s7, s31;
	s8 =	sadd.s32 s6, s5  }
0x9: {  	s3 =	sadd.s32 $0x23A00, s5;
	s9 =	smax.u32 s9, $0x1;
	s5 =	sadd.s32 $0x5400, s8  }
0xa: {  	s6 =	sadd.s32 $0xF400, s8;
	s7 =	sadd.s32 $0x19400, s8;
	s8 =	sadd.s32 $0x24000, s8  }
.LBB2_1:
0xb: {  	[tilespmem:s2], [sflag:$0x1] =	stream.linear.gather [hbm4b:s5+s2], $0x2800, $0x38;
	[tilespmem:$0xC800] =	vst v63  }
0xc: {  	_ =	swait.ge [sflag:s10], $0x2800  }
0xd: {  	[sflag:s10] =	ssyncset.done $0x0  }
0xe: {  	[sflag:s10] =	ssyncadd.s32 $0xFFFFD800  }
0xf: {  	[tilespmem:s11], [sflag:$0x1] =	stream.linear.gather [hbm4b:s6+s2], $0x2800, $0x38;
	[tilespmem:$0xC800] =	vst v63  }
0x10: {  	_ =	swait.ge [sflag:s10], $0x2800  }
0x11: {  	[sflag:s10] =	ssyncset.done $0x0  }
0x12: {  	[sflag:s10] =	ssyncadd.s32 $0xFFFFD800  }
0x13: {  	[tilespmem:s12], [sflag:$0x1] =	stream.linear.gather [hbm4b:s7+s2], $0x2800, $0x38;
	[tilespmem:$0xC800] =	vst v63  }
0x14: {  	_ =	swait.ge [sflag:s10], $0x2800  }
0x15: {  	[sflag:s10] =	ssyncset.done $0x0  }
0x16: {  	[sflag:s10] =	ssyncadd.s32 $0xFFFFD800  }
0x17: {  	[tilespmem:s13], [sflag:$0x1] =	stream.linear.gather [hbm4b:s3+s2], $0x2800, $0x38;
	[tilespmem:$0xC800] =	vst v63  }
0x18: {  	_ =	swait.ge [sflag:s10], $0x2800  }
0x19: {  	[sflag:s10] =	ssyncset.done $0x0  }
0x1a: {  	[sflag:s10] =	ssyncadd.s32 $0xFFFFD800  }
0x1b: {  	[tilespmem:s14], [sflag:$0x1] =	stream.linear.gather [hbm4b:s4+s2], $0x2800, $0x38;
	[tilespmem:$0xC800] =	vst v63  }
0x1c: {  	_ =	swait.ge [sflag:s10], $0x2800  }
0x1d: {  	[sflag:s10] =	ssyncset.done $0x0  }
0x1e: {  	s17 =	simm.s32 $0x0;
	s16 =	simm.s32 $0x40;
	[sflag:s10] =	ssyncadd.s32 $0xFFFFD800  }
.LBB2_2:
0x1f: {  	p0 =	sne.s32 s16, $0x9FC0;
	v0 =	vld [tilespmem:s17+$0x0];
	_ =	sdelay $0x5  }
0x20: {  	v1 =	vld [tilespmem:s17+$0x2800]  }
0x21: {  	v2 =	vld [tilespmem:s17+$0x5000]  }
0x22: {  	v3 =	vld.idx.msk [tilespmem:v0+s13+$0x0], $0xffff;
	_ =	sdelay $0x3  }
.Ltmp0:
0x23: {  	vm0 =	veq.s32 v0, v1;
	v0 =	vand.u32 $0x7FFFFFFF, v2;
	(pc) =	sbr.rel @p0 .LBB2_2-.Ltmp0, $3  }
0x24: {  	v0 =	vsel vm0, $0x0, v0  }
0x25: {  	v0 =	vmul.f32 v0, v3;
	_ =	sdelay $0x1  }
0x26: {  	s17 =	sshra.s32 s16, $0x2;
	s16 =	sadd.s32 $0x40, s16;
	[tilespmem:v1+s14+$0x0] =	vst.idx.add.f32.msk $0xffff, v0  }
0x27: {  	v0 =	vld [tilespmem:s17+$0x0];
	_ =	sdelay $0x4  }
0x28: {  	v1 =	vld [tilespmem:s17+$0x2800]  }
0x29: {  	v2 =	vld [tilespmem:s17+$0x5000];
	_ =	sdelay $0x1  }
0x2a: {  	v3 =	vld.idx.msk [tilespmem:v0+s13+$0x0], $0xffff;
	_ =	sdelay $0x2  }
0x2b: {  	vm0 =	veq.s32 v0, v1;
	v63 =	vand.u32 $0x7FFFFFFF, v2  }
0x2c: {  	v0 =	vsel vm0, $0x0, v63  }
0x2d: {  	s15 =	sadd.s32 $0x1, s15;
	v0 =	vmul.f32 v0, v3  }
0x2e: {  	p0 =	sne.s32 s15, s9  }
.Ltmp1:
0x2f: {  	[tilespmem:v1+s14+$0x0] =	vst.idx.add.f32.msk $0xffff, v0;
	(pc) =	sbr.rel @p0 .LBB2_1-.Ltmp1, $4  }
0x30: {  	[hbm4b:s8+s2] =	stream.linear.scatter [tilespmem:s14], [sflag:$0x1], $0x2800, $0x38;
	[tilespmem:$0xC800] =	vst v63  }
0x31: {  	_ =	swait.ge [sflag:s10], $0x2800  }
0x32: {  	[sflag:s10] =	ssyncset.done $0x0  }
0x33: {  	[sflag:s10] =	ssyncadd.s32 $0xFFFFD800  }
0x34: {  	_ =	sfence.sel $0x180000  }
0x35: {  	[bflag:$0x0] =	sbarrier.arrive $0xFFFF  }
0x36: {  	p0 =	sne.s32 s0, $0x0;
	_ =	strace $0x9000004A  }
0x37: {  	s0 =	sadd.s32 @!p0 $0x100000, s1;
	[bflag:$0x2] =	sbarrier.arrive $0xFFFF  }
0x38: {  	[sflag:s0] =	ssyncadd.tile.s32 @!p0 $0x1;
	_ =	shalt  }
.Lfunc_end2:
_tile_overlayer_lowered:
.L_overlay_start_2:
0x39: {  	(tag) =	ssettag $0x2  }
0x3a: {  	s0 =	rddreg [dreg:$0x0];
	s2 =	stileid.u32  }
0x3b: {  	s1 =	rddreg [dreg:$0x1];
	p0 =	sne.s32 s2, $0x0  }
0x3c: {  	s3 =	rddreg [dreg:$0x2];
	[bflag:$0x3] =	sbarrier.arrive $0xFFFF;
	s2 =	simm.s32 @!p0 $0x1C01  }
0x3d: {  	[timem:s3], [sflag:s2] =	dma.local @!p0 [hbm:s0], s1  }
0x3e: {  	s0 =	simm.s32 @!p0 $0x1  }
0x3f: {  	_ =	swait.ge @!p0 [sflag:s0], s1  }
0x40: {  	s1 =	ssub.s32 @!p0 $0x0, s1;
	[sflag:s0] =	ssyncset.done @!p0 $0x0  }
0x41: {  	[sflag:s0] =	ssyncadd.s32 @!p0 s1  }
0x42: {  	[bflag:$0x3] =	sbarrier.arrive $0xFFFF  }
0x43: {  	_ =	shalt  }

// kernel: kernel.19.cloned.1.call-start
scs
__scs_entry_jumppad:
0x0: {  	(pc) =	sbr.rel $0x88, $3  }
0x1: {  	(tag) =	ssettag $0x0;
	lr =	simm.s32 $0x1  }
0x2: {  	[smem:$0x3F92] =	sst lr;
	_ =	strace $0xD0000000  }
0x3: {  	_ = 	snop  }
0x4: {  	_ = 	snop  }
0x5: {  	_ = 	snop  }
0x6: {  	_ = 	snop  }
0x7: {  	_ = 	snop  }
__scs_overlays_trampoline_lowered:
0x8: {  	[smem:$0x3FA1] =	sst s0  }
0x9: {  	[smem:$0x3FA2] =	sst s1  }
0xa: {  	[smem:$0x3FA3] =	sst s2  }
0xb: {  	[smem:$0x3FA4] =	sst s3  }
0xc: {  	[smem:$0x3FA5] =	sst s4  }
0xd: {  	[smem:$0x3FA6] =	sst s5  }
0xe: {  	[smem:$0x3FA7] =	sst s6  }
0xf: {  	[smem:$0x3FA8] =	sst s7  }
0x10: {  	[smem:$0x3FA9] =	sst s8  }
0x11: {  	[smem:$0x3FAA] =	sst s9;
	s0 =	simm.s32 @!p0 $0x0  }
0x12: {  	s1 =	sld [smem:$0x3F90];
	s0 =	simm.s32 @p0 $0x1  }
0x13: {  	[smem:$0x3FAB] =	sst s0;
	s0 =	simm.s32 @!p1 $0x0  }
0x14: {  	s2 =	sld [smem:$0x3F8F];
	s0 =	simm.s32 @p1 $0x1  }
0x15: {  	[smem:$0x3FAC] =	sst s0;
	s0 =	simm.s32 @!p2 $0x0  }
0x16: {  	s3 =	sld [smem:$0x3FDB];
	s0 =	simm.s32 @p2 $0x1  }
0x17: {  	s4 =	simm.s32 $0x1BF5;
	[smem:$0x3FAE] =	sst s0  }
0x18: {  	s0 =	sld [smem:$0x3F91];
	_ =	swait.ge [sflag:s4], $0x0  }
0x19: {  	s7 =	sld [smem:$0x3F92]  }
0x1a: {  	s8 =	sadd.s32 $0xFFFFE003, lr  }
0x1b: {  	s9 =	sadd.s32 $0xFFFFFEF7, lr;
	s5 =	simm.s32 $0xFFFFFFFF;
	p2 =	slt.u32 s8, $0xFFFFF086  }
0x1c: {  	p1 =	slt.u32 s9, $0xF7A;
	s5 =	simm.s32 @!p2 $0x0  }
0x1d: {  	s5 =	simm.s32 @p1 $0x1;
	p0 =	seq.s32 s7, s2  }
0x1e: {  	s7 =	smul.u32 @!p0 $0xF7A, s2;
	p2 =	seq.s32 @!p0 s5, $0x0  }
0x1f: {  	s9 =	smul.u32 $0xF7A, s1;
	s8 =	simm.s32 @!p0 $0x1BF5;
	p2 =	por !p2, p0  }
0x20: {  	[sflag:s8] =	ssyncset.s32 @!p0 $0xFFFFF086;
	s6 =	sadd.s32 @!p0 s3, s7;
	s7 =	simm.s32 @!p0 $0x108  }
0x21: {  	s3 =	sadd.s32 s3, s9;
	s6 =	sadd.s32 @!p0 $0x88, s6;
	s7 =	simm.s32 @p2 $0x1082  }
0x22: {  	[simem:s7], [sflag:s8] =	dma.local @!p0 [hbm:s6], $0xF7A  }
0x23: {  	s9 =	sor.u32 $0xD0000000, s2;
	s6 =	simm.s32 $0x108;
	_ =	swait.ge @!p0 [sflag:s8], $0x0  }
0x24: {  	s3 =	sadd.s32 $0x88, s3;
	s6 =	simm.s32 @!p1 $0x1082;
	[sflag:s4] =	ssyncset.s32 $0xFFFFF086  }
0x25: {  	[simem:s6], [sflag:s4] =	dma.local [hbm:s3], $0xF7A  }
0x26: {  	[smem:$0x3F92] =	sst s1;
	(tag) =	ssettag s2;
	_ =	strace s9  }
0x27: {  	s1 =	sld [smem:$0x3FA2]  }
0x28: {  	s2 =	sld [smem:$0x3FA3]  }
0x29: {  	s4 =	sld [smem:$0x3FA5]  }
0x2a: {  	p0 =	seq.s32 s5, $0x0;
	s5 =	sld [smem:$0x3FA6]  }
0x2b: {  	s6 =	sld [smem:$0x3FA7]  }
0x2c: {  	s7 =	sld [smem:$0x3FA8]  }
0x2d: {  	s3 =	simm.s32 $0x108;
	s8 =	sld [smem:$0x3FA9]  }
0x2e: {  	s3 =	simm.s32 @!p0 $0x1082;
	s9 =	sld [smem:$0x3FAA]  }
0x2f: {  	lr =	sadd.s32 s0, s3;
	s0 =	sld [smem:$0x3FA1]  }
0x30: {  	s3 =	sld [smem:$0x3FA4]  }
0x31: {  	[smem:$0x3FAD] =	sst s10  }
0x32: {  	s10 =	sld [smem:$0x3FAB];
	_ =	sdelay $0x3  }
0x33: {  	p0 =	seq.s32 s10, $0x1;
	s10 =	sld [smem:$0x3FAD];
	_ =	sdelay $0x3  }
0x34: {  	[smem:$0x3FAD] =	sst s10  }
0x35: {  	s10 =	sld [smem:$0x3FAC];
	_ =	sdelay $0x3  }
0x36: {  	p1 =	seq.s32 s10, $0x1;
	s10 =	sld [smem:$0x3FAD];
	_ =	sdelay $0x3  }
0x37: {  	[smem:$0x3FAD] =	sst s10  }
0x38: {  	s10 =	sld [smem:$0x3FAE]  }
0x39: {  	_ = 	snop;
	(pc) =	sbr.ind lr, $3  }
0x3a: {  	_ = 	snop  }
0x3b: {  	_ = 	snop  }
0x3c: {  	p2 =	seq.s32 s10, $0x1;
	s10 =	sld [smem:$0x3FAD]  }
0x3d: {  	_ =	shalt  }
0x3e: {  	_ =	shalt  }
0x3f: {  	_ =	shalt  }
0x40: {  	_ =	shalt  }
0x41: {  	_ =	shalt  }
0x42: {  	_ =	shalt  }
0x43: {  	_ =	shalt  }
0x44: {  	_ =	shalt  }
0x45: {  	_ =	shalt  }
0x46: {  	_ =	shalt  }
0x47: {  	_ =	shalt  }
0x48: {  	_ =	shalt  }
0x49: {  	_ =	shalt  }
0x4a: {  	_ =	shalt  }
0x4b: {  	_ =	shalt  }
0x4c: {  	_ =	shalt  }
0x4d: {  	_ =	shalt  }
0x4e: {  	_ =	shalt  }
0x4f: {  	_ =	shalt  }
0x50: {  	_ =	shalt  }
0x51: {  	_ =	shalt  }
0x52: {  	_ =	shalt  }
0x53: {  	_ =	shalt  }
0x54: {  	_ =	shalt  }
0x55: {  	_ =	shalt  }
0x56: {  	_ =	shalt  }
0x57: {  	_ =	shalt  }
0x58: {  	_ =	shalt  }
0x59: {  	_ =	shalt  }
0x5a: {  	_ =	shalt  }
0x5b: {  	_ =	shalt  }
0x5c: {  	_ =	shalt  }
0x5d: {  	_ =	shalt  }
0x5e: {  	_ =	shalt  }
0x5f: {  	_ =	shalt  }
0x60: {  	_ =	shalt  }
0x61: {  	_ =	shalt  }
0x62: {  	_ =	shalt  }
0x63: {  	_ =	shalt  }
0x64: {  	_ =	shalt  }
0x65: {  	_ =	shalt  }
0x66: {  	_ =	shalt  }
0x67: {  	_ =	shalt  }
0x68: {  	_ =	shalt  }
0x69: {  	_ =	shalt  }
0x6a: {  	_ =	shalt  }
0x6b: {  	_ =	shalt  }
0x6c: {  	_ =	shalt  }
0x6d: {  	_ =	shalt  }
0x6e: {  	_ =	shalt  }
0x6f: {  	_ =	shalt  }
0x70: {  	_ =	shalt  }
0x71: {  	_ =	shalt  }
0x72: {  	_ =	shalt  }
0x73: {  	_ =	shalt  }
0x74: {  	_ =	shalt  }
0x75: {  	_ =	shalt  }
0x76: {  	_ =	shalt  }
0x77: {  	_ =	shalt  }
0x78: {  	_ =	shalt  }
0x79: {  	_ =	shalt  }
0x7a: {  	_ =	shalt  }
0x7b: {  	_ =	shalt  }
0x7c: {  	_ =	shalt  }
0x7d: {  	_ =	shalt  }
0x7e: {  	_ =	shalt  }
0x7f: {  	_ =	shalt  }
0x80: {  	_ =	shalt  }
0x81: {  	_ =	shalt  }
0x82: {  	_ =	shalt  }
0x83: {  	_ =	shalt  }
0x84: {  	_ =	shalt  }
0x85: {  	_ =	shalt  }
0x86: {  	_ =	shalt  }
0x87: {  	_ =	shalt  }
.Lfunc_end0:
.L_simem_size_0:
called_computation.2_lowered:
.L_overlay_start_0:
0x88: {  	s2 =	sld [smem:$0x3FD9]  }
0x89: {  	s3 =	sld [smem:$0x3FFE];
	_ =	sdelay $0x1  }
0x8a: {  	s1 =	srdreg.scid  }
0x8b: {  	s0 =	sand.u32 $0x1, s1  }
0x8c: {  	s17 =	sshll.u32 s0, $0xA;
	s2 =	sadd.s32 s3, s2  }
0x8d: {  	s2 =	sadd.s32 s2, s17  }
0x8e: {  	[smem:$0x3FB9] =	sst s2  }
0x8f: {  	_ = 	snop  }
0x90: {  	(tm) =	ssettm $0x1  }
0x91: {  	s18 =	sld [smem:$0x3FFB];
	_ =	sdelay $0x3  }
0x92: {  	_ =	strace s18  }
0x93: {  	s2 =	sld [smem:$0x3FFC];
	_ =	sdelay $0x3  }
0x94: {  	_ =	strace s2  }
0x95: {  	s2 =	sld [smem:$0x3FFD];
	_ =	sdelay $0x3  }
0x96: {  	_ =	strace s2  }
0x97: {  	_ =	strace $0x8FFFFFFF  }
0x98: {  	s19 =	sld [smem:$0x3FDB];
	_ =	sdelay $0x1  }
0x99: {  	s20 =	simm.s32 $_scs_section_size  }
0x9a: {  	s4 =	simm.s32 $_size__tile_overlayer_lowered;
	s5 =	simm.s32 $_tile_overlayer_lowered  }
0x9b: {  	s6 =	simm.s32 $0x1BFF;
	s21 =	sshll.u32 s5, $0x1;
	s3 =	sadd.s32 s20, s19  }
0x9c: {  	s22 =	simm.s32 $0x0;
	s4 =	sshll.u32 s4, $0x1;
	s5 =	sadd.s32 s21, s3  }
0x9d: {  	[timem:s22], [sflag:s6] =	dma.local [hbm:s5], s4  }
0x9e: {  	_ =	swait.ge [sflag:s6], s4  }
0x9f: {  	s4 =	ssub.s32 $0x0, s4;
	[sflag:s6] =	ssyncset.done $0x0  }
0xa0: {  	[sflag:s6] =	ssyncadd.s32 s4;
	_ =	sdelay $0x1  }
0xa1: {  	s23 =	simm.s32 $0x1B8B  }
0xa2: {  	_ =	swait.ge [sflag:s23], $0x1  }
0xa3: {  	[sflag:s23] =	ssyncset.done $0x0  }
0xa4: {  	[sflag:s23] =	ssyncadd.s32 $0xFFFFFFFF  }
0xa5: {  	s4 =	sld [smem:$0x0]  }
0xa6: {  	s5 =	sand.u32 $0xFFFFFFFE, s1  }
0xa7: {  	p0 =	sne.s32 s1, s5  }
0xa8: {  	s5 =	sshll.u32 @p0 s5, $0xE  }
0xa9: {  	s5 =	sadd.s32 @p0 $0x11B8D, s5;
	s6 =	sshll.u32 @p0 s4, $0x11  }
0xaa: {  	s5 =	sor.u32 @p0 s6, s5  }
0xab: {  	[sflag:s5] =	ssyncadd.remote.s32 @p0 $0x1;
	_ =	sdelay $0x1  }
0xac: {  	s5 =	simm.s32 @p0 $0x1B8D  }
0xad: {  	_ =	swait.eq @p0 [sflag:s5], $0x1  }
0xae: {  	[sflag:s5] =	ssyncadd.s32 @p0 $0xFFFFFFFF  }
0xaf: {  	s6 =	sshll.u32 @!p0 s1, $0xE  }
0xb0: {  	s6 =	sor.u32 @!p0 $0x4000, s6;
	s5 =	simm.s32 @!p0 $0x1B8D  }
0xb1: {  	s4 =	sshll.u32 @!p0 s4, $0x11;
	s6 =	sadd.s32 @!p0 $0x11B8D, s6;
	_ =	swait.eq @!p0 [sflag:s5], $0x1  }
0xb2: {  	s4 =	sor.u32 @!p0 s4, s6;
	[sflag:s5] =	ssyncadd.s32 @!p0 $0xFFFFFFFF  }
0xb3: {  	s25 =	simm.s32 $0x1B8E;
	s24 =	sld [smem:$0x3FFE];
	[sflag:s4] =	ssyncadd.remote.s32 @!p0 $0x1  }
0xb4: {  	s26 =	simm.s32 $execute0_lowered;
	[smem:$0x3FD2] =	sst s25  }
0xb5: {  	s5 =	sshll.u32 s26, $0x1;
	_ =	strace $0x8000004C;
	[dreg:$0x1] =	wrdreg $0xFFFFFFFF  }
0xb6: {  	s28 =	simm.s32 $_size_execute0_lowered;
	s3 =	sadd.s32 s3, s5;
	[dreg:$0x0] =	wrdreg $0x0  }
0xb7: {  	s5 =	sshll.u32 s28, $0x1;
	[dreg:$0x2] =	wrdreg s3  }
0xb8: {  	[dreg:$0x3] =	wrdreg s5  }
0xb9: {  	[dreg:$0x4] =	wrdreg $0xC0  }
0xba: {  	_ =	task [dreg:s22], $0x5FFFF  }
0xbb: {  	[dreg:$0x1] =	wrdreg $0xFFFFFFFF  }
0xbc: {  	[dreg:$0x0] =	wrdreg $0x60  }
0xbd: {  	[dreg:$0x2] =	wrdreg s24  }
0xbe: {  	[dreg:$0x3] =	wrdreg $0x70000  }
0xbf: {  	[dreg:$0x4] =	wrdreg $0xA  }
0xc0: {  	_ =	task.clear_ibuf [dreg:s22], $0x5FFFF;
	_ =	strace $0x9000004C  }
0xc1: {  	s29 =	simm.s32 $0xA;
	_ =	strace $0x8000004E  }
0xc2: {  	_ =	swait.ge [sflag:s29], $0x1  }
0xc3: {  	[sflag:s29] =	ssyncadd.s32 $0xFFFFFFFF  }
0xc4: {  	_ =	strace $0x9000004E  }
0xc5: {  	_ =	sfence  }
0xc6: {  	s30 =	sld [smem:$0x0];
	_ =	sdelay $0x2  }
0xc7: {  	s31 =	sshll.u32 s1, $0xD;
	s1 =	sshrl.u32 s1, $0x2  }
0xc8: {  	s4 =	sand.u32 $0x4000, s31;
	s1 =	sadd.s32 s1, s30  }
0xc9: {  	s0 =	sor.u32 s4, s0;
	s1 =	sshll.u32 s1, $0x11  }
0xca: {  	s0 =	sor.u32 s1, s0  }
0xcb: {  	s0 =	sadd.s32 $0x8F2B, s0  }
0xcc: {  	[sflag:s0] =	ssyncadd.remote.s32 $0x1  }
0xcd: {  	_ =	sfence.sel $0xFFFF  }
0xce: {  	[dreg:$0x0] =	wrdreg $0xFFFFFFFF;
	(pc) =	sbr.abs _section_cstart, $3  }
0xcf: {  	[dreg:$0x1] =	wrdreg $0xFFFFFFFF  }
0xd0: {  	_ =	task.clear_ibuf [dreg:s22], $0x2FFFF;
	_ =	strace $0x9FFFFFFF  }
0xd1: {  	(tm) =	ssettm $0x7FFFFFFF  }
tec
execute0_lowered:
.L_overlay_start_1:
0x0: {  	(tag) =	ssettag $0x1  }
0x1: {  	s6 =	rddreg [dreg:$0x0]  }
0x2: {  	s2 =	rddreg [dreg:$0x1]  }
0x3: {  	s0 =	rddreg [dreg:$0x2];
	s3 =	srdreg.scid  }
0x4: {  	s1 =	stileid.u32;
	s13 =	simm.s32 $0x2800;
	s14 =	simm.s32 $0x80  }
0x5: {  	s15 =	simm.s32 $0x5000;
	s16 =	simm.s32 $0x6000;
	s17 =	simm.s32 $0x1  }
0x6: {  	s18 =	simm.s32 $0x2;
	s19 =	simm.s32 $0x2780;
	s20 =	simm.s32 $0x4F00  }
0x7: {  	s21 =	simm.s32 $0x4F80;
	s22 =	simm.s32 $0x0;
	s5 =	sand.u32 $0x1, s3  }
0x8: {  	s4 =	sshll.u32 s1, $0x1;
	s7 =	smul.u32 $0xA000, s1;
	s3 =	simm.s32 $0x0  }
0x9: {  	s31 =	sshll.u32 s1, $0x6;
	s4 =	sor.u32 s5, s4;
	s8 =	smul.u32 $0xA0000, s5  }
0xa: {  	[smem:$0x7FF] =	sst s3;
	s10 =	ssub.s32 $0x2, s5;
	s5 =	sadd.s32 $0x2E000, s6  }
0xb: {  	s9 =	smul.u32 $0x500, s4;
	_ =	strace $0x8000004D;
	s4 =	sadd.s32 $0x69A00, s6  }
0xc: {  	s29 =	sshrl.u32 s10, $0x1;
	s30 =	sshrl.u32 s7, $0x1;
	s8 =	sadd.s32 s7, s8  }
0xd: {  	s10 =	ssub.s32 s10, s29;
	s12 =	sadd.s32 s30, s2;
	s8 =	sshrl.u32 s8, $0x4  }
0xe: {  	s9 =	sadd.s32 s9, s6;
	s10 =	smax.u32 s10, $0x1;
	s11 =	sadd.s32 s8, s6  }
0xf: {  	s6 =	sor.u32 $0x1C03, s31;
	s7 =	sadd.s32 $0x5400, s9;
	s8 =	sadd.s32 $0x37A00, s9  }
0x10: {  	s9 =	sadd.s32 $0x73A00, s11;
	s11 =	sshrl.u32 s12, $0x3;
	s12 =	simm.s32 $0x3  }
.LBB2_1:
0x11: {  	[spmem:s11], [sflag:s6] =	dma.local [hbm:s5], $0xA00  }
0x12: {  	_ =	swait.ge [sflag:s12], $0xA00  }
0x13: {  	[sflag:s12] =	ssyncset.done $0x0  }
0x14: {  	[sflag:s12] =	ssyncadd.s32 $0xFFFFF600  }
0x15: {  	[tilespmem:s3], [sflag:$0x3] =	stream.linear.gather [hbm4b:s7+s3], $0x2800, $0x38;
	[tilespmem:$0xC000] =	vst v63  }
0x16: {  	_ =	swait.ge [sflag:s12], $0x2800  }
0x17: {  	[sflag:s12] =	ssyncset.done $0x0  }
0x18: {  	[sflag:s12] =	ssyncadd.s32 $0xFFFFD800  }
0x19: {  	[tilespmem:s13], [sflag:$0x3] =	stream.linear.gather [hbm4b:s8+s3], $0x2800, $0x38;
	[tilespmem:$0xC000] =	vst v63  }
0x1a: {  	_ =	swait.ge [sflag:s12], $0x2800  }
0x1b: {  	[sflag:s12] =	ssyncset.done $0x0  }
0x1c: {  	[sflag:s12] =	ssyncadd.s32 $0xFFFFD800  }
0x1d: {  	[bflag:$0x0] =	sbarrier.arrive $0xFFFF  }
0x1e: {  	[tilespmem:s15], [sflag:$0x1] =	stream.indirect.gather [hbm4b:s4+s14], $0x20, s3, s14, $0xb8;
	[tilespmem:$0xC000] =	vst v63  }
0x1f: {  	s23 =	simm.s32 $0x80  }
0x20: {  	[tilespmem:s16], [sflag:$0x2] =	stream.indirect.gather [hbm4b:s4+s14], $0x20, s23, s14, $0xb8;
	[tilespmem:$0xC000] =	vst v63  }
0x21: {  	_ =	swait.ge [sflag:s17], $0x1000  }
0x22: {  	[sflag:s17] =	ssyncset.done $0x0  }
0x23: {  	s29 =	simm.s32 $0x2800;
	[sflag:s17] =	ssyncadd.s32 $0xFFFFF000  }
0x24: {  	[spmem:s2] =	stream.indirect.scatter.add.bf16 [tilespmem:s15], [sflag:$0x3], $0x20, s29, s14, $0xb8;
	[tilespmem:$0xC000] =	vst v63  }
0x25: {  	_ =	swait.ge [sflag:s12], $0x1000  }
0x26: {  	[sflag:s12] =	ssyncset.done $0x0  }
0x27: {  	s30 =	simm.s32 $0x100;
	[sflag:s12] =	ssyncadd.s32 $0xFFFFF000  }
0x28: {  	[tilespmem:s15], [sflag:$0x1] =	stream.indirect.gather [hbm4b:s4+s14], $0x20, s30, s14, $0xb8;
	[tilespmem:$0xC000] =	vst v63  }
0x29: {  	_ =	swait.ge [sflag:s18], $0x1000  }
0x2a: {  	[sflag:s18] =	ssyncset.done $0x0  }
0x2b: {  	s31 =	simm.s32 $0x2880;
	[sflag:s18] =	ssyncadd.s32 $0xFFFFF000  }
0x2c: {  	[spmem:s2] =	stream.indirect.scatter.add.bf16 [tilespmem:s16], [sflag:$0x3], $0x20, s31, s14, $0xb8;
	[tilespmem:$0xC000] =	vst v63  }
0x2d: {  	_ =	swait.ge [sflag:s12], $0x1000  }
0x2e: {  	s24 =	simm.s32 $0x800;
	s23 =	simm.s32 $0x100;
	[sflag:s12] =	ssyncset.done $0x0  }
.LBB2_2:
0x2f: {  	s25 =	sadd.s32 $0x80, s23  }
0x30: {  	[sflag:s12] =	ssyncadd.s32 $0xFFFFF000;
	s26 =	smov.u32 s24;
	s28 =	sadd.s32 $0x400, s24  }
0x31: {  	[tilespmem:s16], [sflag:$0x2] =	stream.indirect.gather [hbm4b:s4+s14], $0x20, s25, s14, $0xb8;
	[tilespmem:$0xC000] =	vst v63  }
0x32: {  	p0 =	sne.s32 s24, $0x9800;
	_ =	swait.ge [sflag:s17], $0x1000  }
0x33: {  	[sflag:s17] =	ssyncset.done $0x0  }
0x34: {  	s24 =	sadd.s32 $0x2800, s23;
	[sflag:s17] =	ssyncadd.s32 $0xFFFFF000  }
0x35: {  	[spmem:s2] =	stream.indirect.scatter.add.bf16 [tilespmem:s15], [sflag:$0x3], $0x20, s24, s14, $0xb8;
	[tilespmem:$0xC000] =	vst v63  }
0x36: {  	_ =	swait.ge [sflag:s12], $0x1000  }
0x37: {  	[sflag:s12] =	ssyncset.done $0x0  }
0x38: {  	s24 =	sadd.s32 $0x100, s23;
	[sflag:s12] =	ssyncadd.s32 $0xFFFFF000  }
0x39: {  	[tilespmem:s15], [sflag:$0x1] =	stream.indirect.gather [hbm4b:s4+s14], $0x20, s24, s14, $0xb8;
	[tilespmem:$0xC000] =	vst v63  }
0x3a: {  	_ =	swait.ge [sflag:s18], $0x1000  }
.Ltmp0:
0x3b: {  	[sflag:s18] =	ssyncset.done $0x0;
	(pc) =	sbr.rel @p0 .LBB2_2-.Ltmp0, $4  }
0x3c: {  	s23 =	sadd.s32 $0x2880, s23;
	[sflag:s18] =	ssyncadd.s32 $0xFFFFF000  }
0x3d: {  	[spmem:s2] =	stream.indirect.scatter.add.bf16 [tilespmem:s16], [sflag:$0x3], $0x20, s23, s14, $0xb8;
	[tilespmem:$0xC000] =	vst v63  }
0x3e: {  	_ =	swait.ge [sflag:s12], $0x1000  }
0x3f: {  	s24 =	smov.u32 s28;
	s23 =	sshra.s32 s26, $0x2;
	[sflag:s12] =	ssyncset.done $0x0  }
0x40: {  	s24 =	sadd.s32 $0x80, s23;
	[sflag:s12] =	ssyncadd.s32 $0xFFFFF000  }
0x41: {  	[tilespmem:s16], [sflag:$0x2] =	stream.indirect.gather [hbm4b:s4+s14], $0x20, s24, s14, $0xb8;
	[tilespmem:$0xC000] =	vst v63  }
0x42: {  	_ =	swait.ge [sflag:s17], $0x1000  }
0x43: {  	[sflag:s17] =	ssyncset.done $0x0  }
0x44: {  	s29 =	sadd.s32 $0x2800, s23;
	[sflag:s17] =	ssyncadd.s32 $0xFFFFF000  }
0x45: {  	[spmem:s2] =	stream.indirect.scatter.add.bf16 [tilespmem:s15], [sflag:$0x3], $0x20, s29, s14, $0xb8;
	[tilespmem:$0xC000] =	vst v63  }
0x46: {  	_ =	swait.ge [sflag:s12], $0x1000  }
0x47: {  	[sflag:s12] =	ssyncset.done $0x0  }
0x48: {  	s30 =	sadd.s32 $0x100, s23;
	[sflag:s12] =	ssyncadd.s32 $0xFFFFF000  }
0x49: {  	[tilespmem:s15], [sflag:$0x1] =	stream.indirect.gather [hbm4b:s4+s14], $0x20, s30, s14, $0xb8;
	[tilespmem:$0xC000] =	vst v63  }
0x4a: {  	_ =	swait.ge [sflag:s18], $0x1000  }
0x4b: {  	[sflag:s18] =	ssyncset.done $0x0  }
0x4c: {  	s31 =	sadd.s32 $0x2880, s23;
	[sflag:s18] =	ssyncadd.s32 $0xFFFFF000  }
0x4d: {  	[spmem:s2] =	stream.indirect.scatter.add.bf16 [tilespmem:s16], [sflag:$0x3], $0x20, s31, s14, $0xb8;
	[tilespmem:$0xC000] =	vst v63  }
0x4e: {  	_ =	swait.ge [sflag:s12], $0x1000  }
0x4f: {  	[sflag:s12] =	ssyncset.done $0x0  }
0x50: {  	[sflag:s12] =	ssyncadd.s32 $0xFFFFF000  }
0x51: {  	[tilespmem:s16], [sflag:$0x2] =	stream.indirect.gather [hbm4b:s4+s14], $0x20, s19, s14, $0xb8;
	[tilespmem:$0xC000] =	vst v63  }
0x52: {  	_ =	swait.ge [sflag:s17], $0x1000  }
0x53: {  	[sflag:s17] =	ssyncset.done $0x0  }
0x54: {  	[sflag:s17] =	ssyncadd.s32 $0xFFFFF000  }
0x55: {  	[spmem:s2] =	stream.indirect.scatter.add.bf16 [tilespmem:s15], [sflag:$0x3], $0x20, s20, s14, $0xb8;
	[tilespmem:$0xC000] =	vst v63  }
0x56: {  	_ =	swait.ge [sflag:s12], $0x1000  }
0x57: {  	[sflag:s12] =	ssyncset.done $0x0  }
0x58: {  	[sflag:s12] =	ssyncadd.s32 $0xFFFFF000  }
0x59: {  	_ =	swait.ge [sflag:s18], $0x1000  }
0x5a: {  	[sflag:s18] =	ssyncset.done $0x0  }
0x5b: {  	[sflag:s18] =	ssyncadd.s32 $0xFFFFF000  }
0x5c: {  	[spmem:s2] =	stream.indirect.scatter.add.bf16 [tilespmem:s16], [sflag:$0x3], $0x20, s21, s14, $0xb8;
	[tilespmem:$0xC000] =	vst v63  }
0x5d: {  	_ =	swait.ge [sflag:s12], $0x1000  }
0x5e: {  	s22 =	sadd.s32 $0x1, s22;
	[sflag:s12] =	ssyncset.done $0x0  }
0x5f: {  	p0 =	sne.s32 s22, s10;
	[sflag:s12] =	ssyncadd.s32 $0xFFFFF000  }
.Ltmp1:
0x60: {  	[bflag:$0x0] =	sbarrier.arrive $0xFFFF;
	(pc) =	sbr.rel @p0 .LBB2_1-.Ltmp1, $4  }
0x61: {  	[hbm:s9], [sflag:s6] =	dma.local [spmem:s11], $0xA00  }
0x62: {  	_ =	swait.ge [sflag:s12], $0xA00  }
0x63: {  	[sflag:s12] =	ssyncset.done $0x0  }
0x64: {  	[sflag:s12] =	ssyncadd.s32 $0xFFFFF600  }
0x65: {  	_ =	sfence.sel $0x180000  }
0x66: {  	[bflag:$0x0] =	sbarrier.arrive $0xFFFF  }
0x67: {  	p0 =	sne.s32 s1, $0x0;
	_ =	strace $0x9000004D  }
0x68: {  	s0 =	sadd.s32 @!p0 $0x100000, s0;
	[bflag:$0x2] =	sbarrier.arrive $0xFFFF  }
0x69: {  	[sflag:s0] =	ssyncadd.tile.s32 @!p0 $0x1;
	_ =	shalt  }
.Lfunc_end2:
_tile_overlayer_lowered:
.L_overlay_start_2:
0x6a: {  	(tag) =	ssettag $0x2  }
0x6b: {  	s0 =	rddreg [dreg:$0x0];
	s2 =	stileid.u32  }
0x6c: {  	s1 =	rddreg [dreg:$0x1];
	p0 =	sne.s32 s2, $0x0  }
0x6d: {  	s3 =	rddreg [dreg:$0x2];
	[bflag:$0x3] =	sbarrier.arrive $0xFFFF;
	s2 =	simm.s32 @!p0 $0x1C03  }
0x6e: {  	[timem:s3], [sflag:s2] =	dma.local @!p0 [hbm:s0], s1  }
0x6f: {  	s0 =	simm.s32 @!p0 $0x3  }
0x70: {  	_ =	swait.ge @!p0 [sflag:s0], s1  }
0x71: {  	s1 =	ssub.s32 @!p0 $0x0, s1;
	[sflag:s0] =	ssyncset.done @!p0 $0x0  }
0x72: {  	[sflag:s0] =	ssyncadd.s32 @!p0 s1  }
0x73: {  	[bflag:$0x3] =	sbarrier.arrive $0xFFFF  }
0x74: {  	_ =	shalt  }

// kernel: kernel.22.cloned.1.call-start
scs
__scs_entry_jumppad:
0x0: {  	(pc) =	sbr.rel $0x88, $3  }
0x1: {  	(tag) =	ssettag $0x0;
	lr =	simm.s32 $0x1  }
0x2: {  	[smem:$0x3F92] =	sst lr;
	_ =	strace $0xD0000000  }
0x3: {  	_ = 	snop  }
0x4: {  	_ = 	snop  }
0x5: {  	_ = 	snop  }
0x6: {  	_ = 	snop  }
0x7: {  	_ = 	snop  }
__scs_overlays_trampoline_lowered:
0x8: {  	[smem:$0x3FA1] =	sst s0  }
0x9: {  	[smem:$0x3FA2] =	sst s1  }
0xa: {  	[smem:$0x3FA3] =	sst s2  }
0xb: {  	[smem:$0x3FA4] =	sst s3  }
0xc: {  	[smem:$0x3FA5] =	sst s4  }
0xd: {  	[smem:$0x3FA6] =	sst s5  }
0xe: {  	[smem:$0x3FA7] =	sst s6  }
0xf: {  	[smem:$0x3FA8] =	sst s7  }
0x10: {  	[smem:$0x3FA9] =	sst s8  }
0x11: {  	[smem:$0x3FAA] =	sst s9;
	s0 =	simm.s32 @!p0 $0x0  }
0x12: {  	s1 =	sld [smem:$0x3F90];
	s0 =	simm.s32 @p0 $0x1  }
0x13: {  	[smem:$0x3FAB] =	sst s0;
	s0 =	simm.s32 @!p1 $0x0  }
0x14: {  	s2 =	sld [smem:$0x3F8F];
	s0 =	simm.s32 @p1 $0x1  }
0x15: {  	[smem:$0x3FAC] =	sst s0;
	s0 =	simm.s32 @!p2 $0x0  }
0x16: {  	s3 =	sld [smem:$0x3FDB];
	s0 =	simm.s32 @p2 $0x1  }
0x17: {  	s4 =	simm.s32 $0x1BF5;
	[smem:$0x3FAE] =	sst s0  }
0x18: {  	s0 =	sld [smem:$0x3F91];
	_ =	swait.ge [sflag:s4], $0x0  }
0x19: {  	s7 =	sld [smem:$0x3F92]  }
0x1a: {  	s8 =	sadd.s32 $0xFFFFE003, lr  }
0x1b: {  	s9 =	sadd.s32 $0xFFFFFEF7, lr;
	s5 =	simm.s32 $0xFFFFFFFF;
	p2 =	slt.u32 s8, $0xFFFFF086  }
0x1c: {  	p1 =	slt.u32 s9, $0xF7A;
	s5 =	simm.s32 @!p2 $0x0  }
0x1d: {  	s5 =	simm.s32 @p1 $0x1;
	p0 =	seq.s32 s7, s2  }
0x1e: {  	s7 =	smul.u32 @!p0 $0xF7A, s2;
	p2 =	seq.s32 @!p0 s5, $0x0  }
0x1f: {  	s9 =	smul.u32 $0xF7A, s1;
	s8 =	simm.s32 @!p0 $0x1BF5;
	p2 =	por !p2, p0  }
0x20: {  	[sflag:s8] =	ssyncset.s32 @!p0 $0xFFFFF086;
	s6 =	sadd.s32 @!p0 s3, s7;
	s7 =	simm.s32 @!p0 $0x108  }
0x21: {  	s3 =	sadd.s32 s3, s9;
	s6 =	sadd.s32 @!p0 $0x88, s6;
	s7 =	simm.s32 @p2 $0x1082  }
0x22: {  	[simem:s7], [sflag:s8] =	dma.local @!p0 [hbm:s6], $0xF7A  }
0x23: {  	s9 =	sor.u32 $0xD0000000, s2;
	s6 =	simm.s32 $0x108;
	_ =	swait.ge @!p0 [sflag:s8], $0x0  }
0x24: {  	s3 =	sadd.s32 $0x88, s3;
	s6 =	simm.s32 @!p1 $0x1082;
	[sflag:s4] =	ssyncset.s32 $0xFFFFF086  }
0x25: {  	[simem:s6], [sflag:s4] =	dma.local [hbm:s3], $0xF7A  }
0x26: {  	[smem:$0x3F92] =	sst s1;
	(tag) =	ssettag s2;
	_ =	strace s9  }
0x27: {  	s1 =	sld [smem:$0x3FA2]  }
0x28: {  	s2 =	sld [smem:$0x3FA3]  }
0x29: {  	s4 =	sld [smem:$0x3FA5]  }
0x2a: {  	p0 =	seq.s32 s5, $0x0;
	s5 =	sld [smem:$0x3FA6]  }
0x2b: {  	s6 =	sld [smem:$0x3FA7]  }
0x2c: {  	s7 =	sld [smem:$0x3FA8]  }
0x2d: {  	s3 =	simm.s32 $0x108;
	s8 =	sld [smem:$0x3FA9]  }
0x2e: {  	s3 =	simm.s32 @!p0 $0x1082;
	s9 =	sld [smem:$0x3FAA]  }
0x2f: {  	lr =	sadd.s32 s0, s3;
	s0 =	sld [smem:$0x3FA1]  }
0x30: {  	s3 =	sld [smem:$0x3FA4]  }
0x31: {  	[smem:$0x3FAD] =	sst s10  }
0x32: {  	s10 =	sld [smem:$0x3FAB];
	_ =	sdelay $0x3  }
0x33: {  	p0 =	seq.s32 s10, $0x1;
	s10 =	sld [smem:$0x3FAD];
	_ =	sdelay $0x3  }
0x34: {  	[smem:$0x3FAD] =	sst s10  }
0x35: {  	s10 =	sld [smem:$0x3FAC];
	_ =	sdelay $0x3  }
0x36: {  	p1 =	seq.s32 s10, $0x1;
	s10 =	sld [smem:$0x3FAD];
	_ =	sdelay $0x3  }
0x37: {  	[smem:$0x3FAD] =	sst s10  }
0x38: {  	s10 =	sld [smem:$0x3FAE]  }
0x39: {  	_ = 	snop;
	(pc) =	sbr.ind lr, $3  }
0x3a: {  	_ = 	snop  }
0x3b: {  	_ = 	snop  }
0x3c: {  	p2 =	seq.s32 s10, $0x1;
	s10 =	sld [smem:$0x3FAD]  }
0x3d: {  	_ =	shalt  }
0x3e: {  	_ =	shalt  }
0x3f: {  	_ =	shalt  }
0x40: {  	_ =	shalt  }
0x41: {  	_ =	shalt  }
0x42: {  	_ =	shalt  }
0x43: {  	_ =	shalt  }
0x44: {  	_ =	shalt  }
0x45: {  	_ =	shalt  }
0x46: {  	_ =	shalt  }
0x47: {  	_ =	shalt  }
0x48: {  	_ =	shalt  }
0x49: {  	_ =	shalt  }
0x4a: {  	_ =	shalt  }
0x4b: {  	_ =	shalt  }
0x4c: {  	_ =	shalt  }
0x4d: {  	_ =	shalt  }
0x4e: {  	_ =	shalt  }
0x4f: {  	_ =	shalt  }
0x50: {  	_ =	shalt  }
0x51: {  	_ =	shalt  }
0x52: {  	_ =	shalt  }
0x53: {  	_ =	shalt  }
0x54: {  	_ =	shalt  }
0x55: {  	_ =	shalt  }
0x56: {  	_ =	shalt  }
0x57: {  	_ =	shalt  }
0x58: {  	_ =	shalt  }
0x59: {  	_ =	shalt  }
0x5a: {  	_ =	shalt  }
0x5b: {  	_ =	shalt  }
0x5c: {  	_ =	shalt  }
0x5d: {  	_ =	shalt  }
0x5e: {  	_ =	shalt  }
0x5f: {  	_ =	shalt  }
0x60: {  	_ =	shalt  }
0x61: {  	_ =	shalt  }
0x62: {  	_ =	shalt  }
0x63: {  	_ =	shalt  }
0x64: {  	_ =	shalt  }
0x65: {  	_ =	shalt  }
0x66: {  	_ =	shalt  }
0x67: {  	_ =	shalt  }
0x68: {  	_ =	shalt  }
0x69: {  	_ =	shalt  }
0x6a: {  	_ =	shalt  }
0x6b: {  	_ =	shalt  }
0x6c: {  	_ =	shalt  }
0x6d: {  	_ =	shalt  }
0x6e: {  	_ =	shalt  }
0x6f: {  	_ =	shalt  }
0x70: {  	_ =	shalt  }
0x71: {  	_ =	shalt  }
0x72: {  	_ =	shalt  }
0x73: {  	_ =	shalt  }
0x74: {  	_ =	shalt  }
0x75: {  	_ =	shalt  }
0x76: {  	_ =	shalt  }
0x77: {  	_ =	shalt  }
0x78: {  	_ =	shalt  }
0x79: {  	_ =	shalt  }
0x7a: {  	_ =	shalt  }
0x7b: {  	_ =	shalt  }
0x7c: {  	_ =	shalt  }
0x7d: {  	_ =	shalt  }
0x7e: {  	_ =	shalt  }
0x7f: {  	_ =	shalt  }
0x80: {  	_ =	shalt  }
0x81: {  	_ =	shalt  }
0x82: {  	_ =	shalt  }
0x83: {  	_ =	shalt  }
0x84: {  	_ =	shalt  }
0x85: {  	_ =	shalt  }
0x86: {  	_ =	shalt  }
0x87: {  	_ =	shalt  }
.Lfunc_end0:
.L_simem_size_0:
called_computation.3_lowered:
.L_overlay_start_0:
0x88: {  	s2 =	sld [smem:$0x3FD9]  }
0x89: {  	s3 =	sld [smem:$0x3FFE];
	_ =	sdelay $0x1  }
0x8a: {  	s1 =	srdreg.scid  }
0x8b: {  	s0 =	sand.u32 $0x1, s1  }
0x8c: {  	s16 =	sshll.u32 s0, $0xA;
	s2 =	sadd.s32 s3, s2  }
0x8d: {  	s2 =	sadd.s32 s2, s16  }
0x8e: {  	[smem:$0x3FB9] =	sst s2  }
0x8f: {  	_ = 	snop  }
0x90: {  	(tm) =	ssettm $0x1  }
0x91: {  	s17 =	sld [smem:$0x3FFB];
	_ =	sdelay $0x3  }
0x92: {  	_ =	strace s17  }
0x93: {  	s2 =	sld [smem:$0x3FFC];
	_ =	sdelay $0x3  }
0x94: {  	_ =	strace s2  }
0x95: {  	s2 =	sld [smem:$0x3FFD];
	_ =	sdelay $0x3  }
0x96: {  	_ =	strace s2  }
0x97: {  	_ =	strace $0x8FFFFFFF  }
0x98: {  	s18 =	sld [smem:$0x3FDB];
	_ =	sdelay $0x1  }
0x99: {  	s19 =	simm.s32 $_scs_section_size  }
0x9a: {  	s4 =	simm.s32 $_size__tile_overlayer_lowered;
	s5 =	simm.s32 $_tile_overlayer_lowered  }
0x9b: {  	s22 =	simm.s32 $0x1BFF;
	s21 =	sshll.u32 s5, $0x1;
	s2 =	sadd.s32 s19, s18  }
0x9c: {  	s6 =	simm.s32 $0x0;
	s20 =	sshll.u32 s4, $0x1;
	s4 =	sadd.s32 s21, s2  }
0x9d: {  	[timem:s6], [sflag:s22] =	dma.local [hbm:s4], s20  }
0x9e: {  	_ =	swait.ge [sflag:s22], s20  }
0x9f: {  	s3 =	ssub.s32 $0x0, s20;
	[sflag:s22] =	ssyncset.done $0x0  }
0xa0: {  	[sflag:s22] =	ssyncadd.s32 s3;
	_ =	sdelay $0x1  }
0xa1: {  	s23 =	simm.s32 $0x1B8B  }
0xa2: {  	_ =	swait.ge [sflag:s23], $0x1  }
0xa3: {  	[sflag:s23] =	ssyncset.done $0x0  }
0xa4: {  	s25 =	simm.s32 $0x1B8E;
	s24 =	sld [smem:$0x3FFE];
	[sflag:s23] =	ssyncadd.s32 $0xFFFFFFFF  }
0xa5: {  	s26 =	simm.s32 $execute0_lowered;
	[smem:$0x3FD2] =	sst s25  }
0xa6: {  	s4 =	sshll.u32 s26, $0x1;
	_ =	strace $0x8000004F;
	[dreg:$0x1] =	wrdreg $0xFFFFFFFF  }
0xa7: {  	s28 =	simm.s32 $_size_execute0_lowered;
	s2 =	sadd.s32 s2, s4;
	[dreg:$0x0] =	wrdreg $0x0  }
0xa8: {  	s4 =	sshll.u32 s28, $0x1;
	[dreg:$0x2] =	wrdreg s2  }
0xa9: {  	[dreg:$0x3] =	wrdreg s4  }
0xaa: {  	[dreg:$0x4] =	wrdreg $0xC0  }
0xab: {  	_ =	task [dreg:s6], $0x5FFFF  }
0xac: {  	[dreg:$0x1] =	wrdreg $0xFFFFFFFF  }
0xad: {  	[dreg:$0x0] =	wrdreg $0x60  }
0xae: {  	[dreg:$0x2] =	wrdreg s24  }
0xaf: {  	[dreg:$0x3] =	wrdreg $0x70000  }
0xb0: {  	[dreg:$0x4] =	wrdreg $0x9  }
0xb1: {  	_ =	task.clear_ibuf [dreg:s6], $0x5FFFF;
	_ =	strace $0x9000004F  }
0xb2: {  	s29 =	simm.s32 $0x9;
	_ =	strace $0x80000051  }
0xb3: {  	_ =	swait.ge [sflag:s29], $0x1  }
0xb4: {  	[sflag:s29] =	ssyncadd.s32 $0xFFFFFFFF  }
0xb5: {  	_ =	strace $0x90000051  }
0xb6: {  	_ =	sfence  }
0xb7: {  	s30 =	sld [smem:$0x0];
	_ =	sdelay $0x2  }
0xb8: {  	s31 =	sshll.u32 s1, $0xD;
	s1 =	sshrl.u32 s1, $0x2  }
0xb9: {  	s3 =	sand.u32 $0x4000, s31;
	s1 =	sadd.s32 s1, s30  }
0xba: {  	s0 =	sor.u32 s3, s0;
	s1 =	sshll.u32 s1, $0x11  }
0xbb: {  	s0 =	sor.u32 s1, s0  }
0xbc: {  	s0 =	sadd.s32 $0x8F2B, s0  }
0xbd: {  	[sflag:s0] =	ssyncadd.remote.s32 $0x1  }
0xbe: {  	_ =	sfence.sel $0xFFFF  }
0xbf: {  	[dreg:$0x0] =	wrdreg $0xFFFFFFFF;
	(pc) =	sbr.abs _section_cstart, $3  }
0xc0: {  	[dreg:$0x1] =	wrdreg $0xFFFFFFFF  }
0xc1: {  	_ =	task.clear_ibuf [dreg:s6], $0x2FFFF;
	_ =	strace $0x9FFFFFFF  }
0xc2: {  	(tm) =	ssettm $0x7FFFFFFF  }
0xc3: {  	_ =	shalt  }
tec
execute0_lowered:
.L_overlay_start_1:
0x0: {  	(tag) =	ssettag $0x1  }
0x1: {  	s6 =	rddreg [dreg:$0x0]  }
0x2: {  	s2 =	rddreg [dreg:$0x1]  }
0x3: {  	s0 =	rddreg [dreg:$0x2];
	s3 =	srdreg.scid  }
0x4: {  	s1 =	stileid.u32;
	s13 =	simm.s32 $0x2800;
	s14 =	simm.s32 $0x80  }
0x5: {  	s15 =	simm.s32 $0x5000;
	s16 =	simm.s32 $0x6000;
	s17 =	simm.s32 $0x1  }
0x6: {  	s18 =	simm.s32 $0x2;
	s19 =	simm.s32 $0x2780;
	s20 =	simm.s32 $0x4F00  }
0x7: {  	s21 =	simm.s32 $0x4F80;
	s22 =	simm.s32 $0x0;
	s5 =	sand.u32 $0x1, s3  }
0x8: {  	s4 =	sshll.u32 s1, $0x1;
	s7 =	smul.u32 $0xA000, s1;
	s3 =	simm.s32 $0x0  }
0x9: {  	s31 =	sshll.u32 s1, $0x6;
	s4 =	sor.u32 s5, s4;
	s8 =	smul.u32 $0xA0000, s5  }
0xa: {  	[smem:$0x7FF] =	sst s3;
	s10 =	ssub.s32 $0x2, s5;
	s5 =	sadd.s32 $0x2E000, s6  }
0xb: {  	s9 =	smul.u32 $0x500, s4;
	_ =	strace $0x80000050;
	s4 =	sadd.s32 $0x69A00, s6  }
0xc: {  	s29 =	sshrl.u32 s10, $0x1;
	s30 =	sshrl.u32 s7, $0x1;
	s8 =	sadd.s32 s7, s8  }
0xd: {  	s10 =	ssub.s32 s10, s29;
	s12 =	sadd.s32 s30, s2;
	s8 =	sshrl.u32 s8, $0x4  }
0xe: {  	s9 =	sadd.s32 s9, s6;
	s10 =	smax.u32 s10, $0x1;
	s11 =	sadd.s32 s8, s6  }
0xf: {  	s6 =	sor.u32 $0x1C03, s31;
	s7 =	sadd.s32 $0x5400, s9;
	s8 =	sadd.s32 $0x37A00, s9  }
0x10: {  	s9 =	sadd.s32 $0x73A00, s11;
	s11 =	sshrl.u32 s12, $0x3;
	s12 =	simm.s32 $0x3  }
.LBB2_1:
0x11: {  	[spmem:s11], [sflag:s6] =	dma.local [hbm:s5], $0xA00  }
0x12: {  	_ =	swait.ge [sflag:s12], $0xA00  }
0x13: {  	[sflag:s12] =	ssyncset.done $0x0  }
0x14: {  	[sflag:s12] =	ssyncadd.s32 $0xFFFFF600  }
0x15: {  	[tilespmem:s3], [sflag:$0x3] =	stream.linear.gather [hbm4b:s7+s3], $0x2800, $0x38;
	[tilespmem:$0xC000] =	vst v63  }
0x16: {  	_ =	swait.ge [sflag:s12], $0x2800  }
0x17: {  	[sflag:s12] =	ssyncset.done $0x0  }
0x18: {  	[sflag:s12] =	ssyncadd.s32 $0xFFFFD800  }
0x19: {  	[tilespmem:s13], [sflag:$0x3] =	stream.linear.gather [hbm4b:s8+s3], $0x2800, $0x38;
	[tilespmem:$0xC000] =	vst v63  }
0x1a: {  	_ =	swait.ge [sflag:s12], $0x2800  }
0x1b: {  	[sflag:s12] =	ssyncset.done $0x0  }
0x1c: {  	[sflag:s12] =	ssyncadd.s32 $0xFFFFD800  }
0x1d: {  	[bflag:$0x0] =	sbarrier.arrive $0xFFFF  }
0x1e: {  	[tilespmem:s15], [sflag:$0x1] =	stream.indirect.gather [hbm4b:s4+s14], $0x20, s3, s14, $0xb8;
	[tilespmem:$0xC000] =	vst v63  }
0x1f: {  	s23 =	simm.s32 $0x80  }
0x20: {  	[tilespmem:s16], [sflag:$0x2] =	stream.indirect.gather [hbm4b:s4+s14], $0x20, s23, s14, $0xb8;
	[tilespmem:$0xC000] =	vst v63  }
0x21: {  	_ =	swait.ge [sflag:s17], $0x1000  }
0x22: {  	[sflag:s17] =	ssyncset.done $0x0  }
0x23: {  	s29 =	simm.s32 $0x2800;
	[sflag:s17] =	ssyncadd.s32 $0xFFFFF000  }
0x24: {  	[spmem:s2] =	stream.indirect.scatter.add.bf16 [tilespmem:s15], [sflag:$0x3], $0x20, s29, s14, $0xb8;
	[tilespmem:$0xC000] =	vst v63  }
0x25: {  	_ =	swait.ge [sflag:s12], $0x1000  }
0x26: {  	[sflag:s12] =	ssyncset.done $0x0  }
0x27: {  	s30 =	simm.s32 $0x100;
	[sflag:s12] =	ssyncadd.s32 $0xFFFFF000  }
0x28: {  	[tilespmem:s15], [sflag:$0x1] =	stream.indirect.gather [hbm4b:s4+s14], $0x20, s30, s14, $0xb8;
	[tilespmem:$0xC000] =	vst v63  }
0x29: {  	_ =	swait.ge [sflag:s18], $0x1000  }
0x2a: {  	[sflag:s18] =	ssyncset.done $0x0  }
0x2b: {  	s31 =	simm.s32 $0x2880;
	[sflag:s18] =	ssyncadd.s32 $0xFFFFF000  }
0x2c: {  	[spmem:s2] =	stream.indirect.scatter.add.bf16 [tilespmem:s16], [sflag:$0x3], $0x20, s31, s14, $0xb8;
	[tilespmem:$0xC000] =	vst v63  }
0x2d: {  	_ =	swait.ge [sflag:s12], $0x1000  }
0x2e: {  	s24 =	simm.s32 $0x800;
	s23 =	simm.s32 $0x100;
	[sflag:s12] =	ssyncset.done $0x0  }
.LBB2_2:
0x2f: {  	s25 =	sadd.s32 $0x80, s23  }
0x30: {  	[sflag:s12] =	ssyncadd.s32 $0xFFFFF000;
	s26 =	smov.u32 s24;
	s28 =	sadd.s32 $0x400, s24  }
0x31: {  	[tilespmem:s16], [sflag:$0x2] =	stream.indirect.gather [hbm4b:s4+s14], $0x20, s25, s14, $0xb8;
	[tilespmem:$0xC000] =	vst v63  }
0x32: {  	p0 =	sne.s32 s24, $0x9800;
	_ =	swait.ge [sflag:s17], $0x1000  }
0x33: {  	[sflag:s17] =	ssyncset.done $0x0  }
0x34: {  	s24 =	sadd.s32 $0x2800, s23;
	[sflag:s17] =	ssyncadd.s32 $0xFFFFF000  }
0x35: {  	[spmem:s2] =	stream.indirect.scatter.add.bf16 [tilespmem:s15], [sflag:$0x3], $0x20, s24, s14, $0xb8;
	[tilespmem:$0xC000] =	vst v63  }
0x36: {  	_ =	swait.ge [sflag:s12], $0x1000  }
0x37: {  	[sflag:s12] =	ssyncset.done $0x0  }
0x38: {  	s24 =	sadd.s32 $0x100, s23;
	[sflag:s12] =	ssyncadd.s32 $0xFFFFF000  }
0x39: {  	[tilespmem:s15], [sflag:$0x1] =	stream.indirect.gather [hbm4b:s4+s14], $0x20, s24, s14, $0xb8;
	[tilespmem:$0xC000] =	vst v63  }
0x3a: {  	_ =	swait.ge [sflag:s18], $0x1000  }
.Ltmp0:
0x3b: {  	[sflag:s18] =	ssyncset.done $0x0;
	(pc) =	sbr.rel @p0 .LBB2_2-.Ltmp0, $4  }
0x3c: {  	s23 =	sadd.s32 $0x2880, s23;
	[sflag:s18] =	ssyncadd.s32 $0xFFFFF000  }
0x3d: {  	[spmem:s2] =	stream.indirect.scatter.add.bf16 [tilespmem:s16], [sflag:$0x3], $0x20, s23, s14, $0xb8;
	[tilespmem:$0xC000] =	vst v63  }
0x3e: {  	_ =	swait.ge [sflag:s12], $0x1000  }
0x3f: {  	s24 =	smov.u32 s28;
	s23 =	sshra.s32 s26, $0x2;
	[sflag:s12] =	ssyncset.done $0x0  }
0x40: {  	s24 =	sadd.s32 $0x80, s23;
	[sflag:s12] =	ssyncadd.s32 $0xFFFFF000  }
0x41: {  	[tilespmem:s16], [sflag:$0x2] =	stream.indirect.gather [hbm4b:s4+s14], $0x20, s24, s14, $0xb8;
	[tilespmem:$0xC000] =	vst v63  }
0x42: {  	_ =	swait.ge [sflag:s17], $0x1000  }
0x43: {  	[sflag:s17] =	ssyncset.done $0x0  }
0x44: {  	s29 =	sadd.s32 $0x2800, s23;
	[sflag:s17] =	ssyncadd.s32 $0xFFFFF000  }
0x45: {  	[spmem:s2] =	stream.indirect.scatter.add.bf16 [tilespmem:s15], [sflag:$0x3], $0x20, s29, s14, $0xb8;
	[tilespmem:$0xC000] =	vst v63  }
0x46: {  	_ =	swait.ge [sflag:s12], $0x1000  }
0x47: {  	[sflag:s12] =	ssyncset.done $0x0  }
0x48: {  	s30 =	sadd.s32 $0x100, s23;
	[sflag:s12] =	ssyncadd.s32 $0xFFFFF000  }
0x49: {  	[tilespmem:s15], [sflag:$0x1] =	stream.indirect.gather [hbm4b:s4+s14], $0x20, s30, s14, $0xb8;
	[tilespmem:$0xC000] =	vst v63  }
0x4a: {  	_ =	swait.ge [sflag:s18], $0x1000  }
0x4b: {  	[sflag:s18] =	ssyncset.done $0x0  }
0x4c: {  	s31 =	sadd.s32 $0x2880, s23;
	[sflag:s18] =	ssyncadd.s32 $0xFFFFF000  }
0x4d: {  	[spmem:s2] =	stream.indirect.scatter.add.bf16 [tilespmem:s16], [sflag:$0x3], $0x20, s31, s14, $0xb8;
	[tilespmem:$0xC000] =	vst v63  }
0x4e: {  	_ =	swait.ge [sflag:s12], $0x1000  }
0x4f: {  	[sflag:s12] =	ssyncset.done $0x0  }
0x50: {  	[sflag:s12] =	ssyncadd.s32 $0xFFFFF000  }
0x51: {  	[tilespmem:s16], [sflag:$0x2] =	stream.indirect.gather [hbm4b:s4+s14], $0x20, s19, s14, $0xb8;
	[tilespmem:$0xC000] =	vst v63  }
0x52: {  	_ =	swait.ge [sflag:s17], $0x1000  }
0x53: {  	[sflag:s17] =	ssyncset.done $0x0  }
0x54: {  	[sflag:s17] =	ssyncadd.s32 $0xFFFFF000  }
0x55: {  	[spmem:s2] =	stream.indirect.scatter.add.bf16 [tilespmem:s15], [sflag:$0x3], $0x20, s20, s14, $0xb8;
	[tilespmem:$0xC000] =	vst v63  }
0x56: {  	_ =	swait.ge [sflag:s12], $0x1000  }
0x57: {  	[sflag:s12] =	ssyncset.done $0x0  }
0x58: {  	[sflag:s12] =	ssyncadd.s32 $0xFFFFF000  }
0x59: {  	_ =	swait.ge [sflag:s18], $0x1000  }
0x5a: {  	[sflag:s18] =	ssyncset.done $0x0  }
0x5b: {  	[sflag:s18] =	ssyncadd.s32 $0xFFFFF000  }
0x5c: {  	[spmem:s2] =	stream.indirect.scatter.add.bf16 [tilespmem:s16], [sflag:$0x3], $0x20, s21, s14, $0xb8;
	[tilespmem:$0xC000] =	vst v63  }
0x5d: {  	_ =	swait.ge [sflag:s12], $0x1000  }
0x5e: {  	s22 =	sadd.s32 $0x1, s22;
	[sflag:s12] =	ssyncset.done $0x0  }
0x5f: {  	p0 =	sne.s32 s22, s10;
	[sflag:s12] =	ssyncadd.s32 $0xFFFFF000  }
.Ltmp1:
0x60: {  	[bflag:$0x0] =	sbarrier.arrive $0xFFFF;
	(pc) =	sbr.rel @p0 .LBB2_1-.Ltmp1, $4  }
0x61: {  	[hbm:s9], [sflag:s6] =	dma.local [spmem:s11], $0xA00  }
0x62: {  	_ =	swait.ge [sflag:s12], $0xA00  }
0x63: {  	[sflag:s12] =	ssyncset.done $0x0  }
0x64: {  	[sflag:s12] =	ssyncadd.s32 $0xFFFFF600  }
0x65: {  	_ =	sfence.sel $0x180000  }
0x66: {  	[bflag:$0x0] =	sbarrier.arrive $0xFFFF  }
0x67: {  	p0 =	sne.s32 s1, $0x0;
	_ =	strace $0x90000050  }
0x68: {  	s0 =	sadd.s32 @!p0 $0x100000, s0;
	[bflag:$0x2] =	sbarrier.arrive $0xFFFF  }
0x69: {  	[sflag:s0] =	ssyncadd.tile.s32 @!p0 $0x1;
	_ =	shalt  }
.Lfunc_end2:
_tile_overlayer_lowered:
.L_overlay_start_2:
0x6a: {  	(tag) =	ssettag $0x2  }
0x6b: {  	s0 =	rddreg [dreg:$0x0];
	s2 =	stileid.u32  }
0x6c: {  	s1 =	rddreg [dreg:$0x1];
	p0 =	sne.s32 s2, $0x0  }
0x6d: {  	s3 =	rddreg [dreg:$0x2];
	[bflag:$0x3] =	sbarrier.arrive $0xFFFF;
	s2 =	simm.s32 @!p0 $0x1C03  }
0x6e: {  	[timem:s3], [sflag:s2] =	dma.local @!p0 [hbm:s0], s1  }
0x6f: {  	s0 =	simm.s32 @!p0 $0x3  }
0x70: {  	_ =	swait.ge @!p0 [sflag:s0], s1  }
0x71: {  	s1 =	ssub.s32 @!p0 $0x0, s1;
	[sflag:s0] =	ssyncset.done @!p0 $0x0  }
0x72: {  	[sflag:s0] =	ssyncadd.s32 @!p0 s1  }
0x73: {  	[bflag:$0x3] =	sbarrier.arrive $0xFFFF  }
0x74: {  	_ =	shalt  }

// kernel: kernel.25.cloned.1.call-start
scs
__scs_entry_jumppad:
0x0: {  	(pc) =	sbr.rel $0x88, $3  }
0x1: {  	(tag) =	ssettag $0x0;
	lr =	simm.s32 $0x1  }
0x2: {  	[smem:$0x3F92] =	sst lr;
	_ =	strace $0xD0000000  }
0x3: {  	_ = 	snop  }
0x4: {  	_ = 	snop  }
0x5: {  	_ = 	snop  }
0x6: {  	_ = 	snop  }
0x7: {  	_ = 	snop  }
__scs_overlays_trampoline_lowered:
0x8: {  	[smem:$0x3FA1] =	sst s0  }
0x9: {  	[smem:$0x3FA2] =	sst s1  }
0xa: {  	[smem:$0x3FA3] =	sst s2  }
0xb: {  	[smem:$0x3FA4] =	sst s3  }
0xc: {  	[smem:$0x3FA5] =	sst s4  }
0xd: {  	[smem:$0x3FA6] =	sst s5  }
0xe: {  	[smem:$0x3FA7] =	sst s6  }
0xf: {  	[smem:$0x3FA8] =	sst s7  }
0x10: {  	[smem:$0x3FA9] =	sst s8  }
0x11: {  	[smem:$0x3FAA] =	sst s9;
	s0 =	simm.s32 @!p0 $0x0  }
0x12: {  	s1 =	sld [smem:$0x3F90];
	s0 =	simm.s32 @p0 $0x1  }
0x13: {  	[smem:$0x3FAB] =	sst s0;
	s0 =	simm.s32 @!p1 $0x0  }
0x14: {  	s2 =	sld [smem:$0x3F8F];
	s0 =	simm.s32 @p1 $0x1  }
0x15: {  	[smem:$0x3FAC] =	sst s0;
	s0 =	simm.s32 @!p2 $0x0  }
0x16: {  	s3 =	sld [smem:$0x3FDB];
	s0 =	simm.s32 @p2 $0x1  }
0x17: {  	s4 =	simm.s32 $0x1BF5;
	[smem:$0x3FAE] =	sst s0  }
0x18: {  	s0 =	sld [smem:$0x3F91];
	_ =	swait.ge [sflag:s4], $0x0  }
0x19: {  	s7 =	sld [smem:$0x3F92]  }
0x1a: {  	s8 =	sadd.s32 $0xFFFFE003, lr  }
0x1b: {  	s9 =	sadd.s32 $0xFFFFFEF7, lr;
	s5 =	simm.s32 $0xFFFFFFFF;
	p2 =	slt.u32 s8, $0xFFFFF086  }
0x1c: {  	p1 =	slt.u32 s9, $0xF7A;
	s5 =	simm.s32 @!p2 $0x0  }
0x1d: {  	s5 =	simm.s32 @p1 $0x1;
	p0 =	seq.s32 s7, s2  }
0x1e: {  	s7 =	smul.u32 @!p0 $0xF7A, s2;
	p2 =	seq.s32 @!p0 s5, $0x0  }
0x1f: {  	s9 =	smul.u32 $0xF7A, s1;
	s8 =	simm.s32 @!p0 $0x1BF5;
	p2 =	por !p2, p0  }
0x20: {  	[sflag:s8] =	ssyncset.s32 @!p0 $0xFFFFF086;
	s6 =	sadd.s32 @!p0 s3, s7;
	s7 =	simm.s32 @!p0 $0x108  }
0x21: {  	s3 =	sadd.s32 s3, s9;
	s6 =	sadd.s32 @!p0 $0x88, s6;
	s7 =	simm.s32 @p2 $0x1082  }
0x22: {  	[simem:s7], [sflag:s8] =	dma.local @!p0 [hbm:s6], $0xF7A  }
0x23: {  	s9 =	sor.u32 $0xD0000000, s2;
	s6 =	simm.s32 $0x108;
	_ =	swait.ge @!p0 [sflag:s8], $0x0  }
0x24: {  	s3 =	sadd.s32 $0x88, s3;
	s6 =	simm.s32 @!p1 $0x1082;
	[sflag:s4] =	ssyncset.s32 $0xFFFFF086  }
0x25: {  	[simem:s6], [sflag:s4] =	dma.local [hbm:s3], $0xF7A  }
0x26: {  	[smem:$0x3F92] =	sst s1;
	(tag) =	ssettag s2;
	_ =	strace s9  }
0x27: {  	s1 =	sld [smem:$0x3FA2]  }
0x28: {  	s2 =	sld [smem:$0x3FA3]  }
0x29: {  	s4 =	sld [smem:$0x3FA5]  }
0x2a: {  	p0 =	seq.s32 s5, $0x0;
	s5 =	sld [smem:$0x3FA6]  }
0x2b: {  	s6 =	sld [smem:$0x3FA7]  }
0x2c: {  	s7 =	sld [smem:$0x3FA8]  }
0x2d: {  	s3 =	simm.s32 $0x108;
	s8 =	sld [smem:$0x3FA9]  }
0x2e: {  	s3 =	simm.s32 @!p0 $0x1082;
	s9 =	sld [smem:$0x3FAA]  }
0x2f: {  	lr =	sadd.s32 s0, s3;
	s0 =	sld [smem:$0x3FA1]  }
0x30: {  	s3 =	sld [smem:$0x3FA4]  }
0x31: {  	[smem:$0x3FAD] =	sst s10  }
0x32: {  	s10 =	sld [smem:$0x3FAB];
	_ =	sdelay $0x3  }
0x33: {  	p0 =	seq.s32 s10, $0x1;
	s10 =	sld [smem:$0x3FAD];
	_ =	sdelay $0x3  }
0x34: {  	[smem:$0x3FAD] =	sst s10  }
0x35: {  	s10 =	sld [smem:$0x3FAC];
	_ =	sdelay $0x3  }
0x36: {  	p1 =	seq.s32 s10, $0x1;
	s10 =	sld [smem:$0x3FAD];
	_ =	sdelay $0x3  }
0x37: {  	[smem:$0x3FAD] =	sst s10  }
0x38: {  	s10 =	sld [smem:$0x3FAE]  }
0x39: {  	_ = 	snop;
	(pc) =	sbr.ind lr, $3  }
0x3a: {  	_ = 	snop  }
0x3b: {  	_ = 	snop  }
0x3c: {  	p2 =	seq.s32 s10, $0x1;
	s10 =	sld [smem:$0x3FAD]  }
0x3d: {  	_ =	shalt  }
0x3e: {  	_ =	shalt  }
0x3f: {  	_ =	shalt  }
0x40: {  	_ =	shalt  }
0x41: {  	_ =	shalt  }
0x42: {  	_ =	shalt  }
0x43: {  	_ =	shalt  }
0x44: {  	_ =	shalt  }
0x45: {  	_ =	shalt  }
0x46: {  	_ =	shalt  }
0x47: {  	_ =	shalt  }
0x48: {  	_ =	shalt  }
0x49: {  	_ =	shalt  }
0x4a: {  	_ =	shalt  }
0x4b: {  	_ =	shalt  }
0x4c: {  	_ =	shalt  }
0x4d: {  	_ =	shalt  }
0x4e: {  	_ =	shalt  }
0x4f: {  	_ =	shalt  }
0x50: {  	_ =	shalt  }
0x51: {  	_ =	shalt  }
0x52: {  	_ =	shalt  }
0x53: {  	_ =	shalt  }
0x54: {  	_ =	shalt  }
0x55: {  	_ =	shalt  }
0x56: {  	_ =	shalt  }
0x57: {  	_ =	shalt  }
0x58: {  	_ =	shalt  }
0x59: {  	_ =	shalt  }
0x5a: {  	_ =	shalt  }
0x5b: {  	_ =	shalt  }
0x5c: {  	_ =	shalt  }
0x5d: {  	_ =	shalt  }
0x5e: {  	_ =	shalt  }
0x5f: {  	_ =	shalt  }
0x60: {  	_ =	shalt  }
0x61: {  	_ =	shalt  }
0x62: {  	_ =	shalt  }
0x63: {  	_ =	shalt  }
0x64: {  	_ =	shalt  }
0x65: {  	_ =	shalt  }
0x66: {  	_ =	shalt  }
0x67: {  	_ =	shalt  }
0x68: {  	_ =	shalt  }
0x69: {  	_ =	shalt  }
0x6a: {  	_ =	shalt  }
0x6b: {  	_ =	shalt  }
0x6c: {  	_ =	shalt  }
0x6d: {  	_ =	shalt  }
0x6e: {  	_ =	shalt  }
0x6f: {  	_ =	shalt  }
0x70: {  	_ =	shalt  }
0x71: {  	_ =	shalt  }
0x72: {  	_ =	shalt  }
0x73: {  	_ =	shalt  }
0x74: {  	_ =	shalt  }
0x75: {  	_ =	shalt  }
0x76: {  	_ =	shalt  }
0x77: {  	_ =	shalt  }
0x78: {  	_ =	shalt  }
0x79: {  	_ =	shalt  }
0x7a: {  	_ =	shalt  }
0x7b: {  	_ =	shalt  }
0x7c: {  	_ =	shalt  }
0x7d: {  	_ =	shalt  }
0x7e: {  	_ =	shalt  }
0x7f: {  	_ =	shalt  }
0x80: {  	_ =	shalt  }
0x81: {  	_ =	shalt  }
0x82: {  	_ =	shalt  }
0x83: {  	_ =	shalt  }
0x84: {  	_ =	shalt  }
0x85: {  	_ =	shalt  }
0x86: {  	_ =	shalt  }
0x87: {  	_ =	shalt  }
.Lfunc_end0:
.L_simem_size_0:
called_computation.4_lowered:
.L_overlay_start_0:
0x88: {  	s2 =	sld [smem:$0x3FD9]  }
0x89: {  	s3 =	sld [smem:$0x3FFE];
	_ =	sdelay $0x1  }
0x8a: {  	s1 =	srdreg.scid  }
0x8b: {  	s0 =	sand.u32 $0x1, s1  }
0x8c: {  	s16 =	sshll.u32 s0, $0xA;
	s2 =	sadd.s32 s3, s2  }
0x8d: {  	s2 =	sadd.s32 s2, s16  }
0x8e: {  	[smem:$0x3FB9] =	sst s2  }
0x8f: {  	_ = 	snop  }
0x90: {  	(tm) =	ssettm $0x1  }
0x91: {  	s17 =	sld [smem:$0x3FFB];
	_ =	sdelay $0x3  }
0x92: {  	_ =	strace s17  }
0x93: {  	s2 =	sld [smem:$0x3FFC];
	_ =	sdelay $0x3  }
0x94: {  	_ =	strace s2  }
0x95: {  	s2 =	sld [smem:$0x3FFD];
	_ =	sdelay $0x3  }
0x96: {  	_ =	strace s2  }
0x97: {  	_ =	strace $0x8FFFFFFF  }
0x98: {  	s18 =	sld [smem:$0x3FDB];
	_ =	sdelay $0x1  }
0x99: {  	s19 =	simm.s32 $_scs_section_size  }
0x9a: {  	s4 =	simm.s32 $_size__tile_overlayer_lowered;
	s5 =	simm.s32 $_tile_overlayer_lowered  }
0x9b: {  	s22 =	simm.s32 $0x1BFF;
	s21 =	sshll.u32 s5, $0x1;
	s2 =	sadd.s32 s19, s18  }
0x9c: {  	s6 =	simm.s32 $0x0;
	s20 =	sshll.u32 s4, $0x1;
	s4 =	sadd.s32 s21, s2  }
0x9d: {  	[timem:s6], [sflag:s22] =	dma.local [hbm:s4], s20  }
0x9e: {  	_ =	swait.ge [sflag:s22], s20  }
0x9f: {  	s3 =	ssub.s32 $0x0, s20;
	[sflag:s22] =	ssyncset.done $0x0  }
0xa0: {  	[sflag:s22] =	ssyncadd.s32 s3;
	_ =	sdelay $0x1  }
0xa1: {  	s23 =	simm.s32 $0x1B8B  }
0xa2: {  	_ =	swait.ge [sflag:s23], $0x1  }
0xa3: {  	[sflag:s23] =	ssyncset.done $0x0  }
0xa4: {  	s25 =	simm.s32 $0x1B8E;
	s24 =	sld [smem:$0x3FFE];
	[sflag:s23] =	ssyncadd.s32 $0xFFFFFFFF  }
0xa5: {  	s26 =	simm.s32 $execute0_lowered;
	[smem:$0x3FD2] =	sst s25  }
0xa6: {  	s4 =	sshll.u32 s26, $0x1;
	_ =	strace $0x80000052;
	[dreg:$0x1] =	wrdreg $0xFFFFFFFF  }
0xa7: {  	s28 =	simm.s32 $_size_execute0_lowered;
	s2 =	sadd.s32 s2, s4;
	[dreg:$0x0] =	wrdreg $0x0  }
0xa8: {  	s4 =	sshll.u32 s28, $0x1;
	[dreg:$0x2] =	wrdreg s2  }
0xa9: {  	[dreg:$0x3] =	wrdreg s4  }
0xaa: {  	[dreg:$0x4] =	wrdreg $0xC0  }
0xab: {  	_ =	task [dreg:s6], $0x5FFFF  }
0xac: {  	[dreg:$0x1] =	wrdreg $0xFFFFFFFF  }
0xad: {  	[dreg:$0x0] =	wrdreg $0x60  }
0xae: {  	[dreg:$0x2] =	wrdreg s24  }
0xaf: {  	[dreg:$0x3] =	wrdreg $0x70000  }
0xb0: {  	[dreg:$0x4] =	wrdreg $0x9  }
0xb1: {  	_ =	task.clear_ibuf [dreg:s6], $0x5FFFF;
	_ =	strace $0x90000052  }
0xb2: {  	s29 =	simm.s32 $0x9;
	_ =	strace $0x80000054  }
0xb3: {  	_ =	swait.ge [sflag:s29], $0x1  }
0xb4: {  	[sflag:s29] =	ssyncadd.s32 $0xFFFFFFFF  }
0xb5: {  	_ =	strace $0x90000054  }
0xb6: {  	_ =	sfence  }
0xb7: {  	s30 =	sld [smem:$0x0];
	_ =	sdelay $0x2  }
0xb8: {  	s31 =	sshll.u32 s1, $0xD;
	s1 =	sshrl.u32 s1, $0x2  }
0xb9: {  	s3 =	sand.u32 $0x4000, s31;
	s1 =	sadd.s32 s1, s30  }
0xba: {  	s0 =	sor.u32 s3, s0;
	s1 =	sshll.u32 s1, $0x11  }
0xbb: {  	s0 =	sor.u32 s1, s0  }
0xbc: {  	s0 =	sadd.s32 $0x8F2B, s0  }
0xbd: {  	[sflag:s0] =	ssyncadd.remote.s32 $0x1  }
0xbe: {  	_ =	sfence.sel $0xFFFF  }
0xbf: {  	[dreg:$0x0] =	wrdreg $0xFFFFFFFF;
	(pc) =	sbr.abs _section_cstart, $3  }
0xc0: {  	[dreg:$0x1] =	wrdreg $0xFFFFFFFF  }
0xc1: {  	_ =	task.clear_ibuf [dreg:s6], $0x2FFFF;
	_ =	strace $0x9FFFFFFF  }
0xc2: {  	(tm) =	ssettm $0x7FFFFFFF  }
0xc3: {  	_ =	shalt  }
tec
execute0_lowered:
.L_overlay_start_1:
0x0: {  	(tag) =	ssettag $0x1  }
0x1: {  	s6 =	rddreg [dreg:$0x0]  }
0x2: {  	s2 =	rddreg [dreg:$0x1]  }
0x3: {  	s0 =	rddreg [dreg:$0x2];
	s3 =	srdreg.scid  }
0x4: {  	s1 =	stileid.u32;
	s13 =	simm.s32 $0x2800;
	s14 =	simm.s32 $0x80  }
0x5: {  	s15 =	simm.s32 $0x5000;
	s16 =	simm.s32 $0x6000;
	s17 =	simm.s32 $0x1  }
0x6: {  	s18 =	simm.s32 $0x2;
	s19 =	simm.s32 $0x2780;
	s20 =	simm.s32 $0x4F00  }
0x7: {  	s21 =	simm.s32 $0x4F80;
	s22 =	simm.s32 $0x0;
	s5 =	sand.u32 $0x1, s3  }
0x8: {  	s4 =	sshll.u32 s1, $0x1;
	s7 =	smul.u32 $0xA000, s1;
	s3 =	simm.s32 $0x0  }
0x9: {  	s31 =	sshll.u32 s1, $0x6;
	s4 =	sor.u32 s5, s4;
	s8 =	smul.u32 $0xA0000, s5  }
0xa: {  	[smem:$0x7FF] =	sst s3;
	s10 =	ssub.s32 $0x2, s5;
	s5 =	sadd.s32 $0x2E000, s6  }
0xb: {  	s9 =	smul.u32 $0x500, s4;
	_ =	strace $0x80000053;
	s4 =	sadd.s32 $0x69A00, s6  }
0xc: {  	s29 =	sshrl.u32 s10, $0x1;
	s30 =	sshrl.u32 s7, $0x1;
	s8 =	sadd.s32 s7, s8  }
0xd: {  	s10 =	ssub.s32 s10, s29;
	s12 =	sadd.s32 s30, s2;
	s8 =	sshrl.u32 s8, $0x4  }
0xe: {  	s9 =	sadd.s32 s9, s6;
	s10 =	smax.u32 s10, $0x1;
	s11 =	sadd.s32 s8, s6  }
0xf: {  	s6 =	sor.u32 $0x1C03, s31;
	s7 =	sadd.s32 $0x5400, s9;
	s8 =	sadd.s32 $0x37A00, s9  }
0x10: {  	s9 =	sadd.s32 $0x73A00, s11;
	s11 =	sshrl.u32 s12, $0x3;
	s12 =	simm.s32 $0x3  }
.LBB2_1:
0x11: {  	[spmem:s11], [sflag:s6] =	dma.local [hbm:s5], $0xA00  }
0x12: {  	_ =	swait.ge [sflag:s12], $0xA00  }
0x13: {  	[sflag:s12] =	ssyncset.done $0x0  }
0x14: {  	[sflag:s12] =	ssyncadd.s32 $0xFFFFF600  }
0x15: {  	[tilespmem:s3], [sflag:$0x3] =	stream.linear.gather [hbm4b:s7+s3], $0x2800, $0x38;
	[tilespmem:$0xC000] =	vst v63  }
0x16: {  	_ =	swait.ge [sflag:s12], $0x2800  }
0x17: {  	[sflag:s12] =	ssyncset.done $0x0  }
0x18: {  	[sflag:s12] =	ssyncadd.s32 $0xFFFFD800  }
0x19: {  	[tilespmem:s13], [sflag:$0x3] =	stream.linear.gather [hbm4b:s8+s3], $0x2800, $0x38;
	[tilespmem:$0xC000] =	vst v63  }
0x1a: {  	_ =	swait.ge [sflag:s12], $0x2800  }
0x1b: {  	[sflag:s12] =	ssyncset.done $0x0  }
0x1c: {  	[sflag:s12] =	ssyncadd.s32 $0xFFFFD800  }
0x1d: {  	[bflag:$0x0] =	sbarrier.arrive $0xFFFF  }
0x1e: {  	[tilespmem:s15], [sflag:$0x1] =	stream.indirect.gather [hbm4b:s4+s14], $0x20, s3, s14, $0xb8;
	[tilespmem:$0xC000] =	vst v63  }
0x1f: {  	s23 =	simm.s32 $0x80  }
0x20: {  	[tilespmem:s16], [sflag:$0x2] =	stream.indirect.gather [hbm4b:s4+s14], $0x20, s23, s14, $0xb8;
	[tilespmem:$0xC000] =	vst v63  }
0x21: {  	_ =	swait.ge [sflag:s17], $0x1000  }
0x22: {  	[sflag:s17] =	ssyncset.done $0x0  }
0x23: {  	s29 =	simm.s32 $0x2800;
	[sflag:s17] =	ssyncadd.s32 $0xFFFFF000  }
0x24: {  	[spmem:s2] =	stream.indirect.scatter.add.bf16 [tilespmem:s15], [sflag:$0x3], $0x20, s29, s14, $0xb8;
	[tilespmem:$0xC000] =	vst v63  }
0x25: {  	_ =	swait.ge [sflag:s12], $0x1000  }
0x26: {  	[sflag:s12] =	ssyncset.done $0x0  }
0x27: {  	s30 =	simm.s32 $0x100;
	[sflag:s12] =	ssyncadd.s32 $0xFFFFF000  }
0x28: {  	[tilespmem:s15], [sflag:$0x1] =	stream.indirect.gather [hbm4b:s4+s14], $0x20, s30, s14, $0xb8;
	[tilespmem:$0xC000] =	vst v63  }
0x29: {  	_ =	swait.ge [sflag:s18], $0x1000  }
0x2a: {  	[sflag:s18] =	ssyncset.done $0x0  }
0x2b: {  	s31 =	simm.s32 $0x2880;
	[sflag:s18] =	ssyncadd.s32 $0xFFFFF000  }
0x2c: {  	[spmem:s2] =	stream.indirect.scatter.add.bf16 [tilespmem:s16], [sflag:$0x3], $0x20, s31, s14, $0xb8;
	[tilespmem:$0xC000] =	vst v63  }
0x2d: {  	_ =	swait.ge [sflag:s12], $0x1000  }
0x2e: {  	s24 =	simm.s32 $0x800;
	s23 =	simm.s32 $0x100;
	[sflag:s12] =	ssyncset.done $0x0  }
.LBB2_2:
0x2f: {  	s25 =	sadd.s32 $0x80, s23  }
0x30: {  	[sflag:s12] =	ssyncadd.s32 $0xFFFFF000;
	s26 =	smov.u32 s24;
	s28 =	sadd.s32 $0x400, s24  }
0x31: {  	[tilespmem:s16], [sflag:$0x2] =	stream.indirect.gather [hbm4b:s4+s14], $0x20, s25, s14, $0xb8;
	[tilespmem:$0xC000] =	vst v63  }
0x32: {  	p0 =	sne.s32 s24, $0x9800;
	_ =	swait.ge [sflag:s17], $0x1000  }
0x33: {  	[sflag:s17] =	ssyncset.done $0x0  }
0x34: {  	s24 =	sadd.s32 $0x2800, s23;
	[sflag:s17] =	ssyncadd.s32 $0xFFFFF000  }
0x35: {  	[spmem:s2] =	stream.indirect.scatter.add.bf16 [tilespmem:s15], [sflag:$0x3], $0x20, s24, s14, $0xb8;
	[tilespmem:$0xC000] =	vst v63  }
0x36: {  	_ =	swait.ge [sflag:s12], $0x1000  }
0x37: {  	[sflag:s12] =	ssyncset.done $0x0  }
0x38: {  	s24 =	sadd.s32 $0x100, s23;
	[sflag:s12] =	ssyncadd.s32 $0xFFFFF000  }
0x39: {  	[tilespmem:s15], [sflag:$0x1] =	stream.indirect.gather [hbm4b:s4+s14], $0x20, s24, s14, $0xb8;
	[tilespmem:$0xC000] =	vst v63  }
0x3a: {  	_ =	swait.ge [sflag:s18], $0x1000  }
.Ltmp0:
0x3b: {  	[sflag:s18] =	ssyncset.done $0x0;
	(pc) =	sbr.rel @p0 .LBB2_2-.Ltmp0, $4  }
0x3c: {  	s23 =	sadd.s32 $0x2880, s23;
	[sflag:s18] =	ssyncadd.s32 $0xFFFFF000  }
0x3d: {  	[spmem:s2] =	stream.indirect.scatter.add.bf16 [tilespmem:s16], [sflag:$0x3], $0x20, s23, s14, $0xb8;
	[tilespmem:$0xC000] =	vst v63  }
0x3e: {  	_ =	swait.ge [sflag:s12], $0x1000  }
0x3f: {  	s24 =	smov.u32 s28;
	s23 =	sshra.s32 s26, $0x2;
	[sflag:s12] =	ssyncset.done $0x0  }
0x40: {  	s24 =	sadd.s32 $0x80, s23;
	[sflag:s12] =	ssyncadd.s32 $0xFFFFF000  }
0x41: {  	[tilespmem:s16], [sflag:$0x2] =	stream.indirect.gather [hbm4b:s4+s14], $0x20, s24, s14, $0xb8;
	[tilespmem:$0xC000] =	vst v63  }
0x42: {  	_ =	swait.ge [sflag:s17], $0x1000  }
0x43: {  	[sflag:s17] =	ssyncset.done $0x0  }
0x44: {  	s29 =	sadd.s32 $0x2800, s23;
	[sflag:s17] =	ssyncadd.s32 $0xFFFFF000  }
0x45: {  	[spmem:s2] =	stream.indirect.scatter.add.bf16 [tilespmem:s15], [sflag:$0x3], $0x20, s29, s14, $0xb8;
	[tilespmem:$0xC000] =	vst v63  }
0x46: {  	_ =	swait.ge [sflag:s12], $0x1000  }
0x47: {  	[sflag:s12] =	ssyncset.done $0x0  }
0x48: {  	s30 =	sadd.s32 $0x100, s23;
	[sflag:s12] =	ssyncadd.s32 $0xFFFFF000  }
0x49: {  	[tilespmem:s15], [sflag:$0x1] =	stream.indirect.gather [hbm4b:s4+s14], $0x20, s30, s14, $0xb8;
	[tilespmem:$0xC000] =	vst v63  }
0x4a: {  	_ =	swait.ge [sflag:s18], $0x1000  }
0x4b: {  	[sflag:s18] =	ssyncset.done $0x0  }
0x4c: {  	s31 =	sadd.s32 $0x2880, s23;
	[sflag:s18] =	ssyncadd.s32 $0xFFFFF000  }
0x4d: {  	[spmem:s2] =	stream.indirect.scatter.add.bf16 [tilespmem:s16], [sflag:$0x3], $0x20, s31, s14, $0xb8;
	[tilespmem:$0xC000] =	vst v63  }
0x4e: {  	_ =	swait.ge [sflag:s12], $0x1000  }
0x4f: {  	[sflag:s12] =	ssyncset.done $0x0  }
0x50: {  	[sflag:s12] =	ssyncadd.s32 $0xFFFFF000  }
0x51: {  	[tilespmem:s16], [sflag:$0x2] =	stream.indirect.gather [hbm4b:s4+s14], $0x20, s19, s14, $0xb8;
	[tilespmem:$0xC000] =	vst v63  }
0x52: {  	_ =	swait.ge [sflag:s17], $0x1000  }
0x53: {  	[sflag:s17] =	ssyncset.done $0x0  }
0x54: {  	[sflag:s17] =	ssyncadd.s32 $0xFFFFF000  }
0x55: {  	[spmem:s2] =	stream.indirect.scatter.add.bf16 [tilespmem:s15], [sflag:$0x3], $0x20, s20, s14, $0xb8;
	[tilespmem:$0xC000] =	vst v63  }
0x56: {  	_ =	swait.ge [sflag:s12], $0x1000  }
0x57: {  	[sflag:s12] =	ssyncset.done $0x0  }
0x58: {  	[sflag:s12] =	ssyncadd.s32 $0xFFFFF000  }
0x59: {  	_ =	swait.ge [sflag:s18], $0x1000  }
0x5a: {  	[sflag:s18] =	ssyncset.done $0x0  }
0x5b: {  	[sflag:s18] =	ssyncadd.s32 $0xFFFFF000  }
0x5c: {  	[spmem:s2] =	stream.indirect.scatter.add.bf16 [tilespmem:s16], [sflag:$0x3], $0x20, s21, s14, $0xb8;
	[tilespmem:$0xC000] =	vst v63  }
0x5d: {  	_ =	swait.ge [sflag:s12], $0x1000  }
0x5e: {  	s22 =	sadd.s32 $0x1, s22;
	[sflag:s12] =	ssyncset.done $0x0  }
0x5f: {  	p0 =	sne.s32 s22, s10;
	[sflag:s12] =	ssyncadd.s32 $0xFFFFF000  }
.Ltmp1:
0x60: {  	[bflag:$0x0] =	sbarrier.arrive $0xFFFF;
	(pc) =	sbr.rel @p0 .LBB2_1-.Ltmp1, $4  }
0x61: {  	[hbm:s9], [sflag:s6] =	dma.local [spmem:s11], $0xA00  }
0x62: {  	_ =	swait.ge [sflag:s12], $0xA00  }
0x63: {  	[sflag:s12] =	ssyncset.done $0x0  }
0x64: {  	[sflag:s12] =	ssyncadd.s32 $0xFFFFF600  }
0x65: {  	_ =	sfence.sel $0x180000  }
0x66: {  	[bflag:$0x0] =	sbarrier.arrive $0xFFFF  }
0x67: {  	p0 =	sne.s32 s1, $0x0;
	_ =	strace $0x90000053  }
0x68: {  	s0 =	sadd.s32 @!p0 $0x100000, s0;
	[bflag:$0x2] =	sbarrier.arrive $0xFFFF  }
0x69: {  	[sflag:s0] =	ssyncadd.tile.s32 @!p0 $0x1;
	_ =	shalt  }
.Lfunc_end2:
_tile_overlayer_lowered:
.L_overlay_start_2:
0x6a: {  	(tag) =	ssettag $0x2  }
0x6b: {  	s0 =	rddreg [dreg:$0x0];
	s2 =	stileid.u32  }
0x6c: {  	s1 =	rddreg [dreg:$0x1];
	p0 =	sne.s32 s2, $0x0  }
0x6d: {  	s3 =	rddreg [dreg:$0x2];
	[bflag:$0x3] =	sbarrier.arrive $0xFFFF;
	s2 =	simm.s32 @!p0 $0x1C03  }
0x6e: {  	[timem:s3], [sflag:s2] =	dma.local @!p0 [hbm:s0], s1  }
0x6f: {  	s0 =	simm.s32 @!p0 $0x3  }
0x70: {  	_ =	swait.ge @!p0 [sflag:s0], s1  }
0x71: {  	s1 =	ssub.s32 @!p0 $0x0, s1;
	[sflag:s0] =	ssyncset.done @!p0 $0x0  }
0x72: {  	[sflag:s0] =	ssyncadd.s32 @!p0 s1  }
0x73: {  	[bflag:$0x3] =	sbarrier.arrive $0xFFFF  }
0x74: {  	_ =	shalt  }

</sc_bundles>
